<compile_context>
chip_gen: v7x
topology: tpu7x:2x2x1
jax: 0.10.2.dev20260603
libtpu: 0.0.44.dev20260713+nightly
codegen_flags: <defaults>
</compile_context>

<pallas_src>
import functools

import jax
import jax.numpy as jnp
from jax import lax
from jax.experimental import pallas as pl
from jax.experimental.pallas import tpu as pltpu
from jax.experimental.pallas import tpu_sc as plsc

_N = 10000
_E = 320000
_H = 128
_G = 64

_NC = 2
_NS = 16
_NW = _NC * _NS
_CHUNK = 80
_NCHUNK = 126
_EPT = _NCHUNK * _CHUNK
_EPAD = _NW * _EPT
_NBUF = 3
_NPAD = 10112
_RPT = _NPAD // _NS

_BLK = 1000
_NBLK = _N // _BLK


def _sc_aggregate(z, srcp, dstp, zero):
  mesh = plsc.VectorSubcoreMesh(
      core_axis_name="c", subcore_axis_name="s", num_cores=_NC,
      num_subcores=_NS)

  @functools.partial(
      pl.kernel,
      mesh=mesh,
      out_type=jax.ShapeDtypeStruct((_NC, _NPAD, _H), jnp.float32),
      scratch_types=[
          pltpu.VMEM_SHARED((_NPAD, _H), jnp.float32),
          pltpu.VMEM((_NCHUNK, _CHUNK), jnp.int32),
      ] + [pltpu.VMEM((_CHUNK,), jnp.int32) for _ in range(_NBUF)]
        + [pltpu.VMEM((_CHUNK, _H), jnp.float32) for _ in range(_NBUF)]
        + [pltpu.SemaphoreType.DMA for _ in range(3 * _NBUF + 1)],
  )
  def agg_kernel(z_hbm, src_hbm, dst_hbm, zero_hbm, out_hbm,
                 acc, didx, *rest):
    sidx = rest[:_NBUF]
    rows = rest[_NBUF:2 * _NBUF]
    gsems = rest[2 * _NBUF:3 * _NBUF]
    ssems = rest[3 * _NBUF:4 * _NBUF]
    isems = rest[4 * _NBUF:5 * _NBUF]
    zsem = rest[5 * _NBUF]
    cid = lax.axis_index("c")
    sid = lax.axis_index("s")
    wid = sid * _NC + cid
    row0 = sid * _RPT
    pltpu.async_copy(zero_hbm.at[pl.ds(row0, _RPT)],
                     acc.at[pl.ds(row0, _RPT)], zsem)
    ebase = wid * _EPT
    pltpu.async_copy(dst_hbm.at[wid], didx, isems[0])
    for b in range(_NBUF):
      pltpu.async_copy(src_hbm.at[pl.ds(ebase + b * _CHUNK, _CHUNK)],
                       sidx[b], isems[b])
    pltpu.make_async_copy(dst_hbm.at[wid], didx, isems[0]).wait()
    for b in range(_NBUF):
      pltpu.make_async_copy(src_hbm.at[pl.ds(ebase + b * _CHUNK, _CHUNK)],
                            sidx[b], isems[b]).wait()
    pltpu.make_async_copy(zero_hbm.at[pl.ds(row0, _RPT)],
                          acc.at[pl.ds(row0, _RPT)], zsem).wait()
    plsc.subcore_barrier()

    for b in range(_NBUF):
      pltpu.async_copy(z_hbm.at[sidx[b]], rows[b], gsems[b])

    @pl.loop(0, _NCHUNK - _NBUF, step=_NBUF)
    def _(cc):
      for b in range(_NBUF):
        c = cc + b
        pltpu.make_async_copy(z_hbm.at[sidx[b]], rows[b], gsems[b]).wait()
        pltpu.async_copy(
            src_hbm.at[pl.ds(ebase + (c + _NBUF) * _CHUNK, _CHUNK)],
            sidx[b], isems[b])
        pltpu.sync_copy(rows[b], acc.at[didx.at[c]], add=True)
        pltpu.make_async_copy(
            src_hbm.at[pl.ds(ebase + (c + _NBUF) * _CHUNK, _CHUNK)],
            sidx[b], isems[b]).wait()
        pltpu.async_copy(z_hbm.at[sidx[b]], rows[b], gsems[b])

    for b in range(_NBUF):
      c = _NCHUNK - _NBUF + b
      pltpu.make_async_copy(z_hbm.at[sidx[b]], rows[b], gsems[b]).wait()
      pltpu.sync_copy(rows[b], acc.at[didx.at[c]], add=True)

    plsc.subcore_barrier()
    pltpu.sync_copy(acc.at[pl.ds(row0, _RPT)],
                    out_hbm.at[cid, pl.ds(row0, _RPT)])

  return agg_kernel(z, srcp, dstp, zero)


def _mlp_body(z_ref, a0_ref, a1_ref, wa_ref, ba_ref, wb_ref, bb_ref,
              y_ref, s1_ref, s2_ref):
  i = pl.program_id(0)
  h = z_ref[...] + a0_ref[...] + a1_ref[...]
  u = jnp.maximum(
      jnp.dot(h, wa_ref[...], preferred_element_type=jnp.float32)
      + ba_ref[...], 0.0)
  y = jnp.maximum(
      jnp.dot(u, wb_ref[...], preferred_element_type=jnp.float32)
      + bb_ref[...], 0.0)
  y_ref[...] = y

  @pl.when(i == 0)
  def _():
    s1_ref[...] = jnp.zeros_like(s1_ref)
    s2_ref[...] = jnp.zeros_like(s2_ref)

  s1_ref[...] += jnp.sum(y, axis=0, keepdims=True)
  s2_ref[...] += jnp.sum(y * y, axis=0, keepdims=True)


def _mlp_call(z, a0, a1, wa, ba, wb, bb):
  full = pl.BlockSpec((1, _H), lambda i: (0, 0))
  wfull = pl.BlockSpec((_H, _H), lambda i: (0, 0))
  rows = pl.BlockSpec((_BLK, _H), lambda i: (i, 0))
  return pl.pallas_call(
      _mlp_body,
      grid=(_NBLK,),
      in_specs=[rows, rows, rows, wfull, full, wfull, full],
      out_specs=[rows, full, full],
      out_shape=[
          jax.ShapeDtypeStruct((_N, _H), jnp.float32),
          jax.ShapeDtypeStruct((1, _H), jnp.float32),
          jax.ShapeDtypeStruct((1, _H), jnp.float32),
      ],
  )(z, a0, a1, wa, ba, wb, bb)


def _bn_pool_body(y_ref, s1_ref, s2_ref, gm_ref, bt_ref, seg_ref,
                  z_ref, g_ref):
  i = pl.program_id(0)
  mu = s1_ref[...] * (1.0 / _N)
  var = s2_ref[...] * (1.0 / _N) - mu * mu
  a = gm_ref[...] / jnp.sqrt(var + 1e-5)
  b = bt_ref[...] - mu * a
  z = y_ref[...] * a + b
  z_ref[...] = z

  seg = seg_ref[0]
  gid = lax.broadcasted_iota(jnp.int32, (_G, _BLK), 0)
  onehot = (gid == seg).astype(jnp.float32)

  @pl.when(i == 0)
  def _():
    g_ref[...] = jnp.zeros_like(g_ref)

  g_ref[...] += jnp.dot(onehot, z, preferred_element_type=jnp.float32,
                        precision=lax.Precision.HIGHEST)


def _bn_pool_call(y, s1, s2, gm, bt, seg3):
  full = pl.BlockSpec((1, _H), lambda i: (0, 0))
  rows = pl.BlockSpec((_BLK, _H), lambda i: (i, 0))
  return pl.pallas_call(
      _bn_pool_body,
      grid=(_NBLK,),
      in_specs=[
          rows, full, full, full, full,
          pl.BlockSpec((1, 1, _BLK), lambda i: (i, 0, 0)),
      ],
      out_specs=[rows, pl.BlockSpec((_G, _H), lambda i: (0, 0))],
      out_shape=[
          jax.ShapeDtypeStruct((_N, _H), jnp.float32),
          jax.ShapeDtypeStruct((_G, _H), jnp.float32),
      ],
  )(y, s1, s2, gm, bt, seg3)


def kernel(x, edge_index, batch, W0a, b0a, W0b, b0b, gamma0, beta0,
           W1a, b1a, W1b, b1b, gamma1, beta1,
           W2a, b2a, W2b, b2b, gamma2, beta2):
  src = edge_index[0]
  dst = edge_index[1]
  npad_e = _EPAD - _E
  srcp = jnp.concatenate([src, jnp.zeros((npad_e,), jnp.int32)])
  pad_dst = _N + jnp.arange(npad_e, dtype=jnp.int32) % (_NPAD - _N)
  dstp = jnp.concatenate([dst, pad_dst]).reshape(_NW, _NCHUNK, _CHUNK)
  zero = jnp.zeros((_NPAD, _H), jnp.float32)
  seg3 = batch.reshape(_NBLK, 1, _BLK)
  params = [
      (W0a, b0a, W0b, b0b, gamma0, beta0),
      (W1a, b1a, W1b, b1b, gamma1, beta1),
      (W2a, b2a, W2b, b2b, gamma2, beta2),
  ]
  z = x
  zs = []
  gs = []
  for wa, ba, wb, bb, gm, bt in params:
    acc = _sc_aggregate(z, srcp, dstp, zero)
    y, s1, s2 = _mlp_call(z, acc[0, :_N], acc[1, :_N], wa, ba.reshape(1, _H),
                          wb, bb.reshape(1, _H))
    z, g = _bn_pool_call(y, s1, s2, gm.reshape(1, _H), bt.reshape(1, _H),
                         seg3)
    zs.append(z)
    gs.append(g)
  return jnp.concatenate(zs, axis=1), jnp.concatenate(gs, axis=1)

# --- scband reference (transcript-rebuilt; emitter-appended) ---
"""Pipeline reference for scband-gconv-86998857548306 (READ-ONLY COPY).

The authoritative reference and input builder live on the scoring server;
editing this copy changes nothing except your own understanding.
"""

import jax, jax.numpy as jnp
import numpy as np

N = 10000
E = 320000
D = 128
H = 128
L = 3
G = 64


def setup_inputs(seed: int = 0) -> dict:
    key = jax.random.key(seed)
    ks = jax.random.split(key, 4 + 6 * L)
    inp = {}
    inp["x"] = jax.random.normal(ks[0], (N, D), dtype=jnp.float32)
    inp["edge_index"] = jax.random.randint(ks[1], (2, E), 0, N, dtype=jnp.int32)
    inp["batch"] = jnp.sort(jax.random.randint(ks[2], (N,), 0, G, dtype=jnp.int32))
    for l in range(L):
        din = D if l == 0 else H
        sa = 1.0 / np.sqrt(din)
        sb = 1.0 / np.sqrt(H)
        base = 3 + 6 * l
        inp[f"W{l}a"] = jax.random.uniform(ks[base + 0], (din, H), minval=-sa, maxval=sa, dtype=jnp.float32)
        inp[f"b{l}a"] = jax.random.uniform(ks[base + 1], (H,), minval=-sa, maxval=sa, dtype=jnp.float32)
        inp[f"W{l}b"] = jax.random.uniform(ks[base + 2], (H, H), minval=-sb, maxval=sb, dtype=jnp.float32)
        inp[f"b{l}b"] = jax.random.uniform(ks[base + 3], (H,), minval=-sb, maxval=sb, dtype=jnp.float32)
        inp[f"gamma{l}"] = jnp.ones((H,), dtype=jnp.float32)
        inp[f"beta{l}"] = jnp.zeros((H,), dtype=jnp.float32)
    return inp


def _gin_conv(z, src, dst, Wa, ba, Wb, bb):
    # GINConv with eps=0: MLP((1+eps)*x + sum_{j in N(i)} x_j)
    agg = jnp.zeros(z.shape, z.dtype).at[dst].add(z[src])
    h = z + agg
    h = jax.nn.relu(h @ Wa + ba)
    h = h @ Wb + bb
    return h


def _batch_norm(h, gamma, beta, eps=1e-5):
    mu = h.mean(axis=0)
    var = h.var(axis=0)
    return (h - mu) / jnp.sqrt(var + eps) * gamma + beta


def reference(x, edge_index, batch, W0a, b0a, W0b, b0b, gamma0, beta0, W1a, b1a, W1b, b1b, gamma1, beta1, W2a, b2a, W2b, b2b, gamma2, beta2):
    src = edge_index[0]
    dst = edge_index[1]
    params = [
        (W0a, b0a, W0b, b0b, gamma0, beta0),
        (W1a, b1a, W1b, b1b, gamma1, beta1),
        (W2a, b2a, W2b, b2b, gamma2, beta2),
    ]
    z = x
    zs = []
    for Wa, ba, Wb, bb, gm, bt in params:
        z = _gin_conv(z, src, dst, Wa, ba, Wb, bb)
        z = jax.nn.relu(z)
        z = _batch_norm(z, gm, bt)
        zs.append(z)
    gs = [jax.ops.segment_sum(zz, batch, num_segments=G) for zz in zs]
    z_cat = jnp.concatenate(zs, axis=1)
    g_cat = jnp.concatenate(gs, axis=1)
    return (z_cat, g_cat)

if __name__ == "__main__":
    import jax
    _d = setup_inputs()
    print(jax.jit(kernel)(*tuple(_d.values())))

</pallas_src>

<mosaic_0001>
#map = affine_map<(d0, d1) -> (0, 0)>
#map1 = affine_map<(d0, d1) -> (0)>
#map2 = affine_map<(d0, d1) -> (0, 0, 0)>
module attributes {stable_mosaic.version = 14 : i64} {
  func.func @agg_kernel(%arg0: i32, %arg1: i32, %arg2: memref<10000x128xf32, #tpu.memory_space<hbm>>, %arg3: memref<322560xi32, #tpu.memory_space<hbm>>, %arg4: memref<32x126x80xi32, #tpu.memory_space<hbm>>, %arg5: memref<10112x128xf32, #tpu.memory_space<hbm>>, %arg6: memref<2x10112x128xf32, #tpu.memory_space<hbm>>, %arg7: memref<10112x128xf32, #tpu.memory_space<vmem_shared>>, %arg8: memref<126x80xi32, #tpu.memory_space<vmem>>, %arg9: memref<80xi32, #tpu.memory_space<vmem>>, %arg10: memref<80xi32, #tpu.memory_space<vmem>>, %arg11: memref<80xi32, #tpu.memory_space<vmem>>, %arg12: memref<80x128xf32, #tpu.memory_space<vmem>>, %arg13: memref<80x128xf32, #tpu.memory_space<vmem>>, %arg14: memref<80x128xf32, #tpu.memory_space<vmem>>, %arg15: memref<!tpu.dma_semaphore, #tpu.memory_space<semaphore_mem>>, %arg16: memref<!tpu.dma_semaphore, #tpu.memory_space<semaphore_mem>>, %arg17: memref<!tpu.dma_semaphore, #tpu.memory_space<semaphore_mem>>, %arg18: memref<!tpu.dma_semaphore, #tpu.memory_space<semaphore_mem>>, %arg19: memref<!tpu.dma_semaphore, #tpu.memory_space<semaphore_mem>>, %arg20: memref<!tpu.dma_semaphore, #tpu.memory_space<semaphore_mem>>, %arg21: memref<!tpu.dma_semaphore, #tpu.memory_space<semaphore_mem>>, %arg22: memref<!tpu.dma_semaphore, #tpu.memory_space<semaphore_mem>>, %arg23: memref<!tpu.dma_semaphore, #tpu.memory_space<semaphore_mem>>, %arg24: memref<!tpu.dma_semaphore, #tpu.memory_space<semaphore_mem>>) attributes {dimension_semantics = [#tpu.dimension_semantics<core_parallel>, #tpu.dimension_semantics<subcore_parallel>], iteration_bounds = array<i64: 2, 16>, scalar_prefetch = 0 : i64, scratch_operands = 18 : i64, tpu.core_type = #tpu.core_type<sc_vector_subcore>, window_params = [{transform_indices = #map}, {transform_indices = #map1}, {transform_indices = #map2}, {transform_indices = #map}, {transform_indices = #map2}]} {
    %mul3A = arith.constant 2 : i32
    %mul3A_0 = arith.muli %arg1, %mul3A : i32
    %add3A = arith.addi %mul3A_0, %arg0 : i32
    %mul3A_1 = arith.constant 632 : i32
    %mul3A_2 = arith.muli %arg1, %mul3A_1 : i32
    %dma_start3A = arith.constant 0 : i32
    %dma_start3A_3 = tpu.memref_slice %arg7[%mul3A_2, %dma_start3A] : memref<10112x128xf32, #tpu.memory_space<vmem_shared>> -> memref<632x128xf32, #tpu.memory_space<vmem_shared>>
    %dma_start3A_4 = arith.constant 0 : i32
    %dma_start3A_5 = tpu.memref_slice %arg5[%mul3A_2, %dma_start3A_4] : memref<10112x128xf32, #tpu.memory_space<hbm>> -> memref<632x128xf32, #tpu.memory_space<hbm>>
    tpu.enqueue_dma source(%dma_start3A_5 : memref<632x128xf32, #tpu.memory_space<hbm>>) target(%dma_start3A_3 : memref<632x128xf32, #tpu.memory_space<vmem_shared>>) target_semaphore(%arg24 : memref<!tpu.dma_semaphore, #tpu.memory_space<semaphore_mem>>)
    %mul3A_6 = arith.constant 10080 : i32
    %mul3A_7 = arith.muli %add3A, %mul3A_6 : i32
    %dma_start3A_8 = arith.constant 0 : i32
    %dma_start3A_9 = arith.constant 0 : i32
    %dma_start3A_10 = tpu.memref_slice %arg4[%add3A, %dma_start3A_8, %dma_start3A_9] : memref<32x126x80xi32, #tpu.memory_space<hbm>> -> memref<1x126x80xi32, #tpu.memory_space<hbm>>
    %dma_start3A_11 = tpu.memref_squeeze %dma_start3A_10 : memref<1x126x80xi32, #tpu.memory_space<hbm>> -> memref<126x80xi32, #tpu.memory_space<hbm>>
    %dma_start3A_12 = arith.constant 0 : i32
    %dma_start3A_13 = arith.constant 0 : i32
    %dma_start3A_14 = tpu.memref_slice %arg4[%add3A, %dma_start3A_12, %dma_start3A_13] : memref<32x126x80xi32, #tpu.memory_space<hbm>> -> memref<1x126x80xi32, #tpu.memory_space<hbm>>
    %dma_start3A_15 = tpu.memref_squeeze %dma_start3A_14 : memref<1x126x80xi32, #tpu.memory_space<hbm>> -> memref<126x80xi32, #tpu.memory_space<hbm>>
    tpu.enqueue_dma source(%dma_start3A_15 : memref<126x80xi32, #tpu.memory_space<hbm>>) target(%arg8 : memref<126x80xi32, #tpu.memory_space<vmem>>) target_semaphore(%arg21 : memref<!tpu.dma_semaphore, #tpu.memory_space<semaphore_mem>>)
    %add3A_16 = arith.constant 0 : i32
    %add3A_17 = arith.addi %mul3A_7, %add3A_16 : i32
    %dma_start3A_18 = tpu.memref_slice %arg3[%add3A_17] : memref<322560xi32, #tpu.memory_space<hbm>> -> memref<80xi32, #tpu.memory_space<hbm>>
    %dma_start3A_19 = tpu.memref_slice %arg3[%add3A_17] : memref<322560xi32, #tpu.memory_space<hbm>> -> memref<80xi32, #tpu.memory_space<hbm>>
    tpu.enqueue_dma source(%dma_start3A_19 : memref<80xi32, #tpu.memory_space<hbm>>) target(%arg9 : memref<80xi32, #tpu.memory_space<vmem>>) target_semaphore(%arg21 : memref<!tpu.dma_semaphore, #tpu.memory_space<semaphore_mem>>)
    %add3A_20 = arith.constant 80 : i32
    %add3A_21 = arith.addi %mul3A_7, %add3A_20 : i32
    %dma_start3A_22 = tpu.memref_slice %arg3[%add3A_21] : memref<322560xi32, #tpu.memory_space<hbm>> -> memref<80xi32, #tpu.memory_space<hbm>>
    %dma_start3A_23 = tpu.memref_slice %arg3[%add3A_21] : memref<322560xi32, #tpu.memory_space<hbm>> -> memref<80xi32, #tpu.memory_space<hbm>>
    tpu.enqueue_dma source(%dma_start3A_23 : memref<80xi32, #tpu.memory_space<hbm>>) target(%arg10 : memref<80xi32, #tpu.memory_space<vmem>>) target_semaphore(%arg22 : memref<!tpu.dma_semaphore, #tpu.memory_space<semaphore_mem>>)
    %add3A_24 = arith.constant 160 : i32
    %add3A_25 = arith.addi %mul3A_7, %add3A_24 : i32
    %dma_start3A_26 = tpu.memref_slice %arg3[%add3A_25] : memref<322560xi32, #tpu.memory_space<hbm>> -> memref<80xi32, #tpu.memory_space<hbm>>
    %dma_start3A_27 = tpu.memref_slice %arg3[%add3A_25] : memref<322560xi32, #tpu.memory_space<hbm>> -> memref<80xi32, #tpu.memory_space<hbm>>
    tpu.enqueue_dma source(%dma_start3A_27 : memref<80xi32, #tpu.memory_space<hbm>>) target(%arg11 : memref<80xi32, #tpu.memory_space<vmem>>) target_semaphore(%arg23 : memref<!tpu.dma_semaphore, #tpu.memory_space<semaphore_mem>>)
    %dma_wait3A = arith.constant 0 : i32
    %dma_wait3A_28 = arith.constant 0 : i32
    %dma_wait3A_29 = tpu.memref_slice %arg4[%add3A, %dma_wait3A, %dma_wait3A_28] : memref<32x126x80xi32, #tpu.memory_space<hbm>> -> memref<1x126x80xi32, #tpu.memory_space<hbm>>
    %dma_wait3A_30 = tpu.memref_squeeze %dma_wait3A_29 : memref<1x126x80xi32, #tpu.memory_space<hbm>> -> memref<126x80xi32, #tpu.memory_space<hbm>>
    %dma_wait3A_31 = arith.constant 0 : i32
    %dma_wait3A_32 = arith.constant 0 : i32
    %dma_wait3A_33 = tpu.memref_slice %arg4[%add3A, %dma_wait3A_31, %dma_wait3A_32] : memref<32x126x80xi32, #tpu.memory_space<hbm>> -> memref<1x126x80xi32, #tpu.memory_space<hbm>>
    %dma_wait3A_34 = tpu.memref_squeeze %dma_wait3A_33 : memref<1x126x80xi32, #tpu.memory_space<hbm>> -> memref<126x80xi32, #tpu.memory_space<hbm>>
    tpu.wait_dma2 semaphore(%arg21 : memref<!tpu.dma_semaphore, #tpu.memory_space<semaphore_mem>>) src(%dma_wait3A_34 : memref<126x80xi32, #tpu.memory_space<hbm>>) dst(%arg8 : memref<126x80xi32, #tpu.memory_space<vmem>>)
    %add3A_35 = arith.constant 0 : i32
    %add3A_36 = arith.addi %mul3A_7, %add3A_35 : i32
    %dma_wait3A_37 = tpu.memref_slice %arg3[%add3A_36] : memref<322560xi32, #tpu.memory_space<hbm>> -> memref<80xi32, #tpu.memory_space<hbm>>
    %dma_wait3A_38 = tpu.memref_slice %arg3[%add3A_36] : memref<322560xi32, #tpu.memory_space<hbm>> -> memref<80xi32, #tpu.memory_space<hbm>>
    tpu.wait_dma2 semaphore(%arg21 : memref<!tpu.dma_semaphore, #tpu.memory_space<semaphore_mem>>) src(%dma_wait3A_38 : memref<80xi32, #tpu.memory_space<hbm>>) dst(%arg9 : memref<80xi32, #tpu.memory_space<vmem>>)
    %add3A_39 = arith.constant 80 : i32
    %add3A_40 = arith.addi %mul3A_7, %add3A_39 : i32
    %dma_wait3A_41 = tpu.memref_slice %arg3[%add3A_40] : memref<322560xi32, #tpu.memory_space<hbm>> -> memref<80xi32, #tpu.memory_space<hbm>>
    %dma_wait3A_42 = tpu.memref_slice %arg3[%add3A_40] : memref<322560xi32, #tpu.memory_space<hbm>> -> memref<80xi32, #tpu.memory_space<hbm>>
    tpu.wait_dma2 semaphore(%arg22 : memref<!tpu.dma_semaphore, #tpu.memory_space<semaphore_mem>>) src(%dma_wait3A_42 : memref<80xi32, #tpu.memory_space<hbm>>) dst(%arg10 : memref<80xi32, #tpu.memory_space<vmem>>)
    %add3A_43 = arith.constant 160 : i32
    %add3A_44 = arith.addi %mul3A_7, %add3A_43 : i32
    %dma_wait3A_45 = tpu.memref_slice %arg3[%add3A_44] : memref<322560xi32, #tpu.memory_space<hbm>> -> memref<80xi32, #tpu.memory_space<hbm>>
    %dma_wait3A_46 = tpu.memref_slice %arg3[%add3A_44] : memref<322560xi32, #tpu.memory_space<hbm>> -> memref<80xi32, #tpu.memory_space<hbm>>
    tpu.wait_dma2 semaphore(%arg23 : memref<!tpu.dma_semaphore, #tpu.memory_space<semaphore_mem>>) src(%dma_wait3A_46 : memref<80xi32, #tpu.memory_space<hbm>>) dst(%arg11 : memref<80xi32, #tpu.memory_space<vmem>>)
    %dma_wait3A_47 = arith.constant 0 : i32
    %dma_wait3A_48 = tpu.memref_slice %arg7[%mul3A_2, %dma_wait3A_47] : memref<10112x128xf32, #tpu.memory_space<vmem_shared>> -> memref<632x128xf32, #tpu.memory_space<vmem_shared>>
    %dma_wait3A_49 = arith.constant 0 : i32
    %dma_wait3A_50 = tpu.memref_slice %arg5[%mul3A_2, %dma_wait3A_49] : memref<10112x128xf32, #tpu.memory_space<hbm>> -> memref<632x128xf32, #tpu.memory_space<hbm>>
    tpu.wait_dma2 semaphore(%arg24 : memref<!tpu.dma_semaphore, #tpu.memory_space<semaphore_mem>>) src(%dma_wait3A_50 : memref<632x128xf32, #tpu.memory_space<hbm>>) dst(%dma_wait3A_48 : memref<632x128xf32, #tpu.memory_space<vmem_shared>>)
    %barrier3A = arith.constant 0 : index
    tpu.barrier barrier_id(%barrier3A)
    %dma_start3A_51 = arith.constant 0 : i32
    %dma_start3A_52 = arith.constant 0 : i32
    %dma_start3A_53 = tpu.memref_slice %arg2[%dma_start3A_51, %dma_start3A_52] : memref<10000x128xf32, #tpu.memory_space<hbm>> -> memref<10000x128xf32, #tpu.memory_space<hbm>>
    tpu.enqueue_indirect_dma source(%dma_start3A_53 : memref<10000x128xf32, #tpu.memory_space<hbm>>) target(%arg12 : memref<80x128xf32, #tpu.memory_space<vmem>>) offsets(%arg9 : memref<80xi32, #tpu.memory_space<vmem>>) semaphore(%arg15 : memref<!tpu.dma_semaphore, #tpu.memory_space<semaphore_mem>>)
    %dma_start3A_54 = arith.constant 0 : i32
    %dma_start3A_55 = arith.constant 0 : i32
    %dma_start3A_56 = tpu.memref_slice %arg2[%dma_start3A_54, %dma_start3A_55] : memref<10000x128xf32, #tpu.memory_space<hbm>> -> memref<10000x128xf32, #tpu.memory_space<hbm>>
    tpu.enqueue_indirect_dma source(%dma_start3A_56 : memref<10000x128xf32, #tpu.memory_space<hbm>>) target(%arg13 : memref<80x128xf32, #tpu.memory_space<vmem>>) offsets(%arg10 : memref<80xi32, #tpu.memory_space<vmem>>) semaphore(%arg16 : memref<!tpu.dma_semaphore, #tpu.memory_space<semaphore_mem>>)
    %dma_start3A_57 = arith.constant 0 : i32
    %dma_start3A_58 = arith.constant 0 : i32
    %dma_start3A_59 = tpu.memref_slice %arg2[%dma_start3A_57, %dma_start3A_58] : memref<10000x128xf32, #tpu.memory_space<hbm>> -> memref<10000x128xf32, #tpu.memory_space<hbm>>
    tpu.enqueue_indirect_dma source(%dma_start3A_59 : memref<10000x128xf32, #tpu.memory_space<hbm>>) target(%arg14 : memref<80x128xf32, #tpu.memory_space<vmem>>) offsets(%arg11 : memref<80xi32, #tpu.memory_space<vmem>>) semaphore(%arg17 : memref<!tpu.dma_semaphore, #tpu.memory_space<semaphore_mem>>)
    %scan3A = arith.constant 0 : i32
    %scan3A_60 = arith.constant 41 : i32
    %scan3A_61 = arith.addi %scan3A, %scan3A_60 : i32
    %scan3A_62 = arith.constant 1 : i32
    scf.for %scan3A_76 = %scan3A to %scan3A_61 step %scan3A_62  : i32 {
      %mul3A_77 = arith.constant 3 : i32
      %mul3A_78 = arith.muli %scan3A_76, %mul3A_77 : i32
      %add3A_79 = arith.constant 0 : i32
      %add3A_80 = arith.addi %add3A_79, %mul3A_78 : i32
      %add3A_81 = arith.constant 0 : i32
      %add3A_82 = arith.addi %add3A_80, %add3A_81 : i32
      %dma_wait3A_83 = arith.constant 0 : i32
      %dma_wait3A_84 = arith.constant 0 : i32
      %dma_wait3A_85 = tpu.memref_slice %arg2[%dma_wait3A_83, %dma_wait3A_84] : memref<10000x128xf32, #tpu.memory_space<hbm>> -> memref<10000x128xf32, #tpu.memory_space<hbm>>
      tpu.wait_indirect_dma semaphore(%arg15 : memref<!tpu.dma_semaphore, #tpu.memory_space<semaphore_mem>>) src(%dma_wait3A_85 : memref<10000x128xf32, #tpu.memory_space<hbm>>) dst(%arg12 : memref<80x128xf32, #tpu.memory_space<vmem>>)
      %add3A_86 = arith.constant 3 : i32
      %add3A_87 = arith.addi %add3A_82, %add3A_86 : i32
      %mul3A_88 = arith.constant 80 : i32
      %mul3A_89 = arith.muli %add3A_87, %mul3A_88 : i32
      %add3A_90 = arith.addi %mul3A_7, %mul3A_89 : i32
      %dma_start3A_91 = tpu.memref_slice %arg3[%add3A_90] : memref<322560xi32, #tpu.memory_space<hbm>> -> memref<80xi32, #tpu.memory_space<hbm>>
      %dma_start3A_92 = tpu.memref_slice %arg3[%add3A_90] : memref<322560xi32, #tpu.memory_space<hbm>> -> memref<80xi32, #tpu.memory_space<hbm>>
      tpu.enqueue_dma source(%dma_start3A_92 : memref<80xi32, #tpu.memory_space<hbm>>) target(%arg9 : memref<80xi32, #tpu.memory_space<vmem>>) target_semaphore(%arg21 : memref<!tpu.dma_semaphore, #tpu.memory_space<semaphore_mem>>)
      "tpu.region"() ({
        %run_scoped3A_147 = tpu.sem_alloc : memref<!tpu.dma_semaphore, #tpu.memory_space<semaphore_mem>>
        %dma_start3A_148 = arith.constant 0 : i32
        %dma_start3A_149 = tpu.memref_slice %arg8[%add3A_82, %dma_start3A_148] : memref<126x80xi32, #tpu.memory_space<vmem>> -> memref<1x80xi32, #tpu.memory_space<vmem>>
        %dma_start3A_150 = tpu.memref_squeeze %dma_start3A_149 : memref<1x80xi32, #tpu.memory_space<vmem>> -> memref<80xi32, #tpu.memory_space<vmem>>
        %dma_start3A_151 = arith.constant 0 : i32
        %dma_start3A_152 = arith.constant 0 : i32
        %dma_start3A_153 = tpu.memref_slice %arg7[%dma_start3A_151, %dma_start3A_152] : memref<10112x128xf32, #tpu.memory_space<vmem_shared>> -> memref<10112x128xf32, #tpu.memory_space<vmem_shared>>
        tpu.enqueue_indirect_dma source(%arg12 : memref<80x128xf32, #tpu.memory_space<vmem>>) target(%dma_start3A_153 : memref<10112x128xf32, #tpu.memory_space<vmem_shared>>) offsets(%dma_start3A_150 : memref<80xi32, #tpu.memory_space<vmem>>) semaphore(%run_scoped3A_147 : memref<!tpu.dma_semaphore, #tpu.memory_space<semaphore_mem>>) {add = true}
        %dma_wait3A_154 = arith.constant 0 : i32
        %dma_wait3A_155 = tpu.memref_slice %arg8[%add3A_82, %dma_wait3A_154] : memref<126x80xi32, #tpu.memory_space<vmem>> -> memref<1x80xi32, #tpu.memory_space<vmem>>
        %dma_wait3A_156 = tpu.memref_squeeze %dma_wait3A_155 : memref<1x80xi32, #tpu.memory_space<vmem>> -> memref<80xi32, #tpu.memory_space<vmem>>
        %dma_wait3A_157 = arith.constant 0 : i32
        %dma_wait3A_158 = arith.constant 0 : i32
        %dma_wait3A_159 = tpu.memref_slice %arg7[%dma_wait3A_157, %dma_wait3A_158] : memref<10112x128xf32, #tpu.memory_space<vmem_shared>> -> memref<10112x128xf32, #tpu.memory_space<vmem_shared>>
        tpu.wait_indirect_dma semaphore(%run_scoped3A_147 : memref<!tpu.dma_semaphore, #tpu.memory_space<semaphore_mem>>) src(%arg12 : memref<80x128xf32, #tpu.memory_space<vmem>>) dst(%dma_wait3A_159 : memref<10112x128xf32, #tpu.memory_space<vmem_shared>>)
        tpu.yield
      }) : () -> ()
      %add3A_93 = arith.constant 3 : i32
      %add3A_94 = arith.addi %add3A_82, %add3A_93 : i32
      %mul3A_95 = arith.constant 80 : i32
      %mul3A_96 = arith.muli %add3A_94, %mul3A_95 : i32
      %add3A_97 = arith.addi %mul3A_7, %mul3A_96 : i32
      %dma_wait3A_98 = tpu.memref_slice %arg3[%add3A_97] : memref<322560xi32, #tpu.memory_space<hbm>> -> memref<80xi32, #tpu.memory_space<hbm>>
      %dma_wait3A_99 = tpu.memref_slice %arg3[%add3A_97] : memref<322560xi32, #tpu.memory_space<hbm>> -> memref<80xi32, #tpu.memory_space<hbm>>
      tpu.wait_dma2 semaphore(%arg21 : memref<!tpu.dma_semaphore, #tpu.memory_space<semaphore_mem>>) src(%dma_wait3A_99 : memref<80xi32, #tpu.memory_space<hbm>>) dst(%arg9 : memref<80xi32, #tpu.memory_space<vmem>>)
      %dma_start3A_100 = arith.constant 0 : i32
      %dma_start3A_101 = arith.constant 0 : i32
      %dma_start3A_102 = tpu.memref_slice %arg2[%dma_start3A_100, %dma_start3A_101] : memref<10000x128xf32, #tpu.memory_space<hbm>> -> memref<10000x128xf32, #tpu.memory_space<hbm>>
      tpu.enqueue_indirect_dma source(%dma_start3A_102 : memref<10000x128xf32, #tpu.memory_space<hbm>>) target(%arg12 : memref<80x128xf32, #tpu.memory_space<vmem>>) offsets(%arg9 : memref<80xi32, #tpu.memory_space<vmem>>) semaphore(%arg15 : memref<!tpu.dma_semaphore, #tpu.memory_space<semaphore_mem>>)
      %add3A_103 = arith.constant 1 : i32
      %add3A_104 = arith.addi %add3A_80, %add3A_103 : i32
      %dma_wait3A_105 = arith.constant 0 : i32
      %dma_wait3A_106 = arith.constant 0 : i32
      %dma_wait3A_107 = tpu.memref_slice %arg2[%dma_wait3A_105, %dma_wait3A_106] : memref<10000x128xf32, #tpu.memory_space<hbm>> -> memref<10000x128xf32, #tpu.memory_space<hbm>>
      tpu.wait_indirect_dma semaphore(%arg16 : memref<!tpu.dma_semaphore, #tpu.memory_space<semaphore_mem>>) src(%dma_wait3A_107 : memref<10000x128xf32, #tpu.memory_space<hbm>>) dst(%arg13 : memref<80x128xf32, #tpu.memory_space<vmem>>)
      %add3A_108 = arith.constant 3 : i32
      %add3A_109 = arith.addi %add3A_104, %add3A_108 : i32
      %mul3A_110 = arith.constant 80 : i32
      %mul3A_111 = arith.muli %add3A_109, %mul3A_110 : i32
      %add3A_112 = arith.addi %mul3A_7, %mul3A_111 : i32
      %dma_start3A_113 = tpu.memref_slice %arg3[%add3A_112] : memref<322560xi32, #tpu.memory_space<hbm>> -> memref<80xi32, #tpu.memory_space<hbm>>
      %dma_start3A_114 = tpu.memref_slice %arg3[%add3A_112] : memref<322560xi32, #tpu.memory_space<hbm>> -> memref<80xi32, #tpu.memory_space<hbm>>
      tpu.enqueue_dma source(%dma_start3A_114 : memref<80xi32, #tpu.memory_space<hbm>>) target(%arg10 : memref<80xi32, #tpu.memory_space<vmem>>) target_semaphore(%arg22 : memref<!tpu.dma_semaphore, #tpu.memory_space<semaphore_mem>>)
      "tpu.region"() ({
        %run_scoped3A_147 = tpu.sem_alloc : memref<!tpu.dma_semaphore, #tpu.memory_space<semaphore_mem>>
        %dma_start3A_148 = arith.constant 0 : i32
        %dma_start3A_149 = tpu.memref_slice %arg8[%add3A_104, %dma_start3A_148] : memref<126x80xi32, #tpu.memory_space<vmem>> -> memref<1x80xi32, #tpu.memory_space<vmem>>
        %dma_start3A_150 = tpu.memref_squeeze %dma_start3A_149 : memref<1x80xi32, #tpu.memory_space<vmem>> -> memref<80xi32, #tpu.memory_space<vmem>>
        %dma_start3A_151 = arith.constant 0 : i32
        %dma_start3A_152 = arith.constant 0 : i32
        %dma_start3A_153 = tpu.memref_slice %arg7[%dma_start3A_151, %dma_start3A_152] : memref<10112x128xf32, #tpu.memory_space<vmem_shared>> -> memref<10112x128xf32, #tpu.memory_space<vmem_shared>>
        tpu.enqueue_indirect_dma source(%arg13 : memref<80x128xf32, #tpu.memory_space<vmem>>) target(%dma_start3A_153 : memref<10112x128xf32, #tpu.memory_space<vmem_shared>>) offsets(%dma_start3A_150 : memref<80xi32, #tpu.memory_space<vmem>>) semaphore(%run_scoped3A_147 : memref<!tpu.dma_semaphore, #tpu.memory_space<semaphore_mem>>) {add = true}
        %dma_wait3A_154 = arith.constant 0 : i32
        %dma_wait3A_155 = tpu.memref_slice %arg8[%add3A_104, %dma_wait3A_154] : memref<126x80xi32, #tpu.memory_space<vmem>> -> memref<1x80xi32, #tpu.memory_space<vmem>>
        %dma_wait3A_156 = tpu.memref_squeeze %dma_wait3A_155 : memref<1x80xi32, #tpu.memory_space<vmem>> -> memref<80xi32, #tpu.memory_space<vmem>>
        %dma_wait3A_157 = arith.constant 0 : i32
        %dma_wait3A_158 = arith.constant 0 : i32
        %dma_wait3A_159 = tpu.memref_slice %arg7[%dma_wait3A_157, %dma_wait3A_158] : memref<10112x128xf32, #tpu.memory_space<vmem_shared>> -> memref<10112x128xf32, #tpu.memory_space<vmem_shared>>
        tpu.wait_indirect_dma semaphore(%run_scoped3A_147 : memref<!tpu.dma_semaphore, #tpu.memory_space<semaphore_mem>>) src(%arg13 : memref<80x128xf32, #tpu.memory_space<vmem>>) dst(%dma_wait3A_159 : memref<10112x128xf32, #tpu.memory_space<vmem_shared>>)
        tpu.yield
      }) : () -> ()
      %add3A_115 = arith.constant 3 : i32
      %add3A_116 = arith.addi %add3A_104, %add3A_115 : i32
      %mul3A_117 = arith.constant 80 : i32
      %mul3A_118 = arith.muli %add3A_116, %mul3A_117 : i32
      %add3A_119 = arith.addi %mul3A_7, %mul3A_118 : i32
      %dma_wait3A_120 = tpu.memref_slice %arg3[%add3A_119] : memref<322560xi32, #tpu.memory_space<hbm>> -> memref<80xi32, #tpu.memory_space<hbm>>
      %dma_wait3A_121 = tpu.memref_slice %arg3[%add3A_119] : memref<322560xi32, #tpu.memory_space<hbm>> -> memref<80xi32, #tpu.memory_space<hbm>>
      tpu.wait_dma2 semaphore(%arg22 : memref<!tpu.dma_semaphore, #tpu.memory_space<semaphore_mem>>) src(%dma_wait3A_121 : memref<80xi32, #tpu.memory_space<hbm>>) dst(%arg10 : memref<80xi32, #tpu.memory_space<vmem>>)
      %dma_start3A_122 = arith.constant 0 : i32
      %dma_start3A_123 = arith.constant 0 : i32
      %dma_start3A_124 = tpu.memref_slice %arg2[%dma_start3A_122, %dma_start3A_123] : memref<10000x128xf32, #tpu.memory_space<hbm>> -> memref<10000x128xf32, #tpu.memory_space<hbm>>
      tpu.enqueue_indirect_dma source(%dma_start3A_124 : memref<10000x128xf32, #tpu.memory_space<hbm>>) target(%arg13 : memref<80x128xf32, #tpu.memory_space<vmem>>) offsets(%arg10 : memref<80xi32, #tpu.memory_space<vmem>>) semaphore(%arg16 : memref<!tpu.dma_semaphore, #tpu.memory_space<semaphore_mem>>)
      %add3A_125 = arith.constant 2 : i32
      %add3A_126 = arith.addi %add3A_80, %add3A_125 : i32
      %dma_wait3A_127 = arith.constant 0 : i32
      %dma_wait3A_128 = arith.constant 0 : i32
      %dma_wait3A_129 = tpu.memref_slice %arg2[%dma_wait3A_127, %dma_wait3A_128] : memref<10000x128xf32, #tpu.memory_space<hbm>> -> memref<10000x128xf32, #tpu.memory_space<hbm>>
      tpu.wait_indirect_dma semaphore(%arg17 : memref<!tpu.dma_semaphore, #tpu.memory_space<semaphore_mem>>) src(%dma_wait3A_129 : memref<10000x128xf32, #tpu.memory_space<hbm>>) dst(%arg14 : memref<80x128xf32, #tpu.memory_space<vmem>>)
      %add3A_130 = arith.constant 3 : i32
      %add3A_131 = arith.addi %add3A_126, %add3A_130 : i32
      %mul3A_132 = arith.constant 80 : i32
      %mul3A_133 = arith.muli %add3A_131, %mul3A_132 : i32
      %add3A_134 = arith.addi %mul3A_7, %mul3A_133 : i32
      %dma_start3A_135 = tpu.memref_slice %arg3[%add3A_134] : memref<322560xi32, #tpu.memory_space<hbm>> -> memref<80xi32, #tpu.memory_space<hbm>>
      %dma_start3A_136 = tpu.memref_slice %arg3[%add3A_134] : memref<322560xi32, #tpu.memory_space<hbm>> -> memref<80xi32, #tpu.memory_space<hbm>>
      tpu.enqueue_dma source(%dma_start3A_136 : memref<80xi32, #tpu.memory_space<hbm>>) target(%arg11 : memref<80xi32, #tpu.memory_space<vmem>>) target_semaphore(%arg23 : memref<!tpu.dma_semaphore, #tpu.memory_space<semaphore_mem>>)
      "tpu.region"() ({
        %run_scoped3A_147 = tpu.sem_alloc : memref<!tpu.dma_semaphore, #tpu.memory_space<semaphore_mem>>
        %dma_start3A_148 = arith.constant 0 : i32
        %dma_start3A_149 = tpu.memref_slice %arg8[%add3A_126, %dma_start3A_148] : memref<126x80xi32, #tpu.memory_space<vmem>> -> memref<1x80xi32, #tpu.memory_space<vmem>>
        %dma_start3A_150 = tpu.memref_squeeze %dma_start3A_149 : memref<1x80xi32, #tpu.memory_space<vmem>> -> memref<80xi32, #tpu.memory_space<vmem>>
        %dma_start3A_151 = arith.constant 0 : i32
        %dma_start3A_152 = arith.constant 0 : i32
        %dma_start3A_153 = tpu.memref_slice %arg7[%dma_start3A_151, %dma_start3A_152] : memref<10112x128xf32, #tpu.memory_space<vmem_shared>> -> memref<10112x128xf32, #tpu.memory_space<vmem_shared>>
        tpu.enqueue_indirect_dma source(%arg14 : memref<80x128xf32, #tpu.memory_space<vmem>>) target(%dma_start3A_153 : memref<10112x128xf32, #tpu.memory_space<vmem_shared>>) offsets(%dma_start3A_150 : memref<80xi32, #tpu.memory_space<vmem>>) semaphore(%run_scoped3A_147 : memref<!tpu.dma_semaphore, #tpu.memory_space<semaphore_mem>>) {add = true}
        %dma_wait3A_154 = arith.constant 0 : i32
        %dma_wait3A_155 = tpu.memref_slice %arg8[%add3A_126, %dma_wait3A_154] : memref<126x80xi32, #tpu.memory_space<vmem>> -> memref<1x80xi32, #tpu.memory_space<vmem>>
        %dma_wait3A_156 = tpu.memref_squeeze %dma_wait3A_155 : memref<1x80xi32, #tpu.memory_space<vmem>> -> memref<80xi32, #tpu.memory_space<vmem>>
        %dma_wait3A_157 = arith.constant 0 : i32
        %dma_wait3A_158 = arith.constant 0 : i32
        %dma_wait3A_159 = tpu.memref_slice %arg7[%dma_wait3A_157, %dma_wait3A_158] : memref<10112x128xf32, #tpu.memory_space<vmem_shared>> -> memref<10112x128xf32, #tpu.memory_space<vmem_shared>>
        tpu.wait_indirect_dma semaphore(%run_scoped3A_147 : memref<!tpu.dma_semaphore, #tpu.memory_space<semaphore_mem>>) src(%arg14 : memref<80x128xf32, #tpu.memory_space<vmem>>) dst(%dma_wait3A_159 : memref<10112x128xf32, #tpu.memory_space<vmem_shared>>)
        tpu.yield
      }) : () -> ()
      %add3A_137 = arith.constant 3 : i32
      %add3A_138 = arith.addi %add3A_126, %add3A_137 : i32
      %mul3A_139 = arith.constant 80 : i32
      %mul3A_140 = arith.muli %add3A_138, %mul3A_139 : i32
      %add3A_141 = arith.addi %mul3A_7, %mul3A_140 : i32
      %dma_wait3A_142 = tpu.memref_slice %arg3[%add3A_141] : memref<322560xi32, #tpu.memory_space<hbm>> -> memref<80xi32, #tpu.memory_space<hbm>>
      %dma_wait3A_143 = tpu.memref_slice %arg3[%add3A_141] : memref<322560xi32, #tpu.memory_space<hbm>> -> memref<80xi32, #tpu.memory_space<hbm>>
      tpu.wait_dma2 semaphore(%arg23 : memref<!tpu.dma_semaphore, #tpu.memory_space<semaphore_mem>>) src(%dma_wait3A_143 : memref<80xi32, #tpu.memory_space<hbm>>) dst(%arg11 : memref<80xi32, #tpu.memory_space<vmem>>)
      %dma_start3A_144 = arith.constant 0 : i32
      %dma_start3A_145 = arith.constant 0 : i32
      %dma_start3A_146 = tpu.memref_slice %arg2[%dma_start3A_144, %dma_start3A_145] : memref<10000x128xf32, #tpu.memory_space<hbm>> -> memref<10000x128xf32, #tpu.memory_space<hbm>>
      tpu.enqueue_indirect_dma source(%dma_start3A_146 : memref<10000x128xf32, #tpu.memory_space<hbm>>) target(%arg14 : memref<80x128xf32, #tpu.memory_space<vmem>>) offsets(%arg11 : memref<80xi32, #tpu.memory_space<vmem>>) semaphore(%arg17 : memref<!tpu.dma_semaphore, #tpu.memory_space<semaphore_mem>>)
    }
    %scan3A_63 = arith.constant 41 : i32
    %dma_wait3A_64 = arith.constant 0 : i32
    %dma_wait3A_65 = arith.constant 0 : i32
    %dma_wait3A_66 = tpu.memref_slice %arg2[%dma_wait3A_64, %dma_wait3A_65] : memref<10000x128xf32, #tpu.memory_space<hbm>> -> memref<10000x128xf32, #tpu.memory_space<hbm>>
    tpu.wait_indirect_dma semaphore(%arg15 : memref<!tpu.dma_semaphore, #tpu.memory_space<semaphore_mem>>) src(%dma_wait3A_66 : memref<10000x128xf32, #tpu.memory_space<hbm>>) dst(%arg12 : memref<80x128xf32, #tpu.memory_space<vmem>>)
    %run_scoped3A = arith.constant 123 : i32
    "tpu.region"() ({
      %run_scoped3A_76 = tpu.sem_alloc : memref<!tpu.dma_semaphore, #tpu.memory_space<semaphore_mem>>
      %dma_start3A_77 = arith.constant 0 : i32
      %dma_start3A_78 = tpu.memref_slice %arg8[%run_scoped3A, %dma_start3A_77] : memref<126x80xi32, #tpu.memory_space<vmem>> -> memref<1x80xi32, #tpu.memory_space<vmem>>
      %dma_start3A_79 = tpu.memref_squeeze %dma_start3A_78 : memref<1x80xi32, #tpu.memory_space<vmem>> -> memref<80xi32, #tpu.memory_space<vmem>>
      %dma_start3A_80 = arith.constant 0 : i32
      %dma_start3A_81 = arith.constant 0 : i32
      %dma_start3A_82 = tpu.memref_slice %arg7[%dma_start3A_80, %dma_start3A_81] : memref<10112x128xf32, #tpu.memory_space<vmem_shared>> -> memref<10112x128xf32, #tpu.memory_space<vmem_shared>>
      tpu.enqueue_indirect_dma source(%arg12 : memref<80x128xf32, #tpu.memory_space<vmem>>) target(%dma_start3A_82 : memref<10112x128xf32, #tpu.memory_space<vmem_shared>>) offsets(%dma_start3A_79 : memref<80xi32, #tpu.memory_space<vmem>>) semaphore(%run_scoped3A_76 : memref<!tpu.dma_semaphore, #tpu.memory_space<semaphore_mem>>) {add = true}
      %dma_wait3A_83 = arith.constant 0 : i32
      %dma_wait3A_84 = tpu.memref_slice %arg8[%run_scoped3A, %dma_wait3A_83] : memref<126x80xi32, #tpu.memory_space<vmem>> -> memref<1x80xi32, #tpu.memory_space<vmem>>
      %dma_wait3A_85 = tpu.memref_squeeze %dma_wait3A_84 : memref<1x80xi32, #tpu.memory_space<vmem>> -> memref<80xi32, #tpu.memory_space<vmem>>
      %dma_wait3A_86 = arith.constant 0 : i32
      %dma_wait3A_87 = arith.constant 0 : i32
      %dma_wait3A_88 = tpu.memref_slice %arg7[%dma_wait3A_86, %dma_wait3A_87] : memref<10112x128xf32, #tpu.memory_space<vmem_shared>> -> memref<10112x128xf32, #tpu.memory_space<vmem_shared>>
      tpu.wait_indirect_dma semaphore(%run_scoped3A_76 : memref<!tpu.dma_semaphore, #tpu.memory_space<semaphore_mem>>) src(%arg12 : memref<80x128xf32, #tpu.memory_space<vmem>>) dst(%dma_wait3A_88 : memref<10112x128xf32, #tpu.memory_space<vmem_shared>>)
      tpu.yield
    }) : () -> ()
    %dma_wait3A_67 = arith.constant 0 : i32
    %dma_wait3A_68 = arith.constant 0 : i32
    %dma_wait3A_69 = tpu.memref_slice %arg2[%dma_wait3A_67, %dma_wait3A_68] : memref<10000x128xf32, #tpu.memory_space<hbm>> -> memref<10000x128xf32, #tpu.memory_space<hbm>>
    tpu.wait_indirect_dma semaphore(%arg16 : memref<!tpu.dma_semaphore, #tpu.memory_space<semaphore_mem>>) src(%dma_wait3A_69 : memref<10000x128xf32, #tpu.memory_space<hbm>>) dst(%arg13 : memref<80x128xf32, #tpu.memory_space<vmem>>)
    %run_scoped3A_70 = arith.constant 124 : i32
    "tpu.region"() ({
      %run_scoped3A_76 = tpu.sem_alloc : memref<!tpu.dma_semaphore, #tpu.memory_space<semaphore_mem>>
      %dma_start3A_77 = arith.constant 0 : i32
      %dma_start3A_78 = tpu.memref_slice %arg8[%run_scoped3A_70, %dma_start3A_77] : memref<126x80xi32, #tpu.memory_space<vmem>> -> memref<1x80xi32, #tpu.memory_space<vmem>>
      %dma_start3A_79 = tpu.memref_squeeze %dma_start3A_78 : memref<1x80xi32, #tpu.memory_space<vmem>> -> memref<80xi32, #tpu.memory_space<vmem>>
      %dma_start3A_80 = arith.constant 0 : i32
      %dma_start3A_81 = arith.constant 0 : i32
      %dma_start3A_82 = tpu.memref_slice %arg7[%dma_start3A_80, %dma_start3A_81] : memref<10112x128xf32, #tpu.memory_space<vmem_shared>> -> memref<10112x128xf32, #tpu.memory_space<vmem_shared>>
      tpu.enqueue_indirect_dma source(%arg13 : memref<80x128xf32, #tpu.memory_space<vmem>>) target(%dma_start3A_82 : memref<10112x128xf32, #tpu.memory_space<vmem_shared>>) offsets(%dma_start3A_79 : memref<80xi32, #tpu.memory_space<vmem>>) semaphore(%run_scoped3A_76 : memref<!tpu.dma_semaphore, #tpu.memory_space<semaphore_mem>>) {add = true}
      %dma_wait3A_83 = arith.constant 0 : i32
      %dma_wait3A_84 = tpu.memref_slice %arg8[%run_scoped3A_70, %dma_wait3A_83] : memref<126x80xi32, #tpu.memory_space<vmem>> -> memref<1x80xi32, #tpu.memory_space<vmem>>
      %dma_wait3A_85 = tpu.memref_squeeze %dma_wait3A_84 : memref<1x80xi32, #tpu.memory_space<vmem>> -> memref<80xi32, #tpu.memory_space<vmem>>
      %dma_wait3A_86 = arith.constant 0 : i32
      %dma_wait3A_87 = arith.constant 0 : i32
      %dma_wait3A_88 = tpu.memref_slice %arg7[%dma_wait3A_86, %dma_wait3A_87] : memref<10112x128xf32, #tpu.memory_space<vmem_shared>> -> memref<10112x128xf32, #tpu.memory_space<vmem_shared>>
      tpu.wait_indirect_dma semaphore(%run_scoped3A_76 : memref<!tpu.dma_semaphore, #tpu.memory_space<semaphore_mem>>) src(%arg13 : memref<80x128xf32, #tpu.memory_space<vmem>>) dst(%dma_wait3A_88 : memref<10112x128xf32, #tpu.memory_space<vmem_shared>>)
      tpu.yield
    }) : () -> ()
    %dma_wait3A_71 = arith.constant 0 : i32
    %dma_wait3A_72 = arith.constant 0 : i32
    %dma_wait3A_73 = tpu.memref_slice %arg2[%dma_wait3A_71, %dma_wait3A_72] : memref<10000x128xf32, #tpu.memory_space<hbm>> -> memref<10000x128xf32, #tpu.memory_space<hbm>>
    tpu.wait_indirect_dma semaphore(%arg17 : memref<!tpu.dma_semaphore, #tpu.memory_space<semaphore_mem>>) src(%dma_wait3A_73 : memref<10000x128xf32, #tpu.memory_space<hbm>>) dst(%arg14 : memref<80x128xf32, #tpu.memory_space<vmem>>)
    %run_scoped3A_74 = arith.constant 125 : i32
    "tpu.region"() ({
      %run_scoped3A_76 = tpu.sem_alloc : memref<!tpu.dma_semaphore, #tpu.memory_space<semaphore_mem>>
      %dma_start3A_77 = arith.constant 0 : i32
      %dma_start3A_78 = tpu.memref_slice %arg8[%run_scoped3A_74, %dma_start3A_77] : memref<126x80xi32, #tpu.memory_space<vmem>> -> memref<1x80xi32, #tpu.memory_space<vmem>>
      %dma_start3A_79 = tpu.memref_squeeze %dma_start3A_78 : memref<1x80xi32, #tpu.memory_space<vmem>> -> memref<80xi32, #tpu.memory_space<vmem>>
      %dma_start3A_80 = arith.constant 0 : i32
      %dma_start3A_81 = arith.constant 0 : i32
      %dma_start3A_82 = tpu.memref_slice %arg7[%dma_start3A_80, %dma_start3A_81] : memref<10112x128xf32, #tpu.memory_space<vmem_shared>> -> memref<10112x128xf32, #tpu.memory_space<vmem_shared>>
      tpu.enqueue_indirect_dma source(%arg14 : memref<80x128xf32, #tpu.memory_space<vmem>>) target(%dma_start3A_82 : memref<10112x128xf32, #tpu.memory_space<vmem_shared>>) offsets(%dma_start3A_79 : memref<80xi32, #tpu.memory_space<vmem>>) semaphore(%run_scoped3A_76 : memref<!tpu.dma_semaphore, #tpu.memory_space<semaphore_mem>>) {add = true}
      %dma_wait3A_83 = arith.constant 0 : i32
      %dma_wait3A_84 = tpu.memref_slice %arg8[%run_scoped3A_74, %dma_wait3A_83] : memref<126x80xi32, #tpu.memory_space<vmem>> -> memref<1x80xi32, #tpu.memory_space<vmem>>
      %dma_wait3A_85 = tpu.memref_squeeze %dma_wait3A_84 : memref<1x80xi32, #tpu.memory_space<vmem>> -> memref<80xi32, #tpu.memory_space<vmem>>
      %dma_wait3A_86 = arith.constant 0 : i32
      %dma_wait3A_87 = arith.constant 0 : i32
      %dma_wait3A_88 = tpu.memref_slice %arg7[%dma_wait3A_86, %dma_wait3A_87] : memref<10112x128xf32, #tpu.memory_space<vmem_shared>> -> memref<10112x128xf32, #tpu.memory_space<vmem_shared>>
      tpu.wait_indirect_dma semaphore(%run_scoped3A_76 : memref<!tpu.dma_semaphore, #tpu.memory_space<semaphore_mem>>) src(%arg14 : memref<80x128xf32, #tpu.memory_space<vmem>>) dst(%dma_wait3A_88 : memref<10112x128xf32, #tpu.memory_space<vmem_shared>>)
      tpu.yield
    }) : () -> ()
    %barrier3A_75 = arith.constant 0 : index
    tpu.barrier barrier_id(%barrier3A_75)
    "tpu.region"() ({
      %run_scoped3A_76 = tpu.sem_alloc : memref<!tpu.dma_semaphore, #tpu.memory_space<semaphore_mem>>
      %dma_start3A_77 = arith.constant 0 : i32
      %dma_start3A_78 = tpu.memref_slice %arg6[%arg0, %mul3A_2, %dma_start3A_77] : memref<2x10112x128xf32, #tpu.memory_space<hbm>> -> memref<1x632x128xf32, #tpu.memory_space<hbm>>
      %dma_start3A_79 = tpu.memref_squeeze %dma_start3A_78 : memref<1x632x128xf32, #tpu.memory_space<hbm>> -> memref<632x128xf32, #tpu.memory_space<hbm>>
      %dma_start3A_80 = arith.constant 0 : i32
      %dma_start3A_81 = tpu.memref_slice %arg7[%mul3A_2, %dma_start3A_80] : memref<10112x128xf32, #tpu.memory_space<vmem_shared>> -> memref<632x128xf32, #tpu.memory_space<vmem_shared>>
      tpu.enqueue_dma source(%dma_start3A_81 : memref<632x128xf32, #tpu.memory_space<vmem_shared>>) target(%dma_start3A_79 : memref<632x128xf32, #tpu.memory_space<hbm>>) target_semaphore(%run_scoped3A_76 : memref<!tpu.dma_semaphore, #tpu.memory_space<semaphore_mem>>)
      %dma_wait3A_82 = arith.constant 0 : i32
      %dma_wait3A_83 = tpu.memref_slice %arg6[%arg0, %mul3A_2, %dma_wait3A_82] : memref<2x10112x128xf32, #tpu.memory_space<hbm>> -> memref<1x632x128xf32, #tpu.memory_space<hbm>>
      %dma_wait3A_84 = tpu.memref_squeeze %dma_wait3A_83 : memref<1x632x128xf32, #tpu.memory_space<hbm>> -> memref<632x128xf32, #tpu.memory_space<hbm>>
      %dma_wait3A_85 = arith.constant 0 : i32
      %dma_wait3A_86 = tpu.memref_slice %arg7[%mul3A_2, %dma_wait3A_85] : memref<10112x128xf32, #tpu.memory_space<vmem_shared>> -> memref<632x128xf32, #tpu.memory_space<vmem_shared>>
      tpu.wait_dma2 semaphore(%run_scoped3A_76 : memref<!tpu.dma_semaphore, #tpu.memory_space<semaphore_mem>>) src(%dma_wait3A_86 : memref<632x128xf32, #tpu.memory_space<vmem_shared>>) dst(%dma_wait3A_84 : memref<632x128xf32, #tpu.memory_space<hbm>>)
      tpu.yield
    }) : () -> ()
    return
  }
}

#map = affine_map<(d0, d1) -> (0, 0)>
#map1 = affine_map<(d0, d1) -> (0)>
#map2 = affine_map<(d0, d1) -> (0, 0, 0)>
module attributes {stable_mosaic.version = 14 : i64} {
  func.func @agg_kernel(%arg0: i32, %arg1: i32, %arg2: memref<10000x128xf32, #tpu.memory_space<hbm>>, %arg3: memref<322560xi32, #tpu.memory_space<hbm>>, %arg4: memref<32x126x80xi32, #tpu.memory_space<hbm>>, %arg5: memref<10112x128xf32, #tpu.memory_space<hbm>>, %arg6: memref<2x10112x128xf32, #tpu.memory_space<hbm>>, %arg7: memref<10112x128xf32, #tpu.memory_space<vmem_shared>>, %arg8: memref<126x80xi32, #tpu.memory_space<vmem>>, %arg9: memref<80xi32, #tpu.memory_space<vmem>>, %arg10: memref<80xi32, #tpu.memory_space<vmem>>, %arg11: memref<80xi32, #tpu.memory_space<vmem>>, %arg12: memref<80x128xf32, #tpu.memory_space<vmem>>, %arg13: memref<80x128xf32, #tpu.memory_space<vmem>>, %arg14: memref<80x128xf32, #tpu.memory_space<vmem>>, %arg15: memref<!tpu.dma_semaphore, #tpu.memory_space<semaphore_mem>>, %arg16: memref<!tpu.dma_semaphore, #tpu.memory_space<semaphore_mem>>, %arg17: memref<!tpu.dma_semaphore, #tpu.memory_space<semaphore_mem>>, %arg18: memref<!tpu.dma_semaphore, #tpu.memory_space<semaphore_mem>>, %arg19: memref<!tpu.dma_semaphore, #tpu.memory_space<semaphore_mem>>, %arg20: memref<!tpu.dma_semaphore, #tpu.memory_space<semaphore_mem>>, %arg21: memref<!tpu.dma_semaphore, #tpu.memory_space<semaphore_mem>>, %arg22: memref<!tpu.dma_semaphore, #tpu.memory_space<semaphore_mem>>, %arg23: memref<!tpu.dma_semaphore, #tpu.memory_space<semaphore_mem>>, %arg24: memref<!tpu.dma_semaphore, #tpu.memory_space<semaphore_mem>>) attributes {dimension_semantics = [#tpu.dimension_semantics<core_parallel>, #tpu.dimension_semantics<subcore_parallel>], iteration_bounds = array<i64: 2, 16>, scalar_prefetch = 0 : i64, scratch_operands = 18 : i64, tpu.core_type = #tpu.core_type<sc_vector_subcore>, window_params = [{transform_indices = #map}, {transform_indices = #map1}, {transform_indices = #map2}, {transform_indices = #map}, {transform_indices = #map2}]} {
    %mul3A = arith.constant 2 : i32
    %mul3A_0 = arith.muli %arg1, %mul3A : i32
    %add3A = arith.addi %mul3A_0, %arg0 : i32
    %mul3A_1 = arith.constant 632 : i32
    %mul3A_2 = arith.muli %arg1, %mul3A_1 : i32
    %dma_start3A = arith.constant 0 : i32
    %dma_start3A_3 = tpu.memref_slice %arg7[%mul3A_2, %dma_start3A] : memref<10112x128xf32, #tpu.memory_space<vmem_shared>> -> memref<632x128xf32, #tpu.memory_space<vmem_shared>>
    %dma_start3A_4 = arith.constant 0 : i32
    %dma_start3A_5 = tpu.memref_slice %arg5[%mul3A_2, %dma_start3A_4] : memref<10112x128xf32, #tpu.memory_space<hbm>> -> memref<632x128xf32, #tpu.memory_space<hbm>>
    tpu.enqueue_dma source(%dma_start3A_5 : memref<632x128xf32, #tpu.memory_space<hbm>>) target(%dma_start3A_3 : memref<632x128xf32, #tpu.memory_space<vmem_shared>>) target_semaphore(%arg24 : memref<!tpu.dma_semaphore, #tpu.memory_space<semaphore_mem>>)
    %mul3A_6 = arith.constant 10080 : i32
    %mul3A_7 = arith.muli %add3A, %mul3A_6 : i32
    %dma_start3A_8 = arith.constant 0 : i32
    %dma_start3A_9 = arith.constant 0 : i32
    %dma_start3A_10 = tpu.memref_slice %arg4[%add3A, %dma_start3A_8, %dma_start3A_9] : memref<32x126x80xi32, #tpu.memory_space<hbm>> -> memref<1x126x80xi32, #tpu.memory_space<hbm>>
    %dma_start3A_11 = tpu.memref_squeeze %dma_start3A_10 : memref<1x126x80xi32, #tpu.memory_space<hbm>> -> memref<126x80xi32, #tpu.memory_space<hbm>>
    %dma_start3A_12 = arith.constant 0 : i32
    %dma_start3A_13 = arith.constant 0 : i32
    %dma_start3A_14 = tpu.memref_slice %arg4[%add3A, %dma_start3A_12, %dma_start3A_13] : memref<32x126x80xi32, #tpu.memory_space<hbm>> -> memref<1x126x80xi32, #tpu.memory_space<hbm>>
    %dma_start3A_15 = tpu.memref_squeeze %dma_start3A_14 : memref<1x126x80xi32, #tpu.memory_space<hbm>> -> memref<126x80xi32, #tpu.memory_space<hbm>>
    tpu.enqueue_dma source(%dma_start3A_15 : memref<126x80xi32, #tpu.memory_space<hbm>>) target(%arg8 : memref<126x80xi32, #tpu.memory_space<vmem>>) target_semaphore(%arg21 : memref<!tpu.dma_semaphore, #tpu.memory_space<semaphore_mem>>)
    %add3A_16 = arith.constant 0 : i32
    %add3A_17 = arith.addi %mul3A_7, %add3A_16 : i32
    %dma_start3A_18 = tpu.memref_slice %arg3[%add3A_17] : memref<322560xi32, #tpu.memory_space<hbm>> -> memref<80xi32, #tpu.memory_space<hbm>>
    %dma_start3A_19 = tpu.memref_slice %arg3[%add3A_17] : memref<322560xi32, #tpu.memory_space<hbm>> -> memref<80xi32, #tpu.memory_space<hbm>>
    tpu.enqueue_dma source(%dma_start3A_19 : memref<80xi32, #tpu.memory_space<hbm>>) target(%arg9 : memref<80xi32, #tpu.memory_space<vmem>>) target_semaphore(%arg21 : memref<!tpu.dma_semaphore, #tpu.memory_space<semaphore_mem>>)
    %add3A_20 = arith.constant 80 : i32
    %add3A_21 = arith.addi %mul3A_7, %add3A_20 : i32
    %dma_start3A_22 = tpu.memref_slice %arg3[%add3A_21] : memref<322560xi32, #tpu.memory_space<hbm>> -> memref<80xi32, #tpu.memory_space<hbm>>
    %dma_start3A_23 = tpu.memref_slice %arg3[%add3A_21] : memref<322560xi32, #tpu.memory_space<hbm>> -> memref<80xi32, #tpu.memory_space<hbm>>
    tpu.enqueue_dma source(%dma_start3A_23 : memref<80xi32, #tpu.memory_space<hbm>>) target(%arg10 : memref<80xi32, #tpu.memory_space<vmem>>) target_semaphore(%arg22 : memref<!tpu.dma_semaphore, #tpu.memory_space<semaphore_mem>>)
    %add3A_24 = arith.constant 160 : i32
    %add3A_25 = arith.addi %mul3A_7, %add3A_24 : i32
    %dma_start3A_26 = tpu.memref_slice %arg3[%add3A_25] : memref<322560xi32, #tpu.memory_space<hbm>> -> memref<80xi32, #tpu.memory_space<hbm>>
    %dma_start3A_27 = tpu.memref_slice %arg3[%add3A_25] : memref<322560xi32, #tpu.memory_space<hbm>> -> memref<80xi32, #tpu.memory_space<hbm>>
    tpu.enqueue_dma source(%dma_start3A_27 : memref<80xi32, #tpu.memory_space<hbm>>) target(%arg11 : memref<80xi32, #tpu.memory_space<vmem>>) target_semaphore(%arg23 : memref<!tpu.dma_semaphore, #tpu.memory_space<semaphore_mem>>)
    %dma_wait3A = arith.constant 0 : i32
    %dma_wait3A_28 = arith.constant 0 : i32
    %dma_wait3A_29 = tpu.memref_slice %arg4[%add3A, %dma_wait3A, %dma_wait3A_28] : memref<32x126x80xi32, #tpu.memory_space<hbm>> -> memref<1x126x80xi32, #tpu.memory_space<hbm>>
    %dma_wait3A_30 = tpu.memref_squeeze %dma_wait3A_29 : memref<1x126x80xi32, #tpu.memory_space<hbm>> -> memref<126x80xi32, #tpu.memory_space<hbm>>
    %dma_wait3A_31 = arith.constant 0 : i32
    %dma_wait3A_32 = arith.constant 0 : i32
    %dma_wait3A_33 = tpu.memref_slice %arg4[%add3A, %dma_wait3A_31, %dma_wait3A_32] : memref<32x126x80xi32, #tpu.memory_space<hbm>> -> memref<1x126x80xi32, #tpu.memory_space<hbm>>
    %dma_wait3A_34 = tpu.memref_squeeze %dma_wait3A_33 : memref<1x126x80xi32, #tpu.memory_space<hbm>> -> memref<126x80xi32, #tpu.memory_space<hbm>>
    tpu.wait_dma2 semaphore(%arg21 : memref<!tpu.dma_semaphore, #tpu.memory_space<semaphore_mem>>) src(%dma_wait3A_34 : memref<126x80xi32, #tpu.memory_space<hbm>>) dst(%arg8 : memref<126x80xi32, #tpu.memory_space<vmem>>)
    %add3A_35 = arith.constant 0 : i32
    %add3A_36 = arith.addi %mul3A_7, %add3A_35 : i32
    %dma_wait3A_37 = tpu.memref_slice %arg3[%add3A_36] : memref<322560xi32, #tpu.memory_space<hbm>> -> memref<80xi32, #tpu.memory_space<hbm>>
    %dma_wait3A_38 = tpu.memref_slice %arg3[%add3A_36] : memref<322560xi32, #tpu.memory_space<hbm>> -> memref<80xi32, #tpu.memory_space<hbm>>
    tpu.wait_dma2 semaphore(%arg21 : memref<!tpu.dma_semaphore, #tpu.memory_space<semaphore_mem>>) src(%dma_wait3A_38 : memref<80xi32, #tpu.memory_space<hbm>>) dst(%arg9 : memref<80xi32, #tpu.memory_space<vmem>>)
    %add3A_39 = arith.constant 80 : i32
    %add3A_40 = arith.addi %mul3A_7, %add3A_39 : i32
    %dma_wait3A_41 = tpu.memref_slice %arg3[%add3A_40] : memref<322560xi32, #tpu.memory_space<hbm>> -> memref<80xi32, #tpu.memory_space<hbm>>
    %dma_wait3A_42 = tpu.memref_slice %arg3[%add3A_40] : memref<322560xi32, #tpu.memory_space<hbm>> -> memref<80xi32, #tpu.memory_space<hbm>>
    tpu.wait_dma2 semaphore(%arg22 : memref<!tpu.dma_semaphore, #tpu.memory_space<semaphore_mem>>) src(%dma_wait3A_42 : memref<80xi32, #tpu.memory_space<hbm>>) dst(%arg10 : memref<80xi32, #tpu.memory_space<vmem>>)
    %add3A_43 = arith.constant 160 : i32
    %add3A_44 = arith.addi %mul3A_7, %add3A_43 : i32
    %dma_wait3A_45 = tpu.memref_slice %arg3[%add3A_44] : memref<322560xi32, #tpu.memory_space<hbm>> -> memref<80xi32, #tpu.memory_space<hbm>>
    %dma_wait3A_46 = tpu.memref_slice %arg3[%add3A_44] : memref<322560xi32, #tpu.memory_space<hbm>> -> memref<80xi32, #tpu.memory_space<hbm>>
    tpu.wait_dma2 semaphore(%arg23 : memref<!tpu.dma_semaphore, #tpu.memory_space<semaphore_mem>>) src(%dma_wait3A_46 : memref<80xi32, #tpu.memory_space<hbm>>) dst(%arg11 : memref<80xi32, #tpu.memory_space<vmem>>)
    %dma_wait3A_47 = arith.constant 0 : i32
    %dma_wait3A_48 = tpu.memref_slice %arg7[%mul3A_2, %dma_wait3A_47] : memref<10112x128xf32, #tpu.memory_space<vmem_shared>> -> memref<632x128xf32, #tpu.memory_space<vmem_shared>>
    %dma_wait3A_49 = arith.constant 0 : i32
    %dma_wait3A_50 = tpu.memref_slice %arg5[%mul3A_2, %dma_wait3A_49] : memref<10112x128xf32, #tpu.memory_space<hbm>> -> memref<632x128xf32, #tpu.memory_space<hbm>>
    tpu.wait_dma2 semaphore(%arg24 : memref<!tpu.dma_semaphore, #tpu.memory_space<semaphore_mem>>) src(%dma_wait3A_50 : memref<632x128xf32, #tpu.memory_space<hbm>>) dst(%dma_wait3A_48 : memref<632x128xf32, #tpu.memory_space<vmem_shared>>)
    %barrier3A = arith.constant 0 : index
    tpu.barrier barrier_id(%barrier3A)
    %dma_start3A_51 = arith.constant 0 : i32
    %dma_start3A_52 = arith.constant 0 : i32
    %dma_start3A_53 = tpu.memref_slice %arg2[%dma_start3A_51, %dma_start3A_52] : memref<10000x128xf32, #tpu.memory_space<hbm>> -> memref<10000x128xf32, #tpu.memory_space<hbm>>
    tpu.enqueue_indirect_dma source(%dma_start3A_53 : memref<10000x128xf32, #tpu.memory_space<hbm>>) target(%arg12 : memref<80x128xf32, #tpu.memory_space<vmem>>) offsets(%arg9 : memref<80xi32, #tpu.memory_space<vmem>>) semaphore(%arg15 : memref<!tpu.dma_semaphore, #tpu.memory_space<semaphore_mem>>)
    %dma_start3A_54 = arith.constant 0 : i32
    %dma_start3A_55 = arith.constant 0 : i32
    %dma_start3A_56 = tpu.memref_slice %arg2[%dma_start3A_54, %dma_start3A_55] : memref<10000x128xf32, #tpu.memory_space<hbm>> -> memref<10000x128xf32, #tpu.memory_space<hbm>>
    tpu.enqueue_indirect_dma source(%dma_start3A_56 : memref<10000x128xf32, #tpu.memory_space<hbm>>) target(%arg13 : memref<80x128xf32, #tpu.memory_space<vmem>>) offsets(%arg10 : memref<80xi32, #tpu.memory_space<vmem>>) semaphore(%arg16 : memref<!tpu.dma_semaphore, #tpu.memory_space<semaphore_mem>>)
    %dma_start3A_57 = arith.constant 0 : i32
    %dma_start3A_58 = arith.constant 0 : i32
    %dma_start3A_59 = tpu.memref_slice %arg2[%dma_start3A_57, %dma_start3A_58] : memref<10000x128xf32, #tpu.memory_space<hbm>> -> memref<10000x128xf32, #tpu.memory_space<hbm>>
    tpu.enqueue_indirect_dma source(%dma_start3A_59 : memref<10000x128xf32, #tpu.memory_space<hbm>>) target(%arg14 : memref<80x128xf32, #tpu.memory_space<vmem>>) offsets(%arg11 : memref<80xi32, #tpu.memory_space<vmem>>) semaphore(%arg17 : memref<!tpu.dma_semaphore, #tpu.memory_space<semaphore_mem>>)
    %scan3A = arith.constant 0 : i32
    %scan3A_60 = arith.constant 41 : i32
    %scan3A_61 = arith.addi %scan3A, %scan3A_60 : i32
    %scan3A_62 = arith.constant 1 : i32
    scf.for %scan3A_76 = %scan3A to %scan3A_61 step %scan3A_62  : i32 {
      %mul3A_77 = arith.constant 3 : i32
      %mul3A_78 = arith.muli %scan3A_76, %mul3A_77 : i32
      %add3A_79 = arith.constant 0 : i32
      %add3A_80 = arith.addi %add3A_79, %mul3A_78 : i32
      %add3A_81 = arith.constant 0 : i32
      %add3A_82 = arith.addi %add3A_80, %add3A_81 : i32
      %dma_wait3A_83 = arith.constant 0 : i32
      %dma_wait3A_84 = arith.constant 0 : i32
      %dma_wait3A_85 = tpu.memref_slice %arg2[%dma_wait3A_83, %dma_wait3A_84] : memref<10000x128xf32, #tpu.memory_space<hbm>> -> memref<10000x128xf32, #tpu.memory_space<hbm>>
      tpu.wait_indirect_dma semaphore(%arg15 : memref<!tpu.dma_semaphore, #tpu.memory_space<semaphore_mem>>) src(%dma_wait3A_85 : memref<10000x128xf32, #tpu.memory_space<hbm>>) dst(%arg12 : memref<80x128xf32, #tpu.memory_space<vmem>>)
      %add3A_86 = arith.constant 3 : i32
      %add3A_87 = arith.addi %add3A_82, %add3A_86 : i32
      %mul3A_88 = arith.constant 80 : i32
      %mul3A_89 = arith.muli %add3A_87, %mul3A_88 : i32
      %add3A_90 = arith.addi %mul3A_7, %mul3A_89 : i32
      %dma_start3A_91 = tpu.memref_slice %arg3[%add3A_90] : memref<322560xi32, #tpu.memory_space<hbm>> -> memref<80xi32, #tpu.memory_space<hbm>>
      %dma_start3A_92 = tpu.memref_slice %arg3[%add3A_90] : memref<322560xi32, #tpu.memory_space<hbm>> -> memref<80xi32, #tpu.memory_space<hbm>>
      tpu.enqueue_dma source(%dma_start3A_92 : memref<80xi32, #tpu.memory_space<hbm>>) target(%arg9 : memref<80xi32, #tpu.memory_space<vmem>>) target_semaphore(%arg21 : memref<!tpu.dma_semaphore, #tpu.memory_space<semaphore_mem>>)
      "tpu.region"() ({
        %run_scoped3A_147 = tpu.sem_alloc : memref<!tpu.dma_semaphore, #tpu.memory_space<semaphore_mem>>
        %dma_start3A_148 = arith.constant 0 : i32
        %dma_start3A_149 = tpu.memref_slice %arg8[%add3A_82, %dma_start3A_148] : memref<126x80xi32, #tpu.memory_space<vmem>> -> memref<1x80xi32, #tpu.memory_space<vmem>>
        %dma_start3A_150 = tpu.memref_squeeze %dma_start3A_149 : memref<1x80xi32, #tpu.memory_space<vmem>> -> memref<80xi32, #tpu.memory_space<vmem>>
        %dma_start3A_151 = arith.constant 0 : i32
        %dma_start3A_152 = arith.constant 0 : i32
        %dma_start3A_153 = tpu.memref_slice %arg7[%dma_start3A_151, %dma_start3A_152] : memref<10112x128xf32, #tpu.memory_space<vmem_shared>> -> memref<10112x128xf32, #tpu.memory_space<vmem_shared>>
        tpu.enqueue_indirect_dma source(%arg12 : memref<80x128xf32, #tpu.memory_space<vmem>>) target(%dma_start3A_153 : memref<10112x128xf32, #tpu.memory_space<vmem_shared>>) offsets(%dma_start3A_150 : memref<80xi32, #tpu.memory_space<vmem>>) semaphore(%run_scoped3A_147 : memref<!tpu.dma_semaphore, #tpu.memory_space<semaphore_mem>>) {add = true}
        %dma_wait3A_154 = arith.constant 0 : i32
        %dma_wait3A_155 = tpu.memref_slice %arg8[%add3A_82, %dma_wait3A_154] : memref<126x80xi32, #tpu.memory_space<vmem>> -> memref<1x80xi32, #tpu.memory_space<vmem>>
        %dma_wait3A_156 = tpu.memref_squeeze %dma_wait3A_155 : memref<1x80xi32, #tpu.memory_space<vmem>> -> memref<80xi32, #tpu.memory_space<vmem>>
        %dma_wait3A_157 = arith.constant 0 : i32
        %dma_wait3A_158 = arith.constant 0 : i32
        %dma_wait3A_159 = tpu.memref_slice %arg7[%dma_wait3A_157, %dma_wait3A_158] : memref<10112x128xf32, #tpu.memory_space<vmem_shared>> -> memref<10112x128xf32, #tpu.memory_space<vmem_shared>>
        tpu.wait_indirect_dma semaphore(%run_scoped3A_147 : memref<!tpu.dma_semaphore, #tpu.memory_space<semaphore_mem>>) src(%arg12 : memref<80x128xf32, #tpu.memory_space<vmem>>) dst(%dma_wait3A_159 : memref<10112x128xf32, #tpu.memory_space<vmem_shared>>)
        tpu.yield
      }) : () -> ()
      %add3A_93 = arith.constant 3 : i32
      %add3A_94 = arith.addi %add3A_82, %add3A_93 : i32
      %mul3A_95 = arith.constant 80 : i32
      %mul3A_96 = arith.muli %add3A_94, %mul3A_95 : i32
      %add3A_97 = arith.addi %mul3A_7, %mul3A_96 : i32
      %dma_wait3A_98 = tpu.memref_slice %arg3[%add3A_97] : memref<322560xi32, #tpu.memory_space<hbm>> -> memref<80xi32, #tpu.memory_space<hbm>>
      %dma_wait3A_99 = tpu.memref_slice %arg3[%add3A_97] : memref<322560xi32, #tpu.memory_space<hbm>> -> memref<80xi32, #tpu.memory_space<hbm>>
      tpu.wait_dma2 semaphore(%arg21 : memref<!tpu.dma_semaphore, #tpu.memory_space<semaphore_mem>>) src(%dma_wait3A_99 : memref<80xi32, #tpu.memory_space<hbm>>) dst(%arg9 : memref<80xi32, #tpu.memory_space<vmem>>)
      %dma_start3A_100 = arith.constant 0 : i32
      %dma_start3A_101 = arith.constant 0 : i32
      %dma_start3A_102 = tpu.memref_slice %arg2[%dma_start3A_100, %dma_start3A_101] : memref<10000x128xf32, #tpu.memory_space<hbm>> -> memref<10000x128xf32, #tpu.memory_space<hbm>>
      tpu.enqueue_indirect_dma source(%dma_start3A_102 : memref<10000x128xf32, #tpu.memory_space<hbm>>) target(%arg12 : memref<80x128xf32, #tpu.memory_space<vmem>>) offsets(%arg9 : memref<80xi32, #tpu.memory_space<vmem>>) semaphore(%arg15 : memref<!tpu.dma_semaphore, #tpu.memory_space<semaphore_mem>>)
      %add3A_103 = arith.constant 1 : i32
      %add3A_104 = arith.addi %add3A_80, %add3A_103 : i32
      %dma_wait3A_105 = arith.constant 0 : i32
      %dma_wait3A_106 = arith.constant 0 : i32
      %dma_wait3A_107 = tpu.memref_slice %arg2[%dma_wait3A_105, %dma_wait3A_106] : memref<10000x128xf32, #tpu.memory_space<hbm>> -> memref<10000x128xf32, #tpu.memory_space<hbm>>
      tpu.wait_indirect_dma semaphore(%arg16 : memref<!tpu.dma_semaphore, #tpu.memory_space<semaphore_mem>>) src(%dma_wait3A_107 : memref<10000x128xf32, #tpu.memory_space<hbm>>) dst(%arg13 : memref<80x128xf32, #tpu.memory_space<vmem>>)
      %add3A_108 = arith.constant 3 : i32
      %add3A_109 = arith.addi %add3A_104, %add3A_108 : i32
      %mul3A_110 = arith.constant 80 : i32
      %mul3A_111 = arith.muli %add3A_109, %mul3A_110 : i32
      %add3A_112 = arith.addi %mul3A_7, %mul3A_111 : i32
      %dma_start3A_113 = tpu.memref_slice %arg3[%add3A_112] : memref<322560xi32, #tpu.memory_space<hbm>> -> memref<80xi32, #tpu.memory_space<hbm>>
      %dma_start3A_114 = tpu.memref_slice %arg3[%add3A_112] : memref<322560xi32, #tpu.memory_space<hbm>> -> memref<80xi32, #tpu.memory_space<hbm>>
      tpu.enqueue_dma source(%dma_start3A_114 : memref<80xi32, #tpu.memory_space<hbm>>) target(%arg10 : memref<80xi32, #tpu.memory_space<vmem>>) target_semaphore(%arg22 : memref<!tpu.dma_semaphore, #tpu.memory_space<semaphore_mem>>)
      "tpu.region"() ({
        %run_scoped3A_147 = tpu.sem_alloc : memref<!tpu.dma_semaphore, #tpu.memory_space<semaphore_mem>>
        %dma_start3A_148 = arith.constant 0 : i32
        %dma_start3A_149 = tpu.memref_slice %arg8[%add3A_104, %dma_start3A_148] : memref<126x80xi32, #tpu.memory_space<vmem>> -> memref<1x80xi32, #tpu.memory_space<vmem>>
        %dma_start3A_150 = tpu.memref_squeeze %dma_start3A_149 : memref<1x80xi32, #tpu.memory_space<vmem>> -> memref<80xi32, #tpu.memory_space<vmem>>
        %dma_start3A_151 = arith.constant 0 : i32
        %dma_start3A_152 = arith.constant 0 : i32
        %dma_start3A_153 = tpu.memref_slice %arg7[%dma_start3A_151, %dma_start3A_152] : memref<10112x128xf32, #tpu.memory_space<vmem_shared>> -> memref<10112x128xf32, #tpu.memory_space<vmem_shared>>
        tpu.enqueue_indirect_dma source(%arg13 : memref<80x128xf32, #tpu.memory_space<vmem>>) target(%dma_start3A_153 : memref<10112x128xf32, #tpu.memory_space<vmem_shared>>) offsets(%dma_start3A_150 : memref<80xi32, #tpu.memory_space<vmem>>) semaphore(%run_scoped3A_147 : memref<!tpu.dma_semaphore, #tpu.memory_space<semaphore_mem>>) {add = true}
        %dma_wait3A_154 = arith.constant 0 : i32
        %dma_wait3A_155 = tpu.memref_slice %arg8[%add3A_104, %dma_wait3A_154] : memref<126x80xi32, #tpu.memory_space<vmem>> -> memref<1x80xi32, #tpu.memory_space<vmem>>
        %dma_wait3A_156 = tpu.memref_squeeze %dma_wait3A_155 : memref<1x80xi32, #tpu.memory_space<vmem>> -> memref<80xi32, #tpu.memory_space<vmem>>
        %dma_wait3A_157 = arith.constant 0 : i32
        %dma_wait3A_158 = arith.constant 0 : i32
        %dma_wait3A_159 = tpu.memref_slice %arg7[%dma_wait3A_157, %dma_wait3A_158] : memref<10112x128xf32, #tpu.memory_space<vmem_shared>> -> memref<10112x128xf32, #tpu.memory_space<vmem_shared>>
        tpu.wait_indirect_dma semaphore(%run_scoped3A_147 : memref<!tpu.dma_semaphore, #tpu.memory_space<semaphore_mem>>) src(%arg13 : memref<80x128xf32, #tpu.memory_space<vmem>>) dst(%dma_wait3A_159 : memref<10112x128xf32, #tpu.memory_space<vmem_shared>>)
        tpu.yield
      }) : () -> ()
      %add3A_115 = arith.constant 3 : i32
      %add3A_116 = arith.addi %add3A_104, %add3A_115 : i32
      %mul3A_117 = arith.constant 80 : i32
      %mul3A_118 = arith.muli %add3A_116, %mul3A_117 : i32
      %add3A_119 = arith.addi %mul3A_7, %mul3A_118 : i32
      %dma_wait3A_120 = tpu.memref_slice %arg3[%add3A_119] : memref<322560xi32, #tpu.memory_space<hbm>> -> memref<80xi32, #tpu.memory_space<hbm>>
      %dma_wait3A_121 = tpu.memref_slice %arg3[%add3A_119] : memref<322560xi32, #tpu.memory_space<hbm>> -> memref<80xi32, #tpu.memory_space<hbm>>
      tpu.wait_dma2 semaphore(%arg22 : memref<!tpu.dma_semaphore, #tpu.memory_space<semaphore_mem>>) src(%dma_wait3A_121 : memref<80xi32, #tpu.memory_space<hbm>>) dst(%arg10 : memref<80xi32, #tpu.memory_space<vmem>>)
      %dma_start3A_122 = arith.constant 0 : i32
      %dma_start3A_123 = arith.constant 0 : i32
      %dma_start3A_124 = tpu.memref_slice %arg2[%dma_start3A_122, %dma_start3A_123] : memref<10000x128xf32, #tpu.memory_space<hbm>> -> memref<10000x128xf32, #tpu.memory_space<hbm>>
      tpu.enqueue_indirect_dma source(%dma_start3A_124 : memref<10000x128xf32, #tpu.memory_space<hbm>>) target(%arg13 : memref<80x128xf32, #tpu.memory_space<vmem>>) offsets(%arg10 : memref<80xi32, #tpu.memory_space<vmem>>) semaphore(%arg16 : memref<!tpu.dma_semaphore, #tpu.memory_space<semaphore_mem>>)
      %add3A_125 = arith.constant 2 : i32
      %add3A_126 = arith.addi %add3A_80, %add3A_125 : i32
      %dma_wait3A_127 = arith.constant 0 : i32
      %dma_wait3A_128 = arith.constant 0 : i32
      %dma_wait3A_129 = tpu.memref_slice %arg2[%dma_wait3A_127, %dma_wait3A_128] : memref<10000x128xf32, #tpu.memory_space<hbm>> -> memref<10000x128xf32, #tpu.memory_space<hbm>>
      tpu.wait_indirect_dma semaphore(%arg17 : memref<!tpu.dma_semaphore, #tpu.memory_space<semaphore_mem>>) src(%dma_wait3A_129 : memref<10000x128xf32, #tpu.memory_space<hbm>>) dst(%arg14 : memref<80x128xf32, #tpu.memory_space<vmem>>)
      %add3A_130 = arith.constant 3 : i32
      %add3A_131 = arith.addi %add3A_126, %add3A_130 : i32
      %mul3A_132 = arith.constant 80 : i32
      %mul3A_133 = arith.muli %add3A_131, %mul3A_132 : i32
      %add3A_134 = arith.addi %mul3A_7, %mul3A_133 : i32
      %dma_start3A_135 = tpu.memref_slice %arg3[%add3A_134] : memref<322560xi32, #tpu.memory_space<hbm>> -> memref<80xi32, #tpu.memory_space<hbm>>
      %dma_start3A_136 = tpu.memref_slice %arg3[%add3A_134] : memref<322560xi32, #tpu.memory_space<hbm>> -> memref<80xi32, #tpu.memory_space<hbm>>
      tpu.enqueue_dma source(%dma_start3A_136 : memref<80xi32, #tpu.memory_space<hbm>>) target(%arg11 : memref<80xi32, #tpu.memory_space<vmem>>) target_semaphore(%arg23 : memref<!tpu.dma_semaphore, #tpu.memory_space<semaphore_mem>>)
      "tpu.region"() ({
        %run_scoped3A_147 = tpu.sem_alloc : memref<!tpu.dma_semaphore, #tpu.memory_space<semaphore_mem>>
        %dma_start3A_148 = arith.constant 0 : i32
        %dma_start3A_149 = tpu.memref_slice %arg8[%add3A_126, %dma_start3A_148] : memref<126x80xi32, #tpu.memory_space<vmem>> -> memref<1x80xi32, #tpu.memory_space<vmem>>
        %dma_start3A_150 = tpu.memref_squeeze %dma_start3A_149 : memref<1x80xi32, #tpu.memory_space<vmem>> -> memref<80xi32, #tpu.memory_space<vmem>>
        %dma_start3A_151 = arith.constant 0 : i32
        %dma_start3A_152 = arith.constant 0 : i32
        %dma_start3A_153 = tpu.memref_slice %arg7[%dma_start3A_151, %dma_start3A_152] : memref<10112x128xf32, #tpu.memory_space<vmem_shared>> -> memref<10112x128xf32, #tpu.memory_space<vmem_shared>>
        tpu.enqueue_indirect_dma source(%arg14 : memref<80x128xf32, #tpu.memory_space<vmem>>) target(%dma_start3A_153 : memref<10112x128xf32, #tpu.memory_space<vmem_shared>>) offsets(%dma_start3A_150 : memref<80xi32, #tpu.memory_space<vmem>>) semaphore(%run_scoped3A_147 : memref<!tpu.dma_semaphore, #tpu.memory_space<semaphore_mem>>) {add = true}
        %dma_wait3A_154 = arith.constant 0 : i32
        %dma_wait3A_155 = tpu.memref_slice %arg8[%add3A_126, %dma_wait3A_154] : memref<126x80xi32, #tpu.memory_space<vmem>> -> memref<1x80xi32, #tpu.memory_space<vmem>>
        %dma_wait3A_156 = tpu.memref_squeeze %dma_wait3A_155 : memref<1x80xi32, #tpu.memory_space<vmem>> -> memref<80xi32, #tpu.memory_space<vmem>>
        %dma_wait3A_157 = arith.constant 0 : i32
        %dma_wait3A_158 = arith.constant 0 : i32
        %dma_wait3A_159 = tpu.memref_slice %arg7[%dma_wait3A_157, %dma_wait3A_158] : memref<10112x128xf32, #tpu.memory_space<vmem_shared>> -> memref<10112x128xf32, #tpu.memory_space<vmem_shared>>
        tpu.wait_indirect_dma semaphore(%run_scoped3A_147 : memref<!tpu.dma_semaphore, #tpu.memory_space<semaphore_mem>>) src(%arg14 : memref<80x128xf32, #tpu.memory_space<vmem>>) dst(%dma_wait3A_159 : memref<10112x128xf32, #tpu.memory_space<vmem_shared>>)
        tpu.yield
      }) : () -> ()
      %add3A_137 = arith.constant 3 : i32
      %add3A_138 = arith.addi %add3A_126, %add3A_137 : i32
      %mul3A_139 = arith.constant 80 : i32
      %mul3A_140 = arith.muli %add3A_138, %mul3A_139 : i32
      %add3A_141 = arith.addi %mul3A_7, %mul3A_140 : i32
      %dma_wait3A_142 = tpu.memref_slice %arg3[%add3A_141] : memref<322560xi32, #tpu.memory_space<hbm>> -> memref<80xi32, #tpu.memory_space<hbm>>
      %dma_wait3A_143 = tpu.memref_slice %arg3[%add3A_141] : memref<322560xi32, #tpu.memory_space<hbm>> -> memref<80xi32, #tpu.memory_space<hbm>>
      tpu.wait_dma2 semaphore(%arg23 : memref<!tpu.dma_semaphore, #tpu.memory_space<semaphore_mem>>) src(%dma_wait3A_143 : memref<80xi32, #tpu.memory_space<hbm>>) dst(%arg11 : memref<80xi32, #tpu.memory_space<vmem>>)
      %dma_start3A_144 = arith.constant 0 : i32
      %dma_start3A_145 = arith.constant 0 : i32
      %dma_start3A_146 = tpu.memref_slice %arg2[%dma_start3A_144, %dma_start3A_145] : memref<10000x128xf32, #tpu.memory_space<hbm>> -> memref<10000x128xf32, #tpu.memory_space<hbm>>
      tpu.enqueue_indirect_dma source(%dma_start3A_146 : memref<10000x128xf32, #tpu.memory_space<hbm>>) target(%arg14 : memref<80x128xf32, #tpu.memory_space<vmem>>) offsets(%arg11 : memref<80xi32, #tpu.memory_space<vmem>>) semaphore(%arg17 : memref<!tpu.dma_semaphore, #tpu.memory_space<semaphore_mem>>)
    }
    %scan3A_63 = arith.constant 41 : i32
    %dma_wait3A_64 = arith.constant 0 : i32
    %dma_wait3A_65 = arith.constant 0 : i32
    %dma_wait3A_66 = tpu.memref_slice %arg2[%dma_wait3A_64, %dma_wait3A_65] : memref<10000x128xf32, #tpu.memory_space<hbm>> -> memref<10000x128xf32, #tpu.memory_space<hbm>>
    tpu.wait_indirect_dma semaphore(%arg15 : memref<!tpu.dma_semaphore, #tpu.memory_space<semaphore_mem>>) src(%dma_wait3A_66 : memref<10000x128xf32, #tpu.memory_space<hbm>>) dst(%arg12 : memref<80x128xf32, #tpu.memory_space<vmem>>)
    %run_scoped3A = arith.constant 123 : i32
    "tpu.region"() ({
      %run_scoped3A_76 = tpu.sem_alloc : memref<!tpu.dma_semaphore, #tpu.memory_space<semaphore_mem>>
      %dma_start3A_77 = arith.constant 0 : i32
      %dma_start3A_78 = tpu.memref_slice %arg8[%run_scoped3A, %dma_start3A_77] : memref<126x80xi32, #tpu.memory_space<vmem>> -> memref<1x80xi32, #tpu.memory_space<vmem>>
      %dma_start3A_79 = tpu.memref_squeeze %dma_start3A_78 : memref<1x80xi32, #tpu.memory_space<vmem>> -> memref<80xi32, #tpu.memory_space<vmem>>
      %dma_start3A_80 = arith.constant 0 : i32
      %dma_start3A_81 = arith.constant 0 : i32
      %dma_start3A_82 = tpu.memref_slice %arg7[%dma_start3A_80, %dma_start3A_81] : memref<10112x128xf32, #tpu.memory_space<vmem_shared>> -> memref<10112x128xf32, #tpu.memory_space<vmem_shared>>
      tpu.enqueue_indirect_dma source(%arg12 : memref<80x128xf32, #tpu.memory_space<vmem>>) target(%dma_start3A_82 : memref<10112x128xf32, #tpu.memory_space<vmem_shared>>) offsets(%dma_start3A_79 : memref<80xi32, #tpu.memory_space<vmem>>) semaphore(%run_scoped3A_76 : memref<!tpu.dma_semaphore, #tpu.memory_space<semaphore_mem>>) {add = true}
      %dma_wait3A_83 = arith.constant 0 : i32
      %dma_wait3A_84 = tpu.memref_slice %arg8[%run_scoped3A, %dma_wait3A_83] : memref<126x80xi32, #tpu.memory_space<vmem>> -> memref<1x80xi32, #tpu.memory_space<vmem>>
      %dma_wait3A_85 = tpu.memref_squeeze %dma_wait3A_84 : memref<1x80xi32, #tpu.memory_space<vmem>> -> memref<80xi32, #tpu.memory_space<vmem>>
      %dma_wait3A_86 = arith.constant 0 : i32
      %dma_wait3A_87 = arith.constant 0 : i32
      %dma_wait3A_88 = tpu.memref_slice %arg7[%dma_wait3A_86, %dma_wait3A_87] : memref<10112x128xf32, #tpu.memory_space<vmem_shared>> -> memref<10112x128xf32, #tpu.memory_space<vmem_shared>>
      tpu.wait_indirect_dma semaphore(%run_scoped3A_76 : memref<!tpu.dma_semaphore, #tpu.memory_space<semaphore_mem>>) src(%arg12 : memref<80x128xf32, #tpu.memory_space<vmem>>) dst(%dma_wait3A_88 : memref<10112x128xf32, #tpu.memory_space<vmem_shared>>)
      tpu.yield
    }) : () -> ()
    %dma_wait3A_67 = arith.constant 0 : i32
    %dma_wait3A_68 = arith.constant 0 : i32
    %dma_wait3A_69 = tpu.memref_slice %arg2[%dma_wait3A_67, %dma_wait3A_68] : memref<10000x128xf32, #tpu.memory_space<hbm>> -> memref<10000x128xf32, #tpu.memory_space<hbm>>
    tpu.wait_indirect_dma semaphore(%arg16 : memref<!tpu.dma_semaphore, #tpu.memory_space<semaphore_mem>>) src(%dma_wait3A_69 : memref<10000x128xf32, #tpu.memory_space<hbm>>) dst(%arg13 : memref<80x128xf32, #tpu.memory_space<vmem>>)
    %run_scoped3A_70 = arith.constant 124 : i32
    "tpu.region"() ({
      %run_scoped3A_76 = tpu.sem_alloc : memref<!tpu.dma_semaphore, #tpu.memory_space<semaphore_mem>>
      %dma_start3A_77 = arith.constant 0 : i32
      %dma_start3A_78 = tpu.memref_slice %arg8[%run_scoped3A_70, %dma_start3A_77] : memref<126x80xi32, #tpu.memory_space<vmem>> -> memref<1x80xi32, #tpu.memory_space<vmem>>
      %dma_start3A_79 = tpu.memref_squeeze %dma_start3A_78 : memref<1x80xi32, #tpu.memory_space<vmem>> -> memref<80xi32, #tpu.memory_space<vmem>>
      %dma_start3A_80 = arith.constant 0 : i32
      %dma_start3A_81 = arith.constant 0 : i32
      %dma_start3A_82 = tpu.memref_slice %arg7[%dma_start3A_80, %dma_start3A_81] : memref<10112x128xf32, #tpu.memory_space<vmem_shared>> -> memref<10112x128xf32, #tpu.memory_space<vmem_shared>>
      tpu.enqueue_indirect_dma source(%arg13 : memref<80x128xf32, #tpu.memory_space<vmem>>) target(%dma_start3A_82 : memref<10112x128xf32, #tpu.memory_space<vmem_shared>>) offsets(%dma_start3A_79 : memref<80xi32, #tpu.memory_space<vmem>>) semaphore(%run_scoped3A_76 : memref<!tpu.dma_semaphore, #tpu.memory_space<semaphore_mem>>) {add = true}
      %dma_wait3A_83 = arith.constant 0 : i32
      %dma_wait3A_84 = tpu.memref_slice %arg8[%run_scoped3A_70, %dma_wait3A_83] : memref<126x80xi32, #tpu.memory_space<vmem>> -> memref<1x80xi32, #tpu.memory_space<vmem>>
      %dma_wait3A_85 = tpu.memref_squeeze %dma_wait3A_84 : memref<1x80xi32, #tpu.memory_space<vmem>> -> memref<80xi32, #tpu.memory_space<vmem>>
      %dma_wait3A_86 = arith.constant 0 : i32
      %dma_wait3A_87 = arith.constant 0 : i32
      %dma_wait3A_88 = tpu.memref_slice %arg7[%dma_wait3A_86, %dma_wait3A_87] : memref<10112x128xf32, #tpu.memory_space<vmem_shared>> -> memref<10112x128xf32, #tpu.memory_space<vmem_shared>>
      tpu.wait_indirect_dma semaphore(%run_scoped3A_76 : memref<!tpu.dma_semaphore, #tpu.memory_space<semaphore_mem>>) src(%arg13 : memref<80x128xf32, #tpu.memory_space<vmem>>) dst(%dma_wait3A_88 : memref<10112x128xf32, #tpu.memory_space<vmem_shared>>)
      tpu.yield
    }) : () -> ()
    %dma_wait3A_71 = arith.constant 0 : i32
    %dma_wait3A_72 = arith.constant 0 : i32
    %dma_wait3A_73 = tpu.memref_slice %arg2[%dma_wait3A_71, %dma_wait3A_72] : memref<10000x128xf32, #tpu.memory_space<hbm>> -> memref<10000x128xf32, #tpu.memory_space<hbm>>
    tpu.wait_indirect_dma semaphore(%arg17 : memref<!tpu.dma_semaphore, #tpu.memory_space<semaphore_mem>>) src(%dma_wait3A_73 : memref<10000x128xf32, #tpu.memory_space<hbm>>) dst(%arg14 : memref<80x128xf32, #tpu.memory_space<vmem>>)
    %run_scoped3A_74 = arith.constant 125 : i32
    "tpu.region"() ({
      %run_scoped3A_76 = tpu.sem_alloc : memref<!tpu.dma_semaphore, #tpu.memory_space<semaphore_mem>>
      %dma_start3A_77 = arith.constant 0 : i32
      %dma_start3A_78 = tpu.memref_slice %arg8[%run_scoped3A_74, %dma_start3A_77] : memref<126x80xi32, #tpu.memory_space<vmem>> -> memref<1x80xi32, #tpu.memory_space<vmem>>
      %dma_start3A_79 = tpu.memref_squeeze %dma_start3A_78 : memref<1x80xi32, #tpu.memory_space<vmem>> -> memref<80xi32, #tpu.memory_space<vmem>>
      %dma_start3A_80 = arith.constant 0 : i32
      %dma_start3A_81 = arith.constant 0 : i32
      %dma_start3A_82 = tpu.memref_slice %arg7[%dma_start3A_80, %dma_start3A_81] : memref<10112x128xf32, #tpu.memory_space<vmem_shared>> -> memref<10112x128xf32, #tpu.memory_space<vmem_shared>>
      tpu.enqueue_indirect_dma source(%arg14 : memref<80x128xf32, #tpu.memory_space<vmem>>) target(%dma_start3A_82 : memref<10112x128xf32, #tpu.memory_space<vmem_shared>>) offsets(%dma_start3A_79 : memref<80xi32, #tpu.memory_space<vmem>>) semaphore(%run_scoped3A_76 : memref<!tpu.dma_semaphore, #tpu.memory_space<semaphore_mem>>) {add = true}
      %dma_wait3A_83 = arith.constant 0 : i32
      %dma_wait3A_84 = tpu.memref_slice %arg8[%run_scoped3A_74, %dma_wait3A_83] : memref<126x80xi32, #tpu.memory_space<vmem>> -> memref<1x80xi32, #tpu.memory_space<vmem>>
      %dma_wait3A_85 = tpu.memref_squeeze %dma_wait3A_84 : memref<1x80xi32, #tpu.memory_space<vmem>> -> memref<80xi32, #tpu.memory_space<vmem>>
      %dma_wait3A_86 = arith.constant 0 : i32
      %dma_wait3A_87 = arith.constant 0 : i32
      %dma_wait3A_88 = tpu.memref_slice %arg7[%dma_wait3A_86, %dma_wait3A_87] : memref<10112x128xf32, #tpu.memory_space<vmem_shared>> -> memref<10112x128xf32, #tpu.memory_space<vmem_shared>>
      tpu.wait_indirect_dma semaphore(%run_scoped3A_76 : memref<!tpu.dma_semaphore, #tpu.memory_space<semaphore_mem>>) src(%arg14 : memref<80x128xf32, #tpu.memory_space<vmem>>) dst(%dma_wait3A_88 : memref<10112x128xf32, #tpu.memory_space<vmem_shared>>)
      tpu.yield
    }) : () -> ()
    %barrier3A_75 = arith.constant 0 : index
    tpu.barrier barrier_id(%barrier3A_75)
    "tpu.region"() ({
      %run_scoped3A_76 = tpu.sem_alloc : memref<!tpu.dma_semaphore, #tpu.memory_space<semaphore_mem>>
      %dma_start3A_77 = arith.constant 0 : i32
      %dma_start3A_78 = tpu.memref_slice %arg6[%arg0, %mul3A_2, %dma_start3A_77] : memref<2x10112x128xf32, #tpu.memory_space<hbm>> -> memref<1x632x128xf32, #tpu.memory_space<hbm>>
      %dma_start3A_79 = tpu.memref_squeeze %dma_start3A_78 : memref<1x632x128xf32, #tpu.memory_space<hbm>> -> memref<632x128xf32, #tpu.memory_space<hbm>>
      %dma_start3A_80 = arith.constant 0 : i32
      %dma_start3A_81 = tpu.memref_slice %arg7[%mul3A_2, %dma_start3A_80] : memref<10112x128xf32, #tpu.memory_space<vmem_shared>> -> memref<632x128xf32, #tpu.memory_space<vmem_shared>>
      tpu.enqueue_dma source(%dma_start3A_81 : memref<632x128xf32, #tpu.memory_space<vmem_shared>>) target(%dma_start3A_79 : memref<632x128xf32, #tpu.memory_space<hbm>>) target_semaphore(%run_scoped3A_76 : memref<!tpu.dma_semaphore, #tpu.memory_space<semaphore_mem>>)
      %dma_wait3A_82 = arith.constant 0 : i32
      %dma_wait3A_83 = tpu.memref_slice %arg6[%arg0, %mul3A_2, %dma_wait3A_82] : memref<2x10112x128xf32, #tpu.memory_space<hbm>> -> memref<1x632x128xf32, #tpu.memory_space<hbm>>
      %dma_wait3A_84 = tpu.memref_squeeze %dma_wait3A_83 : memref<1x632x128xf32, #tpu.memory_space<hbm>> -> memref<632x128xf32, #tpu.memory_space<hbm>>
      %dma_wait3A_85 = arith.constant 0 : i32
      %dma_wait3A_86 = tpu.memref_slice %arg7[%mul3A_2, %dma_wait3A_85] : memref<10112x128xf32, #tpu.memory_space<vmem_shared>> -> memref<632x128xf32, #tpu.memory_space<vmem_shared>>
      tpu.wait_dma2 semaphore(%run_scoped3A_76 : memref<!tpu.dma_semaphore, #tpu.memory_space<semaphore_mem>>) src(%dma_wait3A_86 : memref<632x128xf32, #tpu.memory_space<vmem_shared>>) dst(%dma_wait3A_84 : memref<632x128xf32, #tpu.memory_space<hbm>>)
      tpu.yield
    }) : () -> ()
    return
  }
}

#map = affine_map<(d0, d1) -> (0, 0)>
#map1 = affine_map<(d0, d1) -> (0)>
#map2 = affine_map<(d0, d1) -> (0, 0, 0)>
module attributes {stable_mosaic.version = 14 : i64} {
  func.func @agg_kernel(%arg0: i32, %arg1: i32, %arg2: memref<10000x128xf32, #tpu.memory_space<hbm>>, %arg3: memref<322560xi32, #tpu.memory_space<hbm>>, %arg4: memref<32x126x80xi32, #tpu.memory_space<hbm>>, %arg5: memref<10112x128xf32, #tpu.memory_space<hbm>>, %arg6: memref<2x10112x128xf32, #tpu.memory_space<hbm>>, %arg7: memref<10112x128xf32, #tpu.memory_space<vmem_shared>>, %arg8: memref<126x80xi32, #tpu.memory_space<vmem>>, %arg9: memref<80xi32, #tpu.memory_space<vmem>>, %arg10: memref<80xi32, #tpu.memory_space<vmem>>, %arg11: memref<80xi32, #tpu.memory_space<vmem>>, %arg12: memref<80x128xf32, #tpu.memory_space<vmem>>, %arg13: memref<80x128xf32, #tpu.memory_space<vmem>>, %arg14: memref<80x128xf32, #tpu.memory_space<vmem>>, %arg15: memref<!tpu.dma_semaphore, #tpu.memory_space<semaphore_mem>>, %arg16: memref<!tpu.dma_semaphore, #tpu.memory_space<semaphore_mem>>, %arg17: memref<!tpu.dma_semaphore, #tpu.memory_space<semaphore_mem>>, %arg18: memref<!tpu.dma_semaphore, #tpu.memory_space<semaphore_mem>>, %arg19: memref<!tpu.dma_semaphore, #tpu.memory_space<semaphore_mem>>, %arg20: memref<!tpu.dma_semaphore, #tpu.memory_space<semaphore_mem>>, %arg21: memref<!tpu.dma_semaphore, #tpu.memory_space<semaphore_mem>>, %arg22: memref<!tpu.dma_semaphore, #tpu.memory_space<semaphore_mem>>, %arg23: memref<!tpu.dma_semaphore, #tpu.memory_space<semaphore_mem>>, %arg24: memref<!tpu.dma_semaphore, #tpu.memory_space<semaphore_mem>>) attributes {dimension_semantics = [#tpu.dimension_semantics<core_parallel>, #tpu.dimension_semantics<subcore_parallel>], iteration_bounds = array<i64: 2, 16>, scalar_prefetch = 0 : i64, scratch_operands = 18 : i64, tpu.core_type = #tpu.core_type<sc_vector_subcore>, window_params = [{transform_indices = #map}, {transform_indices = #map1}, {transform_indices = #map2}, {transform_indices = #map}, {transform_indices = #map2}]} {
    %mul3A = arith.constant 2 : i32
    %mul3A_0 = arith.muli %arg1, %mul3A : i32
    %add3A = arith.addi %mul3A_0, %arg0 : i32
    %mul3A_1 = arith.constant 632 : i32
    %mul3A_2 = arith.muli %arg1, %mul3A_1 : i32
    %dma_start3A = arith.constant 0 : i32
    %dma_start3A_3 = tpu.memref_slice %arg7[%mul3A_2, %dma_start3A] : memref<10112x128xf32, #tpu.memory_space<vmem_shared>> -> memref<632x128xf32, #tpu.memory_space<vmem_shared>>
    %dma_start3A_4 = arith.constant 0 : i32
    %dma_start3A_5 = tpu.memref_slice %arg5[%mul3A_2, %dma_start3A_4] : memref<10112x128xf32, #tpu.memory_space<hbm>> -> memref<632x128xf32, #tpu.memory_space<hbm>>
    tpu.enqueue_dma source(%dma_start3A_5 : memref<632x128xf32, #tpu.memory_space<hbm>>) target(%dma_start3A_3 : memref<632x128xf32, #tpu.memory_space<vmem_shared>>) target_semaphore(%arg24 : memref<!tpu.dma_semaphore, #tpu.memory_space<semaphore_mem>>)
    %mul3A_6 = arith.constant 10080 : i32
    %mul3A_7 = arith.muli %add3A, %mul3A_6 : i32
    %dma_start3A_8 = arith.constant 0 : i32
    %dma_start3A_9 = arith.constant 0 : i32
    %dma_start3A_10 = tpu.memref_slice %arg4[%add3A, %dma_start3A_8, %dma_start3A_9] : memref<32x126x80xi32, #tpu.memory_space<hbm>> -> memref<1x126x80xi32, #tpu.memory_space<hbm>>
    %dma_start3A_11 = tpu.memref_squeeze %dma_start3A_10 : memref<1x126x80xi32, #tpu.memory_space<hbm>> -> memref<126x80xi32, #tpu.memory_space<hbm>>
    %dma_start3A_12 = arith.constant 0 : i32
    %dma_start3A_13 = arith.constant 0 : i32
    %dma_start3A_14 = tpu.memref_slice %arg4[%add3A, %dma_start3A_12, %dma_start3A_13] : memref<32x126x80xi32, #tpu.memory_space<hbm>> -> memref<1x126x80xi32, #tpu.memory_space<hbm>>
    %dma_start3A_15 = tpu.memref_squeeze %dma_start3A_14 : memref<1x126x80xi32, #tpu.memory_space<hbm>> -> memref<126x80xi32, #tpu.memory_space<hbm>>
    tpu.enqueue_dma source(%dma_start3A_15 : memref<126x80xi32, #tpu.memory_space<hbm>>) target(%arg8 : memref<126x80xi32, #tpu.memory_space<vmem>>) target_semaphore(%arg21 : memref<!tpu.dma_semaphore, #tpu.memory_space<semaphore_mem>>)
    %add3A_16 = arith.constant 0 : i32
    %add3A_17 = arith.addi %mul3A_7, %add3A_16 : i32
    %dma_start3A_18 = tpu.memref_slice %arg3[%add3A_17] : memref<322560xi32, #tpu.memory_space<hbm>> -> memref<80xi32, #tpu.memory_space<hbm>>
    %dma_start3A_19 = tpu.memref_slice %arg3[%add3A_17] : memref<322560xi32, #tpu.memory_space<hbm>> -> memref<80xi32, #tpu.memory_space<hbm>>
    tpu.enqueue_dma source(%dma_start3A_19 : memref<80xi32, #tpu.memory_space<hbm>>) target(%arg9 : memref<80xi32, #tpu.memory_space<vmem>>) target_semaphore(%arg21 : memref<!tpu.dma_semaphore, #tpu.memory_space<semaphore_mem>>)
    %add3A_20 = arith.constant 80 : i32
    %add3A_21 = arith.addi %mul3A_7, %add3A_20 : i32
    %dma_start3A_22 = tpu.memref_slice %arg3[%add3A_21] : memref<322560xi32, #tpu.memory_space<hbm>> -> memref<80xi32, #tpu.memory_space<hbm>>
    %dma_start3A_23 = tpu.memref_slice %arg3[%add3A_21] : memref<322560xi32, #tpu.memory_space<hbm>> -> memref<80xi32, #tpu.memory_space<hbm>>
    tpu.enqueue_dma source(%dma_start3A_23 : memref<80xi32, #tpu.memory_space<hbm>>) target(%arg10 : memref<80xi32, #tpu.memory_space<vmem>>) target_semaphore(%arg22 : memref<!tpu.dma_semaphore, #tpu.memory_space<semaphore_mem>>)
    %add3A_24 = arith.constant 160 : i32
    %add3A_25 = arith.addi %mul3A_7, %add3A_24 : i32
    %dma_start3A_26 = tpu.memref_slice %arg3[%add3A_25] : memref<322560xi32, #tpu.memory_space<hbm>> -> memref<80xi32, #tpu.memory_space<hbm>>
    %dma_start3A_27 = tpu.memref_slice %arg3[%add3A_25] : memref<322560xi32, #tpu.memory_space<hbm>> -> memref<80xi32, #tpu.memory_space<hbm>>
    tpu.enqueue_dma source(%dma_start3A_27 : memref<80xi32, #tpu.memory_space<hbm>>) target(%arg11 : memref<80xi32, #tpu.memory_space<vmem>>) target_semaphore(%arg23 : memref<!tpu.dma_semaphore, #tpu.memory_space<semaphore_mem>>)
    %dma_wait3A = arith.constant 0 : i32
    %dma_wait3A_28 = arith.constant 0 : i32
    %dma_wait3A_29 = tpu.memref_slice %arg4[%add3A, %dma_wait3A, %dma_wait3A_28] : memref<32x126x80xi32, #tpu.memory_space<hbm>> -> memref<1x126x80xi32, #tpu.memory_space<hbm>>
    %dma_wait3A_30 = tpu.memref_squeeze %dma_wait3A_29 : memref<1x126x80xi32, #tpu.memory_space<hbm>> -> memref<126x80xi32, #tpu.memory_space<hbm>>
    %dma_wait3A_31 = arith.constant 0 : i32
    %dma_wait3A_32 = arith.constant 0 : i32
    %dma_wait3A_33 = tpu.memref_slice %arg4[%add3A, %dma_wait3A_31, %dma_wait3A_32] : memref<32x126x80xi32, #tpu.memory_space<hbm>> -> memref<1x126x80xi32, #tpu.memory_space<hbm>>
    %dma_wait3A_34 = tpu.memref_squeeze %dma_wait3A_33 : memref<1x126x80xi32, #tpu.memory_space<hbm>> -> memref<126x80xi32, #tpu.memory_space<hbm>>
    tpu.wait_dma2 semaphore(%arg21 : memref<!tpu.dma_semaphore, #tpu.memory_space<semaphore_mem>>) src(%dma_wait3A_34 : memref<126x80xi32, #tpu.memory_space<hbm>>) dst(%arg8 : memref<126x80xi32, #tpu.memory_space<vmem>>)
    %add3A_35 = arith.constant 0 : i32
    %add3A_36 = arith.addi %mul3A_7, %add3A_35 : i32
    %dma_wait3A_37 = tpu.memref_slice %arg3[%add3A_36] : memref<322560xi32, #tpu.memory_space<hbm>> -> memref<80xi32, #tpu.memory_space<hbm>>
    %dma_wait3A_38 = tpu.memref_slice %arg3[%add3A_36] : memref<322560xi32, #tpu.memory_space<hbm>> -> memref<80xi32, #tpu.memory_space<hbm>>
    tpu.wait_dma2 semaphore(%arg21 : memref<!tpu.dma_semaphore, #tpu.memory_space<semaphore_mem>>) src(%dma_wait3A_38 : memref<80xi32, #tpu.memory_space<hbm>>) dst(%arg9 : memref<80xi32, #tpu.memory_space<vmem>>)
    %add3A_39 = arith.constant 80 : i32
    %add3A_40 = arith.addi %mul3A_7, %add3A_39 : i32
    %dma_wait3A_41 = tpu.memref_slice %arg3[%add3A_40] : memref<322560xi32, #tpu.memory_space<hbm>> -> memref<80xi32, #tpu.memory_space<hbm>>
    %dma_wait3A_42 = tpu.memref_slice %arg3[%add3A_40] : memref<322560xi32, #tpu.memory_space<hbm>> -> memref<80xi32, #tpu.memory_space<hbm>>
    tpu.wait_dma2 semaphore(%arg22 : memref<!tpu.dma_semaphore, #tpu.memory_space<semaphore_mem>>) src(%dma_wait3A_42 : memref<80xi32, #tpu.memory_space<hbm>>) dst(%arg10 : memref<80xi32, #tpu.memory_space<vmem>>)
    %add3A_43 = arith.constant 160 : i32
    %add3A_44 = arith.addi %mul3A_7, %add3A_43 : i32
    %dma_wait3A_45 = tpu.memref_slice %arg3[%add3A_44] : memref<322560xi32, #tpu.memory_space<hbm>> -> memref<80xi32, #tpu.memory_space<hbm>>
    %dma_wait3A_46 = tpu.memref_slice %arg3[%add3A_44] : memref<322560xi32, #tpu.memory_space<hbm>> -> memref<80xi32, #tpu.memory_space<hbm>>
    tpu.wait_dma2 semaphore(%arg23 : memref<!tpu.dma_semaphore, #tpu.memory_space<semaphore_mem>>) src(%dma_wait3A_46 : memref<80xi32, #tpu.memory_space<hbm>>) dst(%arg11 : memref<80xi32, #tpu.memory_space<vmem>>)
    %dma_wait3A_47 = arith.constant 0 : i32
    %dma_wait3A_48 = tpu.memref_slice %arg7[%mul3A_2, %dma_wait3A_47] : memref<10112x128xf32, #tpu.memory_space<vmem_shared>> -> memref<632x128xf32, #tpu.memory_space<vmem_shared>>
    %dma_wait3A_49 = arith.constant 0 : i32
    %dma_wait3A_50 = tpu.memref_slice %arg5[%mul3A_2, %dma_wait3A_49] : memref<10112x128xf32, #tpu.memory_space<hbm>> -> memref<632x128xf32, #tpu.memory_space<hbm>>
    tpu.wait_dma2 semaphore(%arg24 : memref<!tpu.dma_semaphore, #tpu.memory_space<semaphore_mem>>) src(%dma_wait3A_50 : memref<632x128xf32, #tpu.memory_space<hbm>>) dst(%dma_wait3A_48 : memref<632x128xf32, #tpu.memory_space<vmem_shared>>)
    %barrier3A = arith.constant 0 : index
    tpu.barrier barrier_id(%barrier3A)
    %dma_start3A_51 = arith.constant 0 : i32
    %dma_start3A_52 = arith.constant 0 : i32
    %dma_start3A_53 = tpu.memref_slice %arg2[%dma_start3A_51, %dma_start3A_52] : memref<10000x128xf32, #tpu.memory_space<hbm>> -> memref<10000x128xf32, #tpu.memory_space<hbm>>
    tpu.enqueue_indirect_dma source(%dma_start3A_53 : memref<10000x128xf32, #tpu.memory_space<hbm>>) target(%arg12 : memref<80x128xf32, #tpu.memory_space<vmem>>) offsets(%arg9 : memref<80xi32, #tpu.memory_space<vmem>>) semaphore(%arg15 : memref<!tpu.dma_semaphore, #tpu.memory_space<semaphore_mem>>)
    %dma_start3A_54 = arith.constant 0 : i32
    %dma_start3A_55 = arith.constant 0 : i32
    %dma_start3A_56 = tpu.memref_slice %arg2[%dma_start3A_54, %dma_start3A_55] : memref<10000x128xf32, #tpu.memory_space<hbm>> -> memref<10000x128xf32, #tpu.memory_space<hbm>>
    tpu.enqueue_indirect_dma source(%dma_start3A_56 : memref<10000x128xf32, #tpu.memory_space<hbm>>) target(%arg13 : memref<80x128xf32, #tpu.memory_space<vmem>>) offsets(%arg10 : memref<80xi32, #tpu.memory_space<vmem>>) semaphore(%arg16 : memref<!tpu.dma_semaphore, #tpu.memory_space<semaphore_mem>>)
    %dma_start3A_57 = arith.constant 0 : i32
    %dma_start3A_58 = arith.constant 0 : i32
    %dma_start3A_59 = tpu.memref_slice %arg2[%dma_start3A_57, %dma_start3A_58] : memref<10000x128xf32, #tpu.memory_space<hbm>> -> memref<10000x128xf32, #tpu.memory_space<hbm>>
    tpu.enqueue_indirect_dma source(%dma_start3A_59 : memref<10000x128xf32, #tpu.memory_space<hbm>>) target(%arg14 : memref<80x128xf32, #tpu.memory_space<vmem>>) offsets(%arg11 : memref<80xi32, #tpu.memory_space<vmem>>) semaphore(%arg17 : memref<!tpu.dma_semaphore, #tpu.memory_space<semaphore_mem>>)
    %scan3A = arith.constant 0 : i32
    %scan3A_60 = arith.constant 41 : i32
    %scan3A_61 = arith.addi %scan3A, %scan3A_60 : i32
    %scan3A_62 = arith.constant 1 : i32
    scf.for %scan3A_76 = %scan3A to %scan3A_61 step %scan3A_62  : i32 {
      %mul3A_77 = arith.constant 3 : i32
      %mul3A_78 = arith.muli %scan3A_76, %mul3A_77 : i32
      %add3A_79 = arith.constant 0 : i32
      %add3A_80 = arith.addi %add3A_79, %mul3A_78 : i32
      %add3A_81 = arith.constant 0 : i32
      %add3A_82 = arith.addi %add3A_80, %add3A_81 : i32
      %dma_wait3A_83 = arith.constant 0 : i32
      %dma_wait3A_84 = arith.constant 0 : i32
      %dma_wait3A_85 = tpu.memref_slice %arg2[%dma_wait3A_83, %dma_wait3A_84] : memref<10000x128xf32, #tpu.memory_space<hbm>> -> memref<10000x128xf32, #tpu.memory_space<hbm>>
      tpu.wait_indirect_dma semaphore(%arg15 : memref<!tpu.dma_semaphore, #tpu.memory_space<semaphore_mem>>) src(%dma_wait3A_85 : memref<10000x128xf32, #tpu.memory_space<hbm>>) dst(%arg12 : memref<80x128xf32, #tpu.memory_space<vmem>>)
      %add3A_86 = arith.constant 3 : i32
      %add3A_87 = arith.addi %add3A_82, %add3A_86 : i32
      %mul3A_88 = arith.constant 80 : i32
      %mul3A_89 = arith.muli %add3A_87, %mul3A_88 : i32
      %add3A_90 = arith.addi %mul3A_7, %mul3A_89 : i32
      %dma_start3A_91 = tpu.memref_slice %arg3[%add3A_90] : memref<322560xi32, #tpu.memory_space<hbm>> -> memref<80xi32, #tpu.memory_space<hbm>>
      %dma_start3A_92 = tpu.memref_slice %arg3[%add3A_90] : memref<322560xi32, #tpu.memory_space<hbm>> -> memref<80xi32, #tpu.memory_space<hbm>>
      tpu.enqueue_dma source(%dma_start3A_92 : memref<80xi32, #tpu.memory_space<hbm>>) target(%arg9 : memref<80xi32, #tpu.memory_space<vmem>>) target_semaphore(%arg21 : memref<!tpu.dma_semaphore, #tpu.memory_space<semaphore_mem>>)
      "tpu.region"() ({
        %run_scoped3A_147 = tpu.sem_alloc : memref<!tpu.dma_semaphore, #tpu.memory_space<semaphore_mem>>
        %dma_start3A_148 = arith.constant 0 : i32
        %dma_start3A_149 = tpu.memref_slice %arg8[%add3A_82, %dma_start3A_148] : memref<126x80xi32, #tpu.memory_space<vmem>> -> memref<1x80xi32, #tpu.memory_space<vmem>>
        %dma_start3A_150 = tpu.memref_squeeze %dma_start3A_149 : memref<1x80xi32, #tpu.memory_space<vmem>> -> memref<80xi32, #tpu.memory_space<vmem>>
        %dma_start3A_151 = arith.constant 0 : i32
        %dma_start3A_152 = arith.constant 0 : i32
        %dma_start3A_153 = tpu.memref_slice %arg7[%dma_start3A_151, %dma_start3A_152] : memref<10112x128xf32, #tpu.memory_space<vmem_shared>> -> memref<10112x128xf32, #tpu.memory_space<vmem_shared>>
        tpu.enqueue_indirect_dma source(%arg12 : memref<80x128xf32, #tpu.memory_space<vmem>>) target(%dma_start3A_153 : memref<10112x128xf32, #tpu.memory_space<vmem_shared>>) offsets(%dma_start3A_150 : memref<80xi32, #tpu.memory_space<vmem>>) semaphore(%run_scoped3A_147 : memref<!tpu.dma_semaphore, #tpu.memory_space<semaphore_mem>>) {add = true}
        %dma_wait3A_154 = arith.constant 0 : i32
        %dma_wait3A_155 = tpu.memref_slice %arg8[%add3A_82, %dma_wait3A_154] : memref<126x80xi32, #tpu.memory_space<vmem>> -> memref<1x80xi32, #tpu.memory_space<vmem>>
        %dma_wait3A_156 = tpu.memref_squeeze %dma_wait3A_155 : memref<1x80xi32, #tpu.memory_space<vmem>> -> memref<80xi32, #tpu.memory_space<vmem>>
        %dma_wait3A_157 = arith.constant 0 : i32
        %dma_wait3A_158 = arith.constant 0 : i32
        %dma_wait3A_159 = tpu.memref_slice %arg7[%dma_wait3A_157, %dma_wait3A_158] : memref<10112x128xf32, #tpu.memory_space<vmem_shared>> -> memref<10112x128xf32, #tpu.memory_space<vmem_shared>>
        tpu.wait_indirect_dma semaphore(%run_scoped3A_147 : memref<!tpu.dma_semaphore, #tpu.memory_space<semaphore_mem>>) src(%arg12 : memref<80x128xf32, #tpu.memory_space<vmem>>) dst(%dma_wait3A_159 : memref<10112x128xf32, #tpu.memory_space<vmem_shared>>)
        tpu.yield
      }) : () -> ()
      %add3A_93 = arith.constant 3 : i32
      %add3A_94 = arith.addi %add3A_82, %add3A_93 : i32
      %mul3A_95 = arith.constant 80 : i32
      %mul3A_96 = arith.muli %add3A_94, %mul3A_95 : i32
      %add3A_97 = arith.addi %mul3A_7, %mul3A_96 : i32
      %dma_wait3A_98 = tpu.memref_slice %arg3[%add3A_97] : memref<322560xi32, #tpu.memory_space<hbm>> -> memref<80xi32, #tpu.memory_space<hbm>>
      %dma_wait3A_99 = tpu.memref_slice %arg3[%add3A_97] : memref<322560xi32, #tpu.memory_space<hbm>> -> memref<80xi32, #tpu.memory_space<hbm>>
      tpu.wait_dma2 semaphore(%arg21 : memref<!tpu.dma_semaphore, #tpu.memory_space<semaphore_mem>>) src(%dma_wait3A_99 : memref<80xi32, #tpu.memory_space<hbm>>) dst(%arg9 : memref<80xi32, #tpu.memory_space<vmem>>)
      %dma_start3A_100 = arith.constant 0 : i32
      %dma_start3A_101 = arith.constant 0 : i32
      %dma_start3A_102 = tpu.memref_slice %arg2[%dma_start3A_100, %dma_start3A_101] : memref<10000x128xf32, #tpu.memory_space<hbm>> -> memref<10000x128xf32, #tpu.memory_space<hbm>>
      tpu.enqueue_indirect_dma source(%dma_start3A_102 : memref<10000x128xf32, #tpu.memory_space<hbm>>) target(%arg12 : memref<80x128xf32, #tpu.memory_space<vmem>>) offsets(%arg9 : memref<80xi32, #tpu.memory_space<vmem>>) semaphore(%arg15 : memref<!tpu.dma_semaphore, #tpu.memory_space<semaphore_mem>>)
      %add3A_103 = arith.constant 1 : i32
      %add3A_104 = arith.addi %add3A_80, %add3A_103 : i32
      %dma_wait3A_105 = arith.constant 0 : i32
      %dma_wait3A_106 = arith.constant 0 : i32
      %dma_wait3A_107 = tpu.memref_slice %arg2[%dma_wait3A_105, %dma_wait3A_106] : memref<10000x128xf32, #tpu.memory_space<hbm>> -> memref<10000x128xf32, #tpu.memory_space<hbm>>
      tpu.wait_indirect_dma semaphore(%arg16 : memref<!tpu.dma_semaphore, #tpu.memory_space<semaphore_mem>>) src(%dma_wait3A_107 : memref<10000x128xf32, #tpu.memory_space<hbm>>) dst(%arg13 : memref<80x128xf32, #tpu.memory_space<vmem>>)
      %add3A_108 = arith.constant 3 : i32
      %add3A_109 = arith.addi %add3A_104, %add3A_108 : i32
      %mul3A_110 = arith.constant 80 : i32
      %mul3A_111 = arith.muli %add3A_109, %mul3A_110 : i32
      %add3A_112 = arith.addi %mul3A_7, %mul3A_111 : i32
      %dma_start3A_113 = tpu.memref_slice %arg3[%add3A_112] : memref<322560xi32, #tpu.memory_space<hbm>> -> memref<80xi32, #tpu.memory_space<hbm>>
      %dma_start3A_114 = tpu.memref_slice %arg3[%add3A_112] : memref<322560xi32, #tpu.memory_space<hbm>> -> memref<80xi32, #tpu.memory_space<hbm>>
      tpu.enqueue_dma source(%dma_start3A_114 : memref<80xi32, #tpu.memory_space<hbm>>) target(%arg10 : memref<80xi32, #tpu.memory_space<vmem>>) target_semaphore(%arg22 : memref<!tpu.dma_semaphore, #tpu.memory_space<semaphore_mem>>)
      "tpu.region"() ({
        %run_scoped3A_147 = tpu.sem_alloc : memref<!tpu.dma_semaphore, #tpu.memory_space<semaphore_mem>>
        %dma_start3A_148 = arith.constant 0 : i32
        %dma_start3A_149 = tpu.memref_slice %arg8[%add3A_104, %dma_start3A_148] : memref<126x80xi32, #tpu.memory_space<vmem>> -> memref<1x80xi32, #tpu.memory_space<vmem>>
        %dma_start3A_150 = tpu.memref_squeeze %dma_start3A_149 : memref<1x80xi32, #tpu.memory_space<vmem>> -> memref<80xi32, #tpu.memory_space<vmem>>
        %dma_start3A_151 = arith.constant 0 : i32
        %dma_start3A_152 = arith.constant 0 : i32
        %dma_start3A_153 = tpu.memref_slice %arg7[%dma_start3A_151, %dma_start3A_152] : memref<10112x128xf32, #tpu.memory_space<vmem_shared>> -> memref<10112x128xf32, #tpu.memory_space<vmem_shared>>
        tpu.enqueue_indirect_dma source(%arg13 : memref<80x128xf32, #tpu.memory_space<vmem>>) target(%dma_start3A_153 : memref<10112x128xf32, #tpu.memory_space<vmem_shared>>) offsets(%dma_start3A_150 : memref<80xi32, #tpu.memory_space<vmem>>) semaphore(%run_scoped3A_147 : memref<!tpu.dma_semaphore, #tpu.memory_space<semaphore_mem>>) {add = true}
        %dma_wait3A_154 = arith.constant 0 : i32
        %dma_wait3A_155 = tpu.memref_slice %arg8[%add3A_104, %dma_wait3A_154] : memref<126x80xi32, #tpu.memory_space<vmem>> -> memref<1x80xi32, #tpu.memory_space<vmem>>
        %dma_wait3A_156 = tpu.memref_squeeze %dma_wait3A_155 : memref<1x80xi32, #tpu.memory_space<vmem>> -> memref<80xi32, #tpu.memory_space<vmem>>
        %dma_wait3A_157 = arith.constant 0 : i32
        %dma_wait3A_158 = arith.constant 0 : i32
        %dma_wait3A_159 = tpu.memref_slice %arg7[%dma_wait3A_157, %dma_wait3A_158] : memref<10112x128xf32, #tpu.memory_space<vmem_shared>> -> memref<10112x128xf32, #tpu.memory_space<vmem_shared>>
        tpu.wait_indirect_dma semaphore(%run_scoped3A_147 : memref<!tpu.dma_semaphore, #tpu.memory_space<semaphore_mem>>) src(%arg13 : memref<80x128xf32, #tpu.memory_space<vmem>>) dst(%dma_wait3A_159 : memref<10112x128xf32, #tpu.memory_space<vmem_shared>>)
        tpu.yield
      }) : () -> ()
      %add3A_115 = arith.constant 3 : i32
      %add3A_116 = arith.addi %add3A_104, %add3A_115 : i32
      %mul3A_117 = arith.constant 80 : i32
      %mul3A_118 = arith.muli %add3A_116, %mul3A_117 : i32
      %add3A_119 = arith.addi %mul3A_7, %mul3A_118 : i32
      %dma_wait3A_120 = tpu.memref_slice %arg3[%add3A_119] : memref<322560xi32, #tpu.memory_space<hbm>> -> memref<80xi32, #tpu.memory_space<hbm>>
      %dma_wait3A_121 = tpu.memref_slice %arg3[%add3A_119] : memref<322560xi32, #tpu.memory_space<hbm>> -> memref<80xi32, #tpu.memory_space<hbm>>
      tpu.wait_dma2 semaphore(%arg22 : memref<!tpu.dma_semaphore, #tpu.memory_space<semaphore_mem>>) src(%dma_wait3A_121 : memref<80xi32, #tpu.memory_space<hbm>>) dst(%arg10 : memref<80xi32, #tpu.memory_space<vmem>>)
      %dma_start3A_122 = arith.constant 0 : i32
      %dma_start3A_123 = arith.constant 0 : i32
      %dma_start3A_124 = tpu.memref_slice %arg2[%dma_start3A_122, %dma_start3A_123] : memref<10000x128xf32, #tpu.memory_space<hbm>> -> memref<10000x128xf32, #tpu.memory_space<hbm>>
      tpu.enqueue_indirect_dma source(%dma_start3A_124 : memref<10000x128xf32, #tpu.memory_space<hbm>>) target(%arg13 : memref<80x128xf32, #tpu.memory_space<vmem>>) offsets(%arg10 : memref<80xi32, #tpu.memory_space<vmem>>) semaphore(%arg16 : memref<!tpu.dma_semaphore, #tpu.memory_space<semaphore_mem>>)
      %add3A_125 = arith.constant 2 : i32
      %add3A_126 = arith.addi %add3A_80, %add3A_125 : i32
      %dma_wait3A_127 = arith.constant 0 : i32
      %dma_wait3A_128 = arith.constant 0 : i32
      %dma_wait3A_129 = tpu.memref_slice %arg2[%dma_wait3A_127, %dma_wait3A_128] : memref<10000x128xf32, #tpu.memory_space<hbm>> -> memref<10000x128xf32, #tpu.memory_space<hbm>>
      tpu.wait_indirect_dma semaphore(%arg17 : memref<!tpu.dma_semaphore, #tpu.memory_space<semaphore_mem>>) src(%dma_wait3A_129 : memref<10000x128xf32, #tpu.memory_space<hbm>>) dst(%arg14 : memref<80x128xf32, #tpu.memory_space<vmem>>)
      %add3A_130 = arith.constant 3 : i32
      %add3A_131 = arith.addi %add3A_126, %add3A_130 : i32
      %mul3A_132 = arith.constant 80 : i32
      %mul3A_133 = arith.muli %add3A_131, %mul3A_132 : i32
      %add3A_134 = arith.addi %mul3A_7, %mul3A_133 : i32
      %dma_start3A_135 = tpu.memref_slice %arg3[%add3A_134] : memref<322560xi32, #tpu.memory_space<hbm>> -> memref<80xi32, #tpu.memory_space<hbm>>
      %dma_start3A_136 = tpu.memref_slice %arg3[%add3A_134] : memref<322560xi32, #tpu.memory_space<hbm>> -> memref<80xi32, #tpu.memory_space<hbm>>
      tpu.enqueue_dma source(%dma_start3A_136 : memref<80xi32, #tpu.memory_space<hbm>>) target(%arg11 : memref<80xi32, #tpu.memory_space<vmem>>) target_semaphore(%arg23 : memref<!tpu.dma_semaphore, #tpu.memory_space<semaphore_mem>>)
      "tpu.region"() ({
        %run_scoped3A_147 = tpu.sem_alloc : memref<!tpu.dma_semaphore, #tpu.memory_space<semaphore_mem>>
        %dma_start3A_148 = arith.constant 0 : i32
        %dma_start3A_149 = tpu.memref_slice %arg8[%add3A_126, %dma_start3A_148] : memref<126x80xi32, #tpu.memory_space<vmem>> -> memref<1x80xi32, #tpu.memory_space<vmem>>
        %dma_start3A_150 = tpu.memref_squeeze %dma_start3A_149 : memref<1x80xi32, #tpu.memory_space<vmem>> -> memref<80xi32, #tpu.memory_space<vmem>>
        %dma_start3A_151 = arith.constant 0 : i32
        %dma_start3A_152 = arith.constant 0 : i32
        %dma_start3A_153 = tpu.memref_slice %arg7[%dma_start3A_151, %dma_start3A_152] : memref<10112x128xf32, #tpu.memory_space<vmem_shared>> -> memref<10112x128xf32, #tpu.memory_space<vmem_shared>>
        tpu.enqueue_indirect_dma source(%arg14 : memref<80x128xf32, #tpu.memory_space<vmem>>) target(%dma_start3A_153 : memref<10112x128xf32, #tpu.memory_space<vmem_shared>>) offsets(%dma_start3A_150 : memref<80xi32, #tpu.memory_space<vmem>>) semaphore(%run_scoped3A_147 : memref<!tpu.dma_semaphore, #tpu.memory_space<semaphore_mem>>) {add = true}
        %dma_wait3A_154 = arith.constant 0 : i32
        %dma_wait3A_155 = tpu.memref_slice %arg8[%add3A_126, %dma_wait3A_154] : memref<126x80xi32, #tpu.memory_space<vmem>> -> memref<1x80xi32, #tpu.memory_space<vmem>>
        %dma_wait3A_156 = tpu.memref_squeeze %dma_wait3A_155 : memref<1x80xi32, #tpu.memory_space<vmem>> -> memref<80xi32, #tpu.memory_space<vmem>>
        %dma_wait3A_157 = arith.constant 0 : i32
        %dma_wait3A_158 = arith.constant 0 : i32
        %dma_wait3A_159 = tpu.memref_slice %arg7[%dma_wait3A_157, %dma_wait3A_158] : memref<10112x128xf32, #tpu.memory_space<vmem_shared>> -> memref<10112x128xf32, #tpu.memory_space<vmem_shared>>
        tpu.wait_indirect_dma semaphore(%run_scoped3A_147 : memref<!tpu.dma_semaphore, #tpu.memory_space<semaphore_mem>>) src(%arg14 : memref<80x128xf32, #tpu.memory_space<vmem>>) dst(%dma_wait3A_159 : memref<10112x128xf32, #tpu.memory_space<vmem_shared>>)
        tpu.yield
      }) : () -> ()
      %add3A_137 = arith.constant 3 : i32
      %add3A_138 = arith.addi %add3A_126, %add3A_137 : i32
      %mul3A_139 = arith.constant 80 : i32
      %mul3A_140 = arith.muli %add3A_138, %mul3A_139 : i32
      %add3A_141 = arith.addi %mul3A_7, %mul3A_140 : i32
      %dma_wait3A_142 = tpu.memref_slice %arg3[%add3A_141] : memref<322560xi32, #tpu.memory_space<hbm>> -> memref<80xi32, #tpu.memory_space<hbm>>
      %dma_wait3A_143 = tpu.memref_slice %arg3[%add3A_141] : memref<322560xi32, #tpu.memory_space<hbm>> -> memref<80xi32, #tpu.memory_space<hbm>>
      tpu.wait_dma2 semaphore(%arg23 : memref<!tpu.dma_semaphore, #tpu.memory_space<semaphore_mem>>) src(%dma_wait3A_143 : memref<80xi32, #tpu.memory_space<hbm>>) dst(%arg11 : memref<80xi32, #tpu.memory_space<vmem>>)
      %dma_start3A_144 = arith.constant 0 : i32
      %dma_start3A_145 = arith.constant 0 : i32
      %dma_start3A_146 = tpu.memref_slice %arg2[%dma_start3A_144, %dma_start3A_145] : memref<10000x128xf32, #tpu.memory_space<hbm>> -> memref<10000x128xf32, #tpu.memory_space<hbm>>
      tpu.enqueue_indirect_dma source(%dma_start3A_146 : memref<10000x128xf32, #tpu.memory_space<hbm>>) target(%arg14 : memref<80x128xf32, #tpu.memory_space<vmem>>) offsets(%arg11 : memref<80xi32, #tpu.memory_space<vmem>>) semaphore(%arg17 : memref<!tpu.dma_semaphore, #tpu.memory_space<semaphore_mem>>)
    }
    %scan3A_63 = arith.constant 41 : i32
    %dma_wait3A_64 = arith.constant 0 : i32
    %dma_wait3A_65 = arith.constant 0 : i32
    %dma_wait3A_66 = tpu.memref_slice %arg2[%dma_wait3A_64, %dma_wait3A_65] : memref<10000x128xf32, #tpu.memory_space<hbm>> -> memref<10000x128xf32, #tpu.memory_space<hbm>>
    tpu.wait_indirect_dma semaphore(%arg15 : memref<!tpu.dma_semaphore, #tpu.memory_space<semaphore_mem>>) src(%dma_wait3A_66 : memref<10000x128xf32, #tpu.memory_space<hbm>>) dst(%arg12 : memref<80x128xf32, #tpu.memory_space<vmem>>)
    %run_scoped3A = arith.constant 123 : i32
    "tpu.region"() ({
      %run_scoped3A_76 = tpu.sem_alloc : memref<!tpu.dma_semaphore, #tpu.memory_space<semaphore_mem>>
      %dma_start3A_77 = arith.constant 0 : i32
      %dma_start3A_78 = tpu.memref_slice %arg8[%run_scoped3A, %dma_start3A_77] : memref<126x80xi32, #tpu.memory_space<vmem>> -> memref<1x80xi32, #tpu.memory_space<vmem>>
      %dma_start3A_79 = tpu.memref_squeeze %dma_start3A_78 : memref<1x80xi32, #tpu.memory_space<vmem>> -> memref<80xi32, #tpu.memory_space<vmem>>
      %dma_start3A_80 = arith.constant 0 : i32
      %dma_start3A_81 = arith.constant 0 : i32
      %dma_start3A_82 = tpu.memref_slice %arg7[%dma_start3A_80, %dma_start3A_81] : memref<10112x128xf32, #tpu.memory_space<vmem_shared>> -> memref<10112x128xf32, #tpu.memory_space<vmem_shared>>
      tpu.enqueue_indirect_dma source(%arg12 : memref<80x128xf32, #tpu.memory_space<vmem>>) target(%dma_start3A_82 : memref<10112x128xf32, #tpu.memory_space<vmem_shared>>) offsets(%dma_start3A_79 : memref<80xi32, #tpu.memory_space<vmem>>) semaphore(%run_scoped3A_76 : memref<!tpu.dma_semaphore, #tpu.memory_space<semaphore_mem>>) {add = true}
      %dma_wait3A_83 = arith.constant 0 : i32
      %dma_wait3A_84 = tpu.memref_slice %arg8[%run_scoped3A, %dma_wait3A_83] : memref<126x80xi32, #tpu.memory_space<vmem>> -> memref<1x80xi32, #tpu.memory_space<vmem>>
      %dma_wait3A_85 = tpu.memref_squeeze %dma_wait3A_84 : memref<1x80xi32, #tpu.memory_space<vmem>> -> memref<80xi32, #tpu.memory_space<vmem>>
      %dma_wait3A_86 = arith.constant 0 : i32
      %dma_wait3A_87 = arith.constant 0 : i32
      %dma_wait3A_88 = tpu.memref_slice %arg7[%dma_wait3A_86, %dma_wait3A_87] : memref<10112x128xf32, #tpu.memory_space<vmem_shared>> -> memref<10112x128xf32, #tpu.memory_space<vmem_shared>>
      tpu.wait_indirect_dma semaphore(%run_scoped3A_76 : memref<!tpu.dma_semaphore, #tpu.memory_space<semaphore_mem>>) src(%arg12 : memref<80x128xf32, #tpu.memory_space<vmem>>) dst(%dma_wait3A_88 : memref<10112x128xf32, #tpu.memory_space<vmem_shared>>)
      tpu.yield
    }) : () -> ()
    %dma_wait3A_67 = arith.constant 0 : i32
    %dma_wait3A_68 = arith.constant 0 : i32
    %dma_wait3A_69 = tpu.memref_slice %arg2[%dma_wait3A_67, %dma_wait3A_68] : memref<10000x128xf32, #tpu.memory_space<hbm>> -> memref<10000x128xf32, #tpu.memory_space<hbm>>
    tpu.wait_indirect_dma semaphore(%arg16 : memref<!tpu.dma_semaphore, #tpu.memory_space<semaphore_mem>>) src(%dma_wait3A_69 : memref<10000x128xf32, #tpu.memory_space<hbm>>) dst(%arg13 : memref<80x128xf32, #tpu.memory_space<vmem>>)
    %run_scoped3A_70 = arith.constant 124 : i32
    "tpu.region"() ({
      %run_scoped3A_76 = tpu.sem_alloc : memref<!tpu.dma_semaphore, #tpu.memory_space<semaphore_mem>>
      %dma_start3A_77 = arith.constant 0 : i32
      %dma_start3A_78 = tpu.memref_slice %arg8[%run_scoped3A_70, %dma_start3A_77] : memref<126x80xi32, #tpu.memory_space<vmem>> -> memref<1x80xi32, #tpu.memory_space<vmem>>
      %dma_start3A_79 = tpu.memref_squeeze %dma_start3A_78 : memref<1x80xi32, #tpu.memory_space<vmem>> -> memref<80xi32, #tpu.memory_space<vmem>>
      %dma_start3A_80 = arith.constant 0 : i32
      %dma_start3A_81 = arith.constant 0 : i32
      %dma_start3A_82 = tpu.memref_slice %arg7[%dma_start3A_80, %dma_start3A_81] : memref<10112x128xf32, #tpu.memory_space<vmem_shared>> -> memref<10112x128xf32, #tpu.memory_space<vmem_shared>>
      tpu.enqueue_indirect_dma source(%arg13 : memref<80x128xf32, #tpu.memory_space<vmem>>) target(%dma_start3A_82 : memref<10112x128xf32, #tpu.memory_space<vmem_shared>>) offsets(%dma_start3A_79 : memref<80xi32, #tpu.memory_space<vmem>>) semaphore(%run_scoped3A_76 : memref<!tpu.dma_semaphore, #tpu.memory_space<semaphore_mem>>) {add = true}
      %dma_wait3A_83 = arith.constant 0 : i32
      %dma_wait3A_84 = tpu.memref_slice %arg8[%run_scoped3A_70, %dma_wait3A_83] : memref<126x80xi32, #tpu.memory_space<vmem>> -> memref<1x80xi32, #tpu.memory_space<vmem>>
      %dma_wait3A_85 = tpu.memref_squeeze %dma_wait3A_84 : memref<1x80xi32, #tpu.memory_space<vmem>> -> memref<80xi32, #tpu.memory_space<vmem>>
      %dma_wait3A_86 = arith.constant 0 : i32
      %dma_wait3A_87 = arith.constant 0 : i32
      %dma_wait3A_88 = tpu.memref_slice %arg7[%dma_wait3A_86, %dma_wait3A_87] : memref<10112x128xf32, #tpu.memory_space<vmem_shared>> -> memref<10112x128xf32, #tpu.memory_space<vmem_shared>>
      tpu.wait_indirect_dma semaphore(%run_scoped3A_76 : memref<!tpu.dma_semaphore, #tpu.memory_space<semaphore_mem>>) src(%arg13 : memref<80x128xf32, #tpu.memory_space<vmem>>) dst(%dma_wait3A_88 : memref<10112x128xf32, #tpu.memory_space<vmem_shared>>)
      tpu.yield
    }) : () -> ()
    %dma_wait3A_71 = arith.constant 0 : i32
    %dma_wait3A_72 = arith.constant 0 : i32
    %dma_wait3A_73 = tpu.memref_slice %arg2[%dma_wait3A_71, %dma_wait3A_72] : memref<10000x128xf32, #tpu.memory_space<hbm>> -> memref<10000x128xf32, #tpu.memory_space<hbm>>
    tpu.wait_indirect_dma semaphore(%arg17 : memref<!tpu.dma_semaphore, #tpu.memory_space<semaphore_mem>>) src(%dma_wait3A_73 : memref<10000x128xf32, #tpu.memory_space<hbm>>) dst(%arg14 : memref<80x128xf32, #tpu.memory_space<vmem>>)
    %run_scoped3A_74 = arith.constant 125 : i32
    "tpu.region"() ({
      %run_scoped3A_76 = tpu.sem_alloc : memref<!tpu.dma_semaphore, #tpu.memory_space<semaphore_mem>>
      %dma_start3A_77 = arith.constant 0 : i32
      %dma_start3A_78 = tpu.memref_slice %arg8[%run_scoped3A_74, %dma_start3A_77] : memref<126x80xi32, #tpu.memory_space<vmem>> -> memref<1x80xi32, #tpu.memory_space<vmem>>
      %dma_start3A_79 = tpu.memref_squeeze %dma_start3A_78 : memref<1x80xi32, #tpu.memory_space<vmem>> -> memref<80xi32, #tpu.memory_space<vmem>>
      %dma_start3A_80 = arith.constant 0 : i32
      %dma_start3A_81 = arith.constant 0 : i32
      %dma_start3A_82 = tpu.memref_slice %arg7[%dma_start3A_80, %dma_start3A_81] : memref<10112x128xf32, #tpu.memory_space<vmem_shared>> -> memref<10112x128xf32, #tpu.memory_space<vmem_shared>>
      tpu.enqueue_indirect_dma source(%arg14 : memref<80x128xf32, #tpu.memory_space<vmem>>) target(%dma_start3A_82 : memref<10112x128xf32, #tpu.memory_space<vmem_shared>>) offsets(%dma_start3A_79 : memref<80xi32, #tpu.memory_space<vmem>>) semaphore(%run_scoped3A_76 : memref<!tpu.dma_semaphore, #tpu.memory_space<semaphore_mem>>) {add = true}
      %dma_wait3A_83 = arith.constant 0 : i32
      %dma_wait3A_84 = tpu.memref_slice %arg8[%run_scoped3A_74, %dma_wait3A_83] : memref<126x80xi32, #tpu.memory_space<vmem>> -> memref<1x80xi32, #tpu.memory_space<vmem>>
      %dma_wait3A_85 = tpu.memref_squeeze %dma_wait3A_84 : memref<1x80xi32, #tpu.memory_space<vmem>> -> memref<80xi32, #tpu.memory_space<vmem>>
      %dma_wait3A_86 = arith.constant 0 : i32
      %dma_wait3A_87 = arith.constant 0 : i32
      %dma_wait3A_88 = tpu.memref_slice %arg7[%dma_wait3A_86, %dma_wait3A_87] : memref<10112x128xf32, #tpu.memory_space<vmem_shared>> -> memref<10112x128xf32, #tpu.memory_space<vmem_shared>>
      tpu.wait_indirect_dma semaphore(%run_scoped3A_76 : memref<!tpu.dma_semaphore, #tpu.memory_space<semaphore_mem>>) src(%arg14 : memref<80x128xf32, #tpu.memory_space<vmem>>) dst(%dma_wait3A_88 : memref<10112x128xf32, #tpu.memory_space<vmem_shared>>)
      tpu.yield
    }) : () -> ()
    %barrier3A_75 = arith.constant 0 : index
    tpu.barrier barrier_id(%barrier3A_75)
    "tpu.region"() ({
      %run_scoped3A_76 = tpu.sem_alloc : memref<!tpu.dma_semaphore, #tpu.memory_space<semaphore_mem>>
      %dma_start3A_77 = arith.constant 0 : i32
      %dma_start3A_78 = tpu.memref_slice %arg6[%arg0, %mul3A_2, %dma_start3A_77] : memref<2x10112x128xf32, #tpu.memory_space<hbm>> -> memref<1x632x128xf32, #tpu.memory_space<hbm>>
      %dma_start3A_79 = tpu.memref_squeeze %dma_start3A_78 : memref<1x632x128xf32, #tpu.memory_space<hbm>> -> memref<632x128xf32, #tpu.memory_space<hbm>>
      %dma_start3A_80 = arith.constant 0 : i32
      %dma_start3A_81 = tpu.memref_slice %arg7[%mul3A_2, %dma_start3A_80] : memref<10112x128xf32, #tpu.memory_space<vmem_shared>> -> memref<632x128xf32, #tpu.memory_space<vmem_shared>>
      tpu.enqueue_dma source(%dma_start3A_81 : memref<632x128xf32, #tpu.memory_space<vmem_shared>>) target(%dma_start3A_79 : memref<632x128xf32, #tpu.memory_space<hbm>>) target_semaphore(%run_scoped3A_76 : memref<!tpu.dma_semaphore, #tpu.memory_space<semaphore_mem>>)
      %dma_wait3A_82 = arith.constant 0 : i32
      %dma_wait3A_83 = tpu.memref_slice %arg6[%arg0, %mul3A_2, %dma_wait3A_82] : memref<2x10112x128xf32, #tpu.memory_space<hbm>> -> memref<1x632x128xf32, #tpu.memory_space<hbm>>
      %dma_wait3A_84 = tpu.memref_squeeze %dma_wait3A_83 : memref<1x632x128xf32, #tpu.memory_space<hbm>> -> memref<632x128xf32, #tpu.memory_space<hbm>>
      %dma_wait3A_85 = arith.constant 0 : i32
      %dma_wait3A_86 = tpu.memref_slice %arg7[%mul3A_2, %dma_wait3A_85] : memref<10112x128xf32, #tpu.memory_space<vmem_shared>> -> memref<632x128xf32, #tpu.memory_space<vmem_shared>>
      tpu.wait_dma2 semaphore(%run_scoped3A_76 : memref<!tpu.dma_semaphore, #tpu.memory_space<semaphore_mem>>) src(%dma_wait3A_86 : memref<632x128xf32, #tpu.memory_space<vmem_shared>>) dst(%dma_wait3A_84 : memref<632x128xf32, #tpu.memory_space<hbm>>)
      tpu.yield
    }) : () -> ()
    return
  }
}

module attributes {stable_mosaic.version = 14 : i64} {
  func.func @_mlp_body(%arg0: i32, %arg1: memref<1000x128xf32, #tpu.memory_space<vmem>>, %arg2: memref<1000x128xf32, #tpu.memory_space<vmem>>, %arg3: memref<1000x128xf32, #tpu.memory_space<vmem>>, %arg4: memref<128x128xf32, #tpu.memory_space<vmem>>, %arg5: memref<1x128xf32, #tpu.memory_space<vmem>>, %arg6: memref<128x128xf32, #tpu.memory_space<vmem>>, %arg7: memref<1x128xf32, #tpu.memory_space<vmem>>, %arg8: memref<1000x128xf32, #tpu.memory_space<vmem>>, %arg9: memref<1x128xf32, #tpu.memory_space<vmem>>, %arg10: memref<1x128xf32, #tpu.memory_space<vmem>>) attributes {dimension_semantics = [#tpu.dimension_semantics<arbitrary>], iteration_bounds = array<i64: 10>, scalar_prefetch = 0 : i64, scratch_operands = 0 : i64, tpu.core_type = #tpu.core_type<tc>, window_params = [{transform_indices = @transform_0, window_bounds = array<i64: 1000, 128>}, {transform_indices = @transform_1, window_bounds = array<i64: 1000, 128>}, {transform_indices = @transform_2, window_bounds = array<i64: 1000, 128>}, {pipeline_mode = #tpu.pipeline_mode<synchronous>, transform_indices = @transform_3, window_bounds = array<i64: 128, 128>}, {pipeline_mode = #tpu.pipeline_mode<synchronous>, transform_indices = @transform_4, window_bounds = array<i64: 1, 128>}, {pipeline_mode = #tpu.pipeline_mode<synchronous>, transform_indices = @transform_5, window_bounds = array<i64: 128, 128>}, {pipeline_mode = #tpu.pipeline_mode<synchronous>, transform_indices = @transform_6, window_bounds = array<i64: 1, 128>}, {transform_indices = @transform_7, window_bounds = array<i64: 1000, 128>}, {pipeline_mode = #tpu.pipeline_mode<synchronous>, transform_indices = @transform_8, window_bounds = array<i64: 1, 128>}, {pipeline_mode = #tpu.pipeline_mode<synchronous>, transform_indices = @transform_9, window_bounds = array<i64: 1, 128>}]} {
    %get3A = arith.constant 0 : index
    %get3A_0 = arith.constant 0 : index
    %get3A_1 = vector.load %arg1[%get3A, %get3A_0] : memref<1000x128xf32, #tpu.memory_space<vmem>>, vector<1000x128xf32>
    %get3A_2 = arith.constant 0 : index
    %get3A_3 = arith.constant 0 : index
    %get3A_4 = vector.load %arg2[%get3A_2, %get3A_3] : memref<1000x128xf32, #tpu.memory_space<vmem>>, vector<1000x128xf32>
    %add3A = arith.addf %get3A_1, %get3A_4 : vector<1000x128xf32>
    %get3A_5 = arith.constant 0 : index
    %get3A_6 = arith.constant 0 : index
    %get3A_7 = vector.load %arg3[%get3A_5, %get3A_6] : memref<1000x128xf32, #tpu.memory_space<vmem>>, vector<1000x128xf32>
    %add3A_8 = arith.addf %add3A, %get3A_7 : vector<1000x128xf32>
    %get3A_9 = arith.constant 0 : index
    %get3A_10 = arith.constant 0 : index
    %get3A_11 = vector.load %arg4[%get3A_9, %get3A_10] : memref<128x128xf32, #tpu.memory_space<vmem>>, vector<128x128xf32>
    %dot_general3A = arith.constant dense<0.000000e+00> : vector<1000x128xf32>
    %dot_general3A_12 = tpu.matmul %add3A_8, %get3A_11, %dot_general3A {dimension_numbers = #tpu.dot_dimension_numbers<[1], [0], [0], [1], [0, 0, 1, 1], [], []>, transpose_lhs_hint = false} : vector<1000x128xf32>, vector<128x128xf32>, vector<1000x128xf32> -> vector<1000x128xf32>
    %get3A_13 = arith.constant 0 : index
    %get3A_14 = arith.constant 0 : index
    %get3A_15 = vector.load %arg5[%get3A_13, %get3A_14] : memref<1x128xf32, #tpu.memory_space<vmem>>, vector<1x128xf32>
    %add3A_16 = vector.broadcast %get3A_15 : vector<1x128xf32> to vector<1000x128xf32>
    %add3A_17 = arith.addf %dot_general3A_12, %add3A_16 : vector<1000x128xf32>
    %max3A = arith.constant 0.000000e+00 : f32
    %max3A_18 = vector.broadcast %max3A : f32 to vector<1000x128xf32>
    %max3A_19 = arith.maximumf %add3A_17, %max3A_18 : vector<1000x128xf32>
    %get3A_20 = arith.constant 0 : index
    %get3A_21 = arith.constant 0 : index
    %get3A_22 = vector.load %arg6[%get3A_20, %get3A_21] : memref<128x128xf32, #tpu.memory_space<vmem>>, vector<128x128xf32>
    %dot_general3A_23 = arith.constant dense<0.000000e+00> : vector<1000x128xf32>
    %dot_general3A_24 = tpu.matmul %max3A_19, %get3A_22, %dot_general3A_23 {dimension_numbers = #tpu.dot_dimension_numbers<[1], [0], [0], [1], [0, 0, 1, 1], [], []>, transpose_lhs_hint = false} : vector<1000x128xf32>, vector<128x128xf32>, vector<1000x128xf32> -> vector<1000x128xf32>
    %get3A_25 = arith.constant 0 : index
    %get3A_26 = arith.constant 0 : index
    %get3A_27 = vector.load %arg7[%get3A_25, %get3A_26] : memref<1x128xf32, #tpu.memory_space<vmem>>, vector<1x128xf32>
    %add3A_28 = vector.broadcast %get3A_27 : vector<1x128xf32> to vector<1000x128xf32>
    %add3A_29 = arith.addf %dot_general3A_24, %add3A_28 : vector<1000x128xf32>
    %max3A_30 = arith.constant 0.000000e+00 : f32
    %max3A_31 = vector.broadcast %max3A_30 : f32 to vector<1000x128xf32>
    %max3A_32 = arith.maximumf %add3A_29, %max3A_31 : vector<1000x128xf32>
    %swap3A = arith.constant 0 : index
    %swap3A_33 = arith.constant 0 : index
    %swap3A_34 = vector.load %arg8[%swap3A, %swap3A_33] : memref<1000x128xf32, #tpu.memory_space<vmem>>, vector<1000x128xf32>
    tpu.vector_store %arg8[%swap3A, %swap3A_33], %max3A_32 {strides = array<i32>} : memref<1000x128xf32, #tpu.memory_space<vmem>>, vector<1000x128xf32>,
    %eq3A = arith.constant 0 : i32
    %eq3A_35 = arith.cmpi eq, %arg0, %eq3A : i32
    %convert_element_type3A = arith.extui %eq3A_35 : i1 to i32
    %cond3A = arith.constant 0 : i32
    %cond3A_36 = arith.cmpi ne, %convert_element_type3A, %cond3A : i32
    scf.if %cond3A_36 {
      %broadcast_in_dim3A_55 = arith.constant 0.000000e+00 : f32
      %broadcast_in_dim3A_56 = vector.broadcast %broadcast_in_dim3A_55 : f32 to vector<1x128xf32>
      %swap3A_57 = arith.constant 0 : index
      %swap3A_58 = arith.constant 0 : index
      %swap3A_59 = vector.load %arg9[%swap3A_57, %swap3A_58] : memref<1x128xf32, #tpu.memory_space<vmem>>, vector<1x128xf32>
      tpu.vector_store %arg9[%swap3A_57, %swap3A_58], %broadcast_in_dim3A_56 {strides = array<i32>} : memref<1x128xf32, #tpu.memory_space<vmem>>, vector<1x128xf32>,
      %broadcast_in_dim3A_60 = arith.constant 0.000000e+00 : f32
      %broadcast_in_dim3A_61 = vector.broadcast %broadcast_in_dim3A_60 : f32 to vector<1x128xf32>
      %swap3A_62 = arith.constant 0 : index
      %swap3A_63 = arith.constant 0 : index
      %swap3A_64 = vector.load %arg10[%swap3A_62, %swap3A_63] : memref<1x128xf32, #tpu.memory_space<vmem>>, vector<1x128xf32>
      tpu.vector_store %arg10[%swap3A_62, %swap3A_63], %broadcast_in_dim3A_61 {strides = array<i32>} : memref<1x128xf32, #tpu.memory_space<vmem>>, vector<1x128xf32>,
    } else {
    }
    %get3A_37 = arith.constant 0 : index
    %get3A_38 = arith.constant 0 : index
    %get3A_39 = vector.load %arg9[%get3A_37, %get3A_38] : memref<1x128xf32, #tpu.memory_space<vmem>>, vector<1x128xf32>
    %reduce_sum3A = arith.constant dense<0.000000e+00> : vector<128xf32>
    %reduce_sum3A_40 = vector.multi_reduction <add>, %max3A_32, %reduce_sum3A [0] : vector<1000x128xf32> to vector<128xf32>
    %broadcast_in_dim3A = vector.shape_cast %reduce_sum3A_40 : vector<128xf32> to vector<1x128xf32>
    %add3A_41 = arith.addf %get3A_39, %broadcast_in_dim3A : vector<1x128xf32>
    %swap3A_42 = arith.constant 0 : index
    %swap3A_43 = arith.constant 0 : index
    %swap3A_44 = vector.load %arg9[%swap3A_42, %swap3A_43] : memref<1x128xf32, #tpu.memory_space<vmem>>, vector<1x128xf32>
    tpu.vector_store %arg9[%swap3A_42, %swap3A_43], %add3A_41 {strides = array<i32>} : memref<1x128xf32, #tpu.memory_space<vmem>>, vector<1x128xf32>,
    %get3A_45 = arith.constant 0 : index
    %get3A_46 = arith.constant 0 : index
    %get3A_47 = vector.load %arg10[%get3A_45, %get3A_46] : memref<1x128xf32, #tpu.memory_space<vmem>>, vector<1x128xf32>
    %mul3A = arith.mulf %max3A_32, %max3A_32 : vector<1000x128xf32>
    %reduce_sum3A_48 = arith.constant dense<0.000000e+00> : vector<128xf32>
    %reduce_sum3A_49 = vector.multi_reduction <add>, %mul3A, %reduce_sum3A_48 [0] : vector<1000x128xf32> to vector<128xf32>
    %broadcast_in_dim3A_50 = vector.shape_cast %reduce_sum3A_49 : vector<128xf32> to vector<1x128xf32>
    %add3A_51 = arith.addf %get3A_47, %broadcast_in_dim3A_50 : vector<1x128xf32>
    %swap3A_52 = arith.constant 0 : index
    %swap3A_53 = arith.constant 0 : index
    %swap3A_54 = vector.load %arg10[%swap3A_52, %swap3A_53] : memref<1x128xf32, #tpu.memory_space<vmem>>, vector<1x128xf32>
    tpu.vector_store %arg10[%swap3A_52, %swap3A_53], %add3A_51 {strides = array<i32>} : memref<1x128xf32, #tpu.memory_space<vmem>>, vector<1x128xf32>,
    return
  }
  func.func @transform_0(%arg0: i32) -> (i32, i32) {
    %c0_i32 = arith.constant 0 : i32
    %c0_i32_0 = arith.constant 0 : i32
    return %arg0, %c0_i32 : i32, i32
  }
  func.func @transform_1(%arg0: i32) -> (i32, i32) {
    %c0_i32 = arith.constant 0 : i32
    %c0_i32_0 = arith.constant 0 : i32
    return %arg0, %c0_i32 : i32, i32
  }
  func.func @transform_2(%arg0: i32) -> (i32, i32) {
    %c0_i32 = arith.constant 0 : i32
    %c0_i32_0 = arith.constant 0 : i32
    return %arg0, %c0_i32 : i32, i32
  }
  func.func @transform_3(%arg0: i32) -> (i32, i32) {
    %c0_i32 = arith.constant 0 : i32
    %c0_i32_0 = arith.constant 0 : i32
    %c0_i32_1 = arith.constant 0 : i32
    return %c0_i32, %c0_i32_0 : i32, i32
  }
  func.func @transform_4(%arg0: i32) -> (i32, i32) {
    %c0_i32 = arith.constant 0 : i32
    %c0_i32_0 = arith.constant 0 : i32
    %c0_i32_1 = arith.constant 0 : i32
    return %c0_i32, %c0_i32_0 : i32, i32
  }
  func.func @transform_5(%arg0: i32) -> (i32, i32) {
    %c0_i32 = arith.constant 0 : i32
    %c0_i32_0 = arith.constant 0 : i32
    %c0_i32_1 = arith.constant 0 : i32
    return %c0_i32, %c0_i32_0 : i32, i32
  }
  func.func @transform_6(%arg0: i32) -> (i32, i32) {
    %c0_i32 = arith.constant 0 : i32
    %c0_i32_0 = arith.constant 0 : i32
    %c0_i32_1 = arith.constant 0 : i32
    return %c0_i32, %c0_i32_0 : i32, i32
  }
  func.func @transform_7(%arg0: i32) -> (i32, i32) {
    %c0_i32 = arith.constant 0 : i32
    %c0_i32_0 = arith.constant 0 : i32
    return %arg0, %c0_i32 : i32, i32
  }
  func.func @transform_8(%arg0: i32) -> (i32, i32) {
    %c0_i32 = arith.constant 0 : i32
    %c0_i32_0 = arith.constant 0 : i32
    %c0_i32_1 = arith.constant 0 : i32
    return %c0_i32, %c0_i32_0 : i32, i32
  }
  func.func @transform_9(%arg0: i32) -> (i32, i32) {
    %c0_i32 = arith.constant 0 : i32
    %c0_i32_0 = arith.constant 0 : i32
    %c0_i32_1 = arith.constant 0 : i32
    return %c0_i32, %c0_i32_0 : i32, i32
  }
}

module attributes {stable_mosaic.version = 14 : i64} {
  func.func @_bn_pool_body(%arg0: i32, %arg1: memref<1000x128xf32, #tpu.memory_space<vmem>>, %arg2: memref<1x128xf32, #tpu.memory_space<vmem>>, %arg3: memref<1x128xf32, #tpu.memory_space<vmem>>, %arg4: memref<1x128xf32, #tpu.memory_space<vmem>>, %arg5: memref<1x128xf32, #tpu.memory_space<vmem>>, %arg6: memref<1x1x1000xi32, #tpu.memory_space<vmem>>, %arg7: memref<1000x128xf32, #tpu.memory_space<vmem>>, %arg8: memref<64x128xf32, #tpu.memory_space<vmem>>) attributes {dimension_semantics = [#tpu.dimension_semantics<arbitrary>], iteration_bounds = array<i64: 10>, scalar_prefetch = 0 : i64, scratch_operands = 0 : i64, tpu.core_type = #tpu.core_type<tc>, window_params = [{transform_indices = @transform_0, window_bounds = array<i64: 1000, 128>}, {pipeline_mode = #tpu.pipeline_mode<synchronous>, transform_indices = @transform_1, window_bounds = array<i64: 1, 128>}, {pipeline_mode = #tpu.pipeline_mode<synchronous>, transform_indices = @transform_2, window_bounds = array<i64: 1, 128>}, {pipeline_mode = #tpu.pipeline_mode<synchronous>, transform_indices = @transform_3, window_bounds = array<i64: 1, 128>}, {pipeline_mode = #tpu.pipeline_mode<synchronous>, transform_indices = @transform_4, window_bounds = array<i64: 1, 128>}, {transform_indices = @transform_5, window_bounds = array<i64: 1, 1, 1000>}, {transform_indices = @transform_6, window_bounds = array<i64: 1000, 128>}, {pipeline_mode = #tpu.pipeline_mode<synchronous>, transform_indices = @transform_7, window_bounds = array<i64: 64, 128>}]} {
    %get3A = arith.constant 0 : index
    %get3A_0 = arith.constant 0 : index
    %get3A_1 = vector.load %arg2[%get3A, %get3A_0] : memref<1x128xf32, #tpu.memory_space<vmem>>, vector<1x128xf32>
    %mul3A = arith.constant 9.99999974E-5 : f32
    %mul3A_2 = vector.broadcast %mul3A : f32 to vector<1x128xf32>
    %mul3A_3 = arith.mulf %get3A_1, %mul3A_2 : vector<1x128xf32>
    %get3A_4 = arith.constant 0 : index
    %get3A_5 = arith.constant 0 : index
    %get3A_6 = vector.load %arg3[%get3A_4, %get3A_5] : memref<1x128xf32, #tpu.memory_space<vmem>>, vector<1x128xf32>
    %mul3A_7 = arith.constant 9.99999974E-5 : f32
    %mul3A_8 = vector.broadcast %mul3A_7 : f32 to vector<1x128xf32>
    %mul3A_9 = arith.mulf %get3A_6, %mul3A_8 : vector<1x128xf32>
    %mul3A_10 = arith.mulf %mul3A_3, %mul3A_3 : vector<1x128xf32>
    %sub3A = arith.subf %mul3A_9, %mul3A_10 : vector<1x128xf32>
    %get3A_11 = arith.constant 0 : index
    %get3A_12 = arith.constant 0 : index
    %get3A_13 = vector.load %arg4[%get3A_11, %get3A_12] : memref<1x128xf32, #tpu.memory_space<vmem>>, vector<1x128xf32>
    %add3A = arith.constant 9.99999974E-6 : f32
    %add3A_14 = vector.broadcast %add3A : f32 to vector<1x128xf32>
    %add3A_15 = arith.addf %sub3A, %add3A_14 : vector<1x128xf32>
    %sqrt3A = math.sqrt %add3A_15 : vector<1x128xf32>
    %div3A = arith.divf %get3A_13, %sqrt3A : vector<1x128xf32>
    %get3A_16 = arith.constant 0 : index
    %get3A_17 = arith.constant 0 : index
    %get3A_18 = vector.load %arg5[%get3A_16, %get3A_17] : memref<1x128xf32, #tpu.memory_space<vmem>>, vector<1x128xf32>
    %mul3A_19 = arith.mulf %mul3A_3, %div3A : vector<1x128xf32>
    %sub3A_20 = arith.subf %get3A_18, %mul3A_19 : vector<1x128xf32>
    %get3A_21 = arith.constant 0 : index
    %get3A_22 = arith.constant 0 : index
    %get3A_23 = vector.load %arg1[%get3A_21, %get3A_22] : memref<1000x128xf32, #tpu.memory_space<vmem>>, vector<1000x128xf32>
    %mul3A_24 = vector.broadcast %div3A : vector<1x128xf32> to vector<1000x128xf32>
    %mul3A_25 = arith.mulf %get3A_23, %mul3A_24 : vector<1000x128xf32>
    %add3A_26 = vector.broadcast %sub3A_20 : vector<1x128xf32> to vector<1000x128xf32>
    %add3A_27 = arith.addf %mul3A_25, %add3A_26 : vector<1000x128xf32>
    %swap3A = arith.constant 0 : index
    %swap3A_28 = arith.constant 0 : index
    %swap3A_29 = vector.load %arg7[%swap3A, %swap3A_28] : memref<1000x128xf32, #tpu.memory_space<vmem>>, vector<1000x128xf32>
    tpu.vector_store %arg7[%swap3A, %swap3A_28], %add3A_27 {strides = array<i32>} : memref<1000x128xf32, #tpu.memory_space<vmem>>, vector<1000x128xf32>,
    %get3A_30 = arith.constant 0 : index
    %get3A_31 = arith.constant 0 : index
    %get3A_32 = arith.constant 0 : index
    %get3A_33 = vector.load %arg6[%get3A_30, %get3A_31, %get3A_32] : memref<1x1x1000xi32, #tpu.memory_space<vmem>>, vector<1x1x1000xi32>
    %get3A_34 = vector.shape_cast %get3A_33 : vector<1x1x1000xi32> to vector<1x1000xi32>
    %iota3A = tpu.iota {dimensions = array<i32: 0>} : vector<64x1000xi32>
    %eq3A = vector.broadcast %get3A_34 : vector<1x1000xi32> to vector<64x1000xi32>
    %eq3A_35 = arith.cmpi eq, %iota3A, %eq3A : vector<64x1000xi32>
    %convert_element_type3A = arith.extui %eq3A_35 : vector<64x1000xi1> to vector<64x1000xi32>
    %convert_element_type3A_36 = arith.sitofp %convert_element_type3A : vector<64x1000xi32> to vector<64x1000xf32>
    %eq3A_37 = arith.constant 0 : i32
    %eq3A_38 = arith.cmpi eq, %arg0, %eq3A_37 : i32
    %convert_element_type3A_39 = arith.extui %eq3A_38 : i1 to i32
    %cond3A = arith.constant 0 : i32
    %cond3A_40 = arith.cmpi ne, %convert_element_type3A_39, %cond3A : i32
    scf.if %cond3A_40 {
      %broadcast_in_dim3A = arith.constant 0.000000e+00 : f32
      %broadcast_in_dim3A_49 = vector.broadcast %broadcast_in_dim3A : f32 to vector<64x128xf32>
      %swap3A_50 = arith.constant 0 : index
      %swap3A_51 = arith.constant 0 : index
      %swap3A_52 = vector.load %arg8[%swap3A_50, %swap3A_51] : memref<64x128xf32, #tpu.memory_space<vmem>>, vector<64x128xf32>
      tpu.vector_store %arg8[%swap3A_50, %swap3A_51], %broadcast_in_dim3A_49 {strides = array<i32>} : memref<64x128xf32, #tpu.memory_space<vmem>>, vector<64x128xf32>,
    } else {
    }
    %get3A_41 = arith.constant 0 : index
    %get3A_42 = arith.constant 0 : index
    %get3A_43 = vector.load %arg8[%get3A_41, %get3A_42] : memref<64x128xf32, #tpu.memory_space<vmem>>, vector<64x128xf32>
    %dot_general3A = arith.constant dense<0.000000e+00> : vector<64x128xf32>
    %dot_general3A_44 = tpu.matmul %convert_element_type3A_36, %add3A_27, %dot_general3A {dimension_numbers = #tpu.dot_dimension_numbers<[1], [0], [0], [1], [0, 0, 1, 1], [], []>, precision = #tpu.contract_precision<fp32>, transpose_lhs_hint = false} : vector<64x1000xf32>, vector<1000x128xf32>, vector<64x128xf32> -> vector<64x128xf32>
    %add3A_45 = arith.addf %get3A_43, %dot_general3A_44 : vector<64x128xf32>
    %swap3A_46 = arith.constant 0 : index
    %swap3A_47 = arith.constant 0 : index
    %swap3A_48 = vector.load %arg8[%swap3A_46, %swap3A_47] : memref<64x128xf32, #tpu.memory_space<vmem>>, vector<64x128xf32>
    tpu.vector_store %arg8[%swap3A_46, %swap3A_47], %add3A_45 {strides = array<i32>} : memref<64x128xf32, #tpu.memory_space<vmem>>, vector<64x128xf32>,
    return
  }
  func.func @transform_0(%arg0: i32) -> (i32, i32) {
    %c0_i32 = arith.constant 0 : i32
    %c0_i32_0 = arith.constant 0 : i32
    return %arg0, %c0_i32 : i32, i32
  }
  func.func @transform_1(%arg0: i32) -> (i32, i32) {
    %c0_i32 = arith.constant 0 : i32
    %c0_i32_0 = arith.constant 0 : i32
    %c0_i32_1 = arith.constant 0 : i32
    return %c0_i32, %c0_i32_0 : i32, i32
  }
  func.func @transform_2(%arg0: i32) -> (i32, i32) {
    %c0_i32 = arith.constant 0 : i32
    %c0_i32_0 = arith.constant 0 : i32
    %c0_i32_1 = arith.constant 0 : i32
    return %c0_i32, %c0_i32_0 : i32, i32
  }
  func.func @transform_3(%arg0: i32) -> (i32, i32) {
    %c0_i32 = arith.constant 0 : i32
    %c0_i32_0 = arith.constant 0 : i32
    %c0_i32_1 = arith.constant 0 : i32
    return %c0_i32, %c0_i32_0 : i32, i32
  }
  func.func @transform_4(%arg0: i32) -> (i32, i32) {
    %c0_i32 = arith.constant 0 : i32
    %c0_i32_0 = arith.constant 0 : i32
    %c0_i32_1 = arith.constant 0 : i32
    return %c0_i32, %c0_i32_0 : i32, i32
  }
  func.func @transform_5(%arg0: i32) -> (i32, i32, i32) {
    %c0_i32 = arith.constant 0 : i32
    %c0_i32_0 = arith.constant 0 : i32
    %c0_i32_1 = arith.constant 0 : i32
    return %arg0, %c0_i32, %c0_i32_0 : i32, i32, i32
  }
  func.func @transform_6(%arg0: i32) -> (i32, i32) {
    %c0_i32 = arith.constant 0 : i32
    %c0_i32_0 = arith.constant 0 : i32
    return %arg0, %c0_i32 : i32, i32
  }
  func.func @transform_7(%arg0: i32) -> (i32, i32) {
    %c0_i32 = arith.constant 0 : i32
    %c0_i32_0 = arith.constant 0 : i32
    %c0_i32_1 = arith.constant 0 : i32
    return %c0_i32, %c0_i32_0 : i32, i32
  }
}

</mosaic_0001>

<sc_bundles>
// kernel: kernel.11.cloned.1.call-start
scs
__scs_entry_jumppad:
0x0: {  	(pc) =	sbr.rel $0x88, $3  }
0x1: {  	(tag) =	ssettag $0x0;
	lr =	simm.s32 $0x1  }
0x2: {  	[smem:$0x3F8C] =	sst lr;
	_ =	strace $0xD0000000  }
0x3: {  	_ = 	snop  }
0x4: {  	_ = 	snop  }
0x5: {  	_ = 	snop  }
0x6: {  	_ = 	snop  }
0x7: {  	_ = 	snop  }
__scs_overlays_trampoline_lowered:
0x8: {  	[smem:$0x3F9B] =	sst s0  }
0x9: {  	[smem:$0x3F9C] =	sst s1  }
0xa: {  	[smem:$0x3F9D] =	sst s2  }
0xb: {  	[smem:$0x3F9E] =	sst s3  }
0xc: {  	[smem:$0x3F9F] =	sst s4  }
0xd: {  	[smem:$0x3FA0] =	sst s5  }
0xe: {  	[smem:$0x3FA1] =	sst s6  }
0xf: {  	[smem:$0x3FA2] =	sst s7  }
0x10: {  	[smem:$0x3FA3] =	sst s8  }
0x11: {  	[smem:$0x3FA4] =	sst s9;
	s0 =	simm.s32 @!p0 $0x0  }
0x12: {  	s1 =	sld [smem:$0x3F8A];
	s0 =	simm.s32 @p0 $0x1  }
0x13: {  	[smem:$0x3FA5] =	sst s0;
	s0 =	simm.s32 @!p1 $0x0  }
0x14: {  	s2 =	sld [smem:$0x3F89];
	s0 =	simm.s32 @p1 $0x1  }
0x15: {  	[smem:$0x3FA6] =	sst s0;
	s0 =	simm.s32 @!p2 $0x0  }
0x16: {  	s3 =	sld [smem:$0x3FDB];
	s0 =	simm.s32 @p2 $0x1  }
0x17: {  	s4 =	simm.s32 $0x1BF5;
	[smem:$0x3FA8] =	sst s0  }
0x18: {  	s0 =	sld [smem:$0x3F8B];
	_ =	swait.ge [sflag:s4], $0x0  }
0x19: {  	s7 =	sld [smem:$0x3F8C]  }
0x1a: {  	s8 =	sadd.s32 $0xFFFFE003, lr  }
0x1b: {  	s9 =	sadd.s32 $0xFFFFFEF7, lr;
	s5 =	simm.s32 $0xFFFFFFFF;
	p2 =	slt.u32 s8, $0xFFFFF086  }
0x1c: {  	p1 =	slt.u32 s9, $0xF7A;
	s5 =	simm.s32 @!p2 $0x0  }
0x1d: {  	s5 =	simm.s32 @p1 $0x1;
	p0 =	seq.s32 s7, s2  }
0x1e: {  	s7 =	smul.u32 @!p0 $0xF7A, s2;
	p2 =	seq.s32 @!p0 s5, $0x0  }
0x1f: {  	s9 =	smul.u32 $0xF7A, s1;
	s8 =	simm.s32 @!p0 $0x1BF5;
	p2 =	por !p2, p0  }
0x20: {  	[sflag:s8] =	ssyncset.s32 @!p0 $0xFFFFF086;
	s6 =	sadd.s32 @!p0 s3, s7;
	s7 =	simm.s32 @!p0 $0x108  }
0x21: {  	s3 =	sadd.s32 s3, s9;
	s6 =	sadd.s32 @!p0 $0x88, s6;
	s7 =	simm.s32 @p2 $0x1082  }
0x22: {  	[simem:s7], [sflag:s8] =	dma.local @!p0 [hbm:s6], $0xF7A  }
0x23: {  	s9 =	sor.u32 $0xD0000000, s2;
	s6 =	simm.s32 $0x108;
	_ =	swait.ge @!p0 [sflag:s8], $0x0  }
0x24: {  	s3 =	sadd.s32 $0x88, s3;
	s6 =	simm.s32 @!p1 $0x1082;
	[sflag:s4] =	ssyncset.s32 $0xFFFFF086  }
0x25: {  	[simem:s6], [sflag:s4] =	dma.local [hbm:s3], $0xF7A  }
0x26: {  	[smem:$0x3F8C] =	sst s1;
	(tag) =	ssettag s2;
	_ =	strace s9  }
0x27: {  	s1 =	sld [smem:$0x3F9C]  }
0x28: {  	s2 =	sld [smem:$0x3F9D]  }
0x29: {  	s4 =	sld [smem:$0x3F9F]  }
0x2a: {  	p0 =	seq.s32 s5, $0x0;
	s5 =	sld [smem:$0x3FA0]  }
0x2b: {  	s6 =	sld [smem:$0x3FA1]  }
0x2c: {  	s7 =	sld [smem:$0x3FA2]  }
0x2d: {  	s3 =	simm.s32 $0x108;
	s8 =	sld [smem:$0x3FA3]  }
0x2e: {  	s3 =	simm.s32 @!p0 $0x1082;
	s9 =	sld [smem:$0x3FA4]  }
0x2f: {  	lr =	sadd.s32 s0, s3;
	s0 =	sld [smem:$0x3F9B]  }
0x30: {  	s3 =	sld [smem:$0x3F9E]  }
0x31: {  	[smem:$0x3FA7] =	sst s10  }
0x32: {  	s10 =	sld [smem:$0x3FA5];
	_ =	sdelay $0x3  }
0x33: {  	p0 =	seq.s32 s10, $0x1;
	s10 =	sld [smem:$0x3FA7];
	_ =	sdelay $0x3  }
0x34: {  	[smem:$0x3FA7] =	sst s10  }
0x35: {  	s10 =	sld [smem:$0x3FA6];
	_ =	sdelay $0x3  }
0x36: {  	p1 =	seq.s32 s10, $0x1;
	s10 =	sld [smem:$0x3FA7];
	_ =	sdelay $0x3  }
0x37: {  	[smem:$0x3FA7] =	sst s10  }
0x38: {  	s10 =	sld [smem:$0x3FA8]  }
0x39: {  	_ = 	snop;
	(pc) =	sbr.ind lr, $3  }
0x3a: {  	_ = 	snop  }
0x3b: {  	_ = 	snop  }
0x3c: {  	p2 =	seq.s32 s10, $0x1;
	s10 =	sld [smem:$0x3FA7]  }
0x3d: {  	_ =	shalt  }
0x3e: {  	_ =	shalt  }
0x3f: {  	_ =	shalt  }
0x40: {  	_ =	shalt  }
0x41: {  	_ =	shalt  }
0x42: {  	_ =	shalt  }
0x43: {  	_ =	shalt  }
0x44: {  	_ =	shalt  }
0x45: {  	_ =	shalt  }
0x46: {  	_ =	shalt  }
0x47: {  	_ =	shalt  }
0x48: {  	_ =	shalt  }
0x49: {  	_ =	shalt  }
0x4a: {  	_ =	shalt  }
0x4b: {  	_ =	shalt  }
0x4c: {  	_ =	shalt  }
0x4d: {  	_ =	shalt  }
0x4e: {  	_ =	shalt  }
0x4f: {  	_ =	shalt  }
0x50: {  	_ =	shalt  }
0x51: {  	_ =	shalt  }
0x52: {  	_ =	shalt  }
0x53: {  	_ =	shalt  }
0x54: {  	_ =	shalt  }
0x55: {  	_ =	shalt  }
0x56: {  	_ =	shalt  }
0x57: {  	_ =	shalt  }
0x58: {  	_ =	shalt  }
0x59: {  	_ =	shalt  }
0x5a: {  	_ =	shalt  }
0x5b: {  	_ =	shalt  }
0x5c: {  	_ =	shalt  }
0x5d: {  	_ =	shalt  }
0x5e: {  	_ =	shalt  }
0x5f: {  	_ =	shalt  }
0x60: {  	_ =	shalt  }
0x61: {  	_ =	shalt  }
0x62: {  	_ =	shalt  }
0x63: {  	_ =	shalt  }
0x64: {  	_ =	shalt  }
0x65: {  	_ =	shalt  }
0x66: {  	_ =	shalt  }
0x67: {  	_ =	shalt  }
0x68: {  	_ =	shalt  }
0x69: {  	_ =	shalt  }
0x6a: {  	_ =	shalt  }
0x6b: {  	_ =	shalt  }
0x6c: {  	_ =	shalt  }
0x6d: {  	_ =	shalt  }
0x6e: {  	_ =	shalt  }
0x6f: {  	_ =	shalt  }
0x70: {  	_ =	shalt  }
0x71: {  	_ =	shalt  }
0x72: {  	_ =	shalt  }
0x73: {  	_ =	shalt  }
0x74: {  	_ =	shalt  }
0x75: {  	_ =	shalt  }
0x76: {  	_ =	shalt  }
0x77: {  	_ =	shalt  }
0x78: {  	_ =	shalt  }
0x79: {  	_ =	shalt  }
0x7a: {  	_ =	shalt  }
0x7b: {  	_ =	shalt  }
0x7c: {  	_ =	shalt  }
0x7d: {  	_ =	shalt  }
0x7e: {  	_ =	shalt  }
0x7f: {  	_ =	shalt  }
0x80: {  	_ =	shalt  }
0x81: {  	_ =	shalt  }
0x82: {  	_ =	shalt  }
0x83: {  	_ =	shalt  }
0x84: {  	_ =	shalt  }
0x85: {  	_ =	shalt  }
0x86: {  	_ =	shalt  }
0x87: {  	_ =	shalt  }
.Lfunc_end0:
.L_simem_size_0:
called_computation_lowered:
.L_overlay_start_0:
0x88: {  	s2 =	sld [smem:$0x3FD9]  }
0x89: {  	s3 =	sld [smem:$0x3FFE];
	_ =	sdelay $0x1  }
0x8a: {  	s1 =	srdreg.scid  }
0x8b: {  	s0 =	sand.u32 $0x1, s1  }
0x8c: {  	s14 =	sshll.u32 s0, $0xA;
	s2 =	sadd.s32 s3, s2  }
0x8d: {  	s2 =	sadd.s32 s2, s14  }
0x8e: {  	[smem:$0x3FB3] =	sst s2  }
0x8f: {  	_ = 	snop  }
0x90: {  	s2 =	sld [smem:$0x3FD0];
	_ =	sdelay $0x2  }
0x91: {  	s4 =	simm.s32 $0xA;
	s5 =	simm.s32 $0x10;
	s15 =	sld [smem:$0x3FC9]  }
0x92: {  	[smem:s5], [sflag:s4] =	dma.local [hbm:s2], $0x1  }
0x93: {  	_ =	swait.eq [sflag:s4], $0x1  }
0x94: {  	[sflag:s4] =	ssyncset.done $0x0  }
0x95: {  	[sflag:s4] =	ssyncadd.s32 $0xFFFFFFFF  }
0x96: {  	s16 =	sld [smem:$0x10];
	(tm) =	ssettm $0x1  }
0x97: {  	s17 =	sld [smem:$0x3FFB];
	_ =	sdelay $0x3  }
0x98: {  	_ =	strace s17  }
0x99: {  	s4 =	sld [smem:$0x3FFC];
	_ =	sdelay $0x3  }
0x9a: {  	_ =	strace s4  }
0x9b: {  	s4 =	sld [smem:$0x3FFD];
	_ =	sdelay $0x3  }
0x9c: {  	_ =	strace s4  }
0x9d: {  	_ =	strace $0x8FFFFFFF  }
0x9e: {  	s18 =	sld [smem:$0x3FDB];
	_ =	sdelay $0x1  }
0x9f: {  	s19 =	simm.s32 $_scs_section_size  }
0xa0: {  	s6 =	simm.s32 $_size__tile_overlayer_lowered;
	s7 =	simm.s32 $_tile_overlayer_lowered  }
0xa1: {  	s22 =	simm.s32 $0x1BFF;
	s21 =	sshll.u32 s7, $0x1;
	s4 =	sadd.s32 s19, s18  }
0xa2: {  	s8 =	simm.s32 $0x0;
	s20 =	sshll.u32 s6, $0x1;
	s6 =	sadd.s32 s21, s4  }
0xa3: {  	[timem:s8], [sflag:s22] =	dma.local [hbm:s6], s20  }
0xa4: {  	_ =	swait.ge [sflag:s22], s20  }
0xa5: {  	s5 =	ssub.s32 $0x0, s20;
	[sflag:s22] =	ssyncset.done $0x0  }
0xa6: {  	[sflag:s22] =	ssyncadd.s32 s5;
	_ =	sdelay $0x1  }
0xa7: {  	s23 =	simm.s32 $0x1B8B  }
0xa8: {  	_ =	swait.ge [sflag:s23], $0x1  }
0xa9: {  	[sflag:s23] =	ssyncset.done $0x0  }
0xaa: {  	s25 =	simm.s32 $0x1B8E;
	s24 =	sld [smem:$0x3FFE];
	[sflag:s23] =	ssyncadd.s32 $0xFFFFFFFF  }
0xab: {  	s26 =	simm.s32 $execute0_lowered;
	[smem:$0x3FD2] =	sst s25  }
0xac: {  	s6 =	sshll.u32 s26, $0x1;
	_ =	strace $0x80000046;
	[dreg:$0x1] =	wrdreg $0xFFFFFFFF  }
0xad: {  	s28 =	simm.s32 $_size_execute0_lowered;
	s4 =	sadd.s32 s4, s6;
	[dreg:$0x0] =	wrdreg $0x0  }
0xae: {  	s6 =	sshll.u32 s28, $0x1;
	[dreg:$0x2] =	wrdreg s4  }
0xaf: {  	[dreg:$0x3] =	wrdreg s6  }
0xb0: {  	[dreg:$0x4] =	wrdreg $0xC0  }
0xb1: {  	_ =	task [dreg:s8], $0x5FFFF  }
0xb2: {  	[dreg:$0x1] =	wrdreg $0xFFFFFFFF  }
0xb3: {  	[dreg:$0x0] =	wrdreg $0x60  }
0xb4: {  	[dreg:$0x2] =	wrdreg s15  }
0xb5: {  	[dreg:$0x3] =	wrdreg s24  }
0xb6: {  	[dreg:$0x4] =	wrdreg s16  }
0xb7: {  	[dreg:$0x5] =	wrdreg $0x0  }
0xb8: {  	[dreg:$0x6] =	wrdreg $0x9  }
0xb9: {  	_ =	task.clear_ibuf [dreg:s8], $0x7FFFF;
	_ =	strace $0x90000046  }
0xba: {  	s29 =	simm.s32 $0x9;
	_ =	strace $0x80000048  }
0xbb: {  	_ =	swait.ge [sflag:s29], $0x1  }
0xbc: {  	[sflag:s29] =	ssyncadd.s32 $0xFFFFFFFF  }
0xbd: {  	_ =	strace $0x90000048  }
0xbe: {  	_ =	sfence  }
0xbf: {  	s30 =	sld [smem:$0x0];
	_ =	sdelay $0x2  }
0xc0: {  	s31 =	sshll.u32 s1, $0xD;
	s1 =	sshrl.u32 s1, $0x2  }
0xc1: {  	s3 =	sand.u32 $0x4000, s31;
	s1 =	sadd.s32 s1, s30  }
0xc2: {  	s0 =	sor.u32 s3, s0;
	s1 =	sshll.u32 s1, $0x11  }
0xc3: {  	s0 =	sor.u32 s1, s0  }
0xc4: {  	s0 =	sadd.s32 $0x8F2B, s0  }
0xc5: {  	[sflag:s0] =	ssyncadd.remote.s32 $0x1  }
0xc6: {  	_ =	sfence.sel $0xFFFF  }
0xc7: {  	[dreg:$0x0] =	wrdreg $0xFFFFFFFF;
	(pc) =	sbr.abs _section_cstart, $3  }
0xc8: {  	[dreg:$0x1] =	wrdreg $0xFFFFFFFF  }
0xc9: {  	_ =	task.clear_ibuf [dreg:s8], $0x2FFFF;
	_ =	strace $0x9FFFFFFF  }
0xca: {  	(tm) =	ssettm $0x7FFFFFFF  }
0xcb: {  	_ =	shalt  }
tec
execute0_lowered:
.L_overlay_start_1:
0x0: {  	(tag) =	ssettag $0x1  }
0x1: {  	s1 =	rddreg [dreg:$0x0]  }
0x2: {  	s0 =	rddreg [dreg:$0x1]  }
0x3: {  	s2 =	rddreg [dreg:$0x2]  }
0x4: {  	s3 =	rddreg [dreg:$0x3]  }
0x5: {  	s5 =	srdreg.scid;
	s14 =	stileid.u32;
	s4 =	simm.s32 $0x0  }
0x6: {  	s28 =	simm.s32 $0x50;
	s29 =	simm.s32 $0x17D80;
	s30 =	simm.s32 $0x1A580  }
0x7: {  	s31 =	simm.s32 $0x1CD80;
	s6 =	sand.u32 $0x1, s5;
	s8 =	smul.u32 $0x13C00, s14  }
0x8: {  	s13 =	sshll.u32 s14, $0x1;
	[smem:$0x7FF] =	sst s4;
	s12 =	smul.u32 $0x4F000, s14  }
0x9: {  	s5 =	sadd.s32 $0x15200, s0;
	s19 =	sshll.u32 s14, $0x6;
	s20 =	smul.u32 $0x4EC0, s14  }
0xa: {  	s7 =	sor.u32 s6, s13;
	_ =	strace $0x80000047;
	s18 =	smul.u32 $0x13C000, s6  }
0xb: {  	s11 =	ssub.s32 $0x2, s6;
	[dreg:$0x6] =	wrdreg s19;
	s6 =	smul.u32 $0x2760, s6  }
0xc: {  	s9 =	sshll.u32 s7, $0xB;
	s10 =	sshrl.u32 s8, $0x3;
	s15 =	sshrl.u32 s11, $0x1  }
0xd: {  	s17 =	sshrl.u32 s12, $0x2;
	s7 =	smul.u32 $0x2760, s7;
	s13 =	sadd.s32 s9, s0  }
0xe: {  	s0 =	sadd.s32 s10, s0;
	s16 =	ssub.s32 s11, s15;
	s11 =	sadd.s32 s17, s3  }
0xf: {  	s9 =	sor.u32 $0x1C07, s19;
	s6 =	sadd.s32 s6, s20;
	s20 =	simm.s32 $0x17C00  }
0x10: {  	s19 =	simm.s32 $0x2;
	s0 =	sadd.s32 $0x1F000, s0;
	s7 =	sshrl.u32 s7, $0x3  }
0x11: {  	[dreg:$0x7] =	wrdreg s9;
	s21 =	sadd.s32 $0x5200, s13;
	s24 =	sadd.s32 $0x190, s6  }
0x12: {  	s25 =	sadd.s32 $0x140, s6;
	s26 =	smax.u32 s16, $0x1;
	[dreg:$0x5] =	wrdreg s0  }
0x13: {  	s17 =	sadd.s32 $0xF0, s6;
	s6 =	simm.s32 $0x3;
	[dreg:$0x8] =	wrdreg s21  }
0x14: {  	s9 =	sadd.s32 s5, s7;
	s0 =	sadd.s32 s8, s18;
	[dreg:$0xc] =	wrdreg s26  }
0x15: {  	s18 =	sshrl.u32 s11, $0x3;
	s21 =	simm.s32 $0x17C80;
	s22 =	sadd.s32 $0xA, s9  }
0x16: {  	s26 =	simm.s32 $0x7;
	s23 =	sadd.s32 $0x14, s9;
	[dreg:$0x9] =	wrdreg s22  }
0x17: {  	s8 =	simm.s32 $0x0;
	s0 =	sshrl.u32 s0, $0x3;
	[dreg:$0xa] =	wrdreg s23  }
0x18: {  	s0 =	sadd.s32 s2, s0;
	s2 =	sshrl.u32 s25, $0x3;
	s22 =	simm.s32 $0x17D00  }
0x19: {  	s23 =	simm.s32 $0x4;
	s25 =	simm.s32 $0x6;
	[dreg:$0xb] =	wrdreg s0  }
0x1a: {  	s0 =	sshrl.u32 s24, $0x3;
	s16 =	sadd.s32 s2, s5;
	s24 =	simm.s32 $0x5  }
0x1b: {  	s2 =	simm.s32 $0x8;
	s15 =	sadd.s32 s0, s5;
	s0 =	simm.s32 $0x1  }
.LBB2_1:
0x1c: {  	s7 =	rddreg [dreg:$0x5]  }
0x1d: {  	s10 =	rddreg [dreg:$0x7]  }
0x1e: {  	[spmem:s18], [sflag:s10] =	dma.local [hbm:s7], $0x2780  }
0x1f: {  	s13 =	simm.s32 $0x13C00;
	s7 =	rddreg [dreg:$0x8]  }
0x20: {  	[tilespmem:s13], [sflag:$0x4] =	stream.linear.gather [hbm4b:s7+s4], $0x3F00, $0x38;
	[tilespmem:$0x1F580] =	vst v63  }
0x21: {  	_ = 	snop  }
0x22: {  	[tilespmem:s20], [sflag:$0x4] =	stream.linear.gather [hbm4b:s9+s4], $0x50, $0x38;
	[tilespmem:$0x1F580] =	vst v63  }
0x23: {  	s14 =	rddreg [dreg:$0x9]  }
0x24: {  	[tilespmem:s21], [sflag:$0x5] =	stream.linear.gather [hbm4b:s14+s4], $0x50, $0x38;
	[tilespmem:$0x1F580] =	vst v63  }
0x25: {  	s10 =	rddreg [dreg:$0xa]  }
0x26: {  	[tilespmem:s22], [sflag:$0x6] =	stream.linear.gather [hbm4b:s10+s4], $0x50, $0x38;
	[tilespmem:$0x1F580] =	vst v63  }
0x27: {  	_ =	swait.ge [sflag:s23], $0x3F00  }
0x28: {  	[sflag:s23] =	ssyncset.done $0x0  }
0x29: {  	[sflag:s23] =	ssyncadd.s32 $0xFFFFC100  }
0x2a: {  	_ =	swait.ge [sflag:s23], $0x50  }
0x2b: {  	[sflag:s23] =	ssyncset.done $0x0  }
0x2c: {  	[sflag:s23] =	ssyncadd.s32 $0xFFFFFFB0  }
0x2d: {  	_ =	swait.ge [sflag:s24], $0x50  }
0x2e: {  	[sflag:s24] =	ssyncset.done $0x0  }
0x2f: {  	[sflag:s24] =	ssyncadd.s32 $0xFFFFFFB0  }
0x30: {  	_ =	swait.ge [sflag:s25], $0x50  }
0x31: {  	[sflag:s25] =	ssyncset.done $0x0  }
0x32: {  	[sflag:s25] =	ssyncadd.s32 $0xFFFFFFB0  }
0x33: {  	_ =	swait.ge [sflag:s26], $0x2780  }
0x34: {  	[sflag:s26] =	ssyncset.done $0x0  }
0x35: {  	[sflag:s26] =	ssyncadd.s32 $0xFFFFD880  }
0x36: {  	[bflag:$0x0] =	sbarrier.arrive $0xFFFF  }
0x37: {  	[tilespmem:s29], [sflag:$0x1] =	stream.indirect.gather [hbm4b:s1+s28], $0x80, s20, s28, $0xb8;
	[tilespmem:$0x1F580] =	vst v63  }
0x38: {  	_ = 	snop  }
0x39: {  	[tilespmem:s30], [sflag:$0x2] =	stream.indirect.gather [hbm4b:s1+s28], $0x80, s21, s28, $0xb8;
	[tilespmem:$0x1F580] =	vst v63  }
0x3a: {  	_ = 	snop  }
0x3b: {  	[tilespmem:s31], [sflag:$0x3] =	stream.indirect.gather [hbm4b:s1+s28], $0x80, s22, s28, $0xb8;
	[tilespmem:$0x1F580] =	vst v63  }
0x3c: {  	_ =	swait.ge [sflag:s0], $0x2800  }
0x3d: {  	s11 =	sshrl.u32 s17, $0x3;
	[sflag:s0] =	ssyncset.done $0x0  }
0x3e: {  	s7 =	sadd.s32 s5, s11;
	[sflag:s0] =	ssyncadd.s32 $0xFFFFD800  }
0x3f: {  	[tilespmem:s20], [sflag:$0x4] =	stream.linear.gather [hbm4b:s7+s4], $0x50, $0x38;
	[tilespmem:$0x1F580] =	vst v63  }
0x40: {  	s12 =	simm.s32 $0x13C00  }
0x41: {  	[spmem:s3] =	stream.indirect.scatter.add.f32 [tilespmem:s29], [sflag:$0x8], $0x80, s12, s28, $0xb8;
	[tilespmem:$0x1F580] =	vst v63  }
0x42: {  	_ =	swait.ge [sflag:s2], $0x2800  }
0x43: {  	[sflag:s2] =	ssyncset.done $0x0  }
0x44: {  	[sflag:s2] =	ssyncadd.s32 $0xFFFFD800  }
0x45: {  	_ =	swait.ge [sflag:s23], $0x50  }
0x46: {  	[sflag:s23] =	ssyncset.done $0x0  }
0x47: {  	[sflag:s23] =	ssyncadd.s32 $0xFFFFFFB0  }
0x48: {  	[tilespmem:s29], [sflag:$0x1] =	stream.indirect.gather [hbm4b:s1+s28], $0x80, s20, s28, $0xb8;
	[tilespmem:$0x1F580] =	vst v63  }
0x49: {  	_ =	swait.ge [sflag:s19], $0x2800  }
0x4a: {  	[sflag:s19] =	ssyncset.done $0x0  }
0x4b: {  	[sflag:s19] =	ssyncadd.s32 $0xFFFFD800  }
0x4c: {  	[tilespmem:s21], [sflag:$0x5] =	stream.linear.gather [hbm4b:s16+s4], $0x50, $0x38;
	[tilespmem:$0x1F580] =	vst v63  }
0x4d: {  	s13 =	simm.s32 $0x13C80  }
0x4e: {  	[spmem:s3] =	stream.indirect.scatter.add.f32 [tilespmem:s30], [sflag:$0x8], $0x80, s13, s28, $0xb8;
	[tilespmem:$0x1F580] =	vst v63  }
0x4f: {  	_ =	swait.ge [sflag:s2], $0x2800  }
0x50: {  	[sflag:s2] =	ssyncset.done $0x0  }
0x51: {  	[sflag:s2] =	ssyncadd.s32 $0xFFFFD800  }
0x52: {  	_ =	swait.ge [sflag:s24], $0x50  }
0x53: {  	[sflag:s24] =	ssyncset.done $0x0  }
0x54: {  	[sflag:s24] =	ssyncadd.s32 $0xFFFFFFB0  }
0x55: {  	[tilespmem:s30], [sflag:$0x2] =	stream.indirect.gather [hbm4b:s1+s28], $0x80, s21, s28, $0xb8;
	[tilespmem:$0x1F580] =	vst v63  }
0x56: {  	_ =	swait.ge [sflag:s6], $0x2800  }
0x57: {  	[sflag:s6] =	ssyncset.done $0x0  }
0x58: {  	[sflag:s6] =	ssyncadd.s32 $0xFFFFD800  }
0x59: {  	[tilespmem:s22], [sflag:$0x6] =	stream.linear.gather [hbm4b:s15+s4], $0x50, $0x38;
	[tilespmem:$0x1F580] =	vst v63  }
0x5a: {  	s14 =	simm.s32 $0x13D00  }
0x5b: {  	[spmem:s3] =	stream.indirect.scatter.add.f32 [tilespmem:s31], [sflag:$0x8], $0x80, s14, s28, $0xb8;
	[tilespmem:$0x1F580] =	vst v63  }
0x5c: {  	_ =	swait.ge [sflag:s2], $0x2800  }
0x5d: {  	[sflag:s2] =	ssyncset.done $0x0  }
0x5e: {  	[sflag:s2] =	ssyncadd.s32 $0xFFFFD800  }
0x5f: {  	_ =	swait.ge [sflag:s25], $0x50  }
0x60: {  	s11 =	sadd.s32 $0xF0, s17;
	s10 =	simm.s32 $0x600;
	[sflag:s25] =	ssyncset.done $0x0  }
0x61: {  	s7 =	sadd.s32 $0x1E, s15;
	s12 =	sadd.s32 $0x1E, s16;
	[sflag:s25] =	ssyncadd.s32 $0xFFFFFFB0  }
.LBB2_2:
0x62: {  	[tilespmem:s31], [sflag:$0x3] =	stream.indirect.gather [hbm4b:s1+s28], $0x80, s22, s28, $0xb8;
	[tilespmem:$0x1F580] =	vst v63  }
0x63: {  	s13 =	smov.u32 s10  }
0x64: {  	p0 =	sne.s32 s10, $0xF000;
	s10 =	sadd.s32 $0x600, s10;
	_ =	swait.ge [sflag:s0], $0x2800  }
0x65: {  	s14 =	sshrl.u32 s11, $0x3;
	[sflag:s0] =	ssyncset.done $0x0  }
0x66: {  	s14 =	sadd.s32 s5, s14;
	s13 =	sshra.s32 s13, $0x2;
	[sflag:s0] =	ssyncadd.s32 $0xFFFFD800  }
0x67: {  	[tilespmem:s20], [sflag:$0x4] =	stream.linear.gather [hbm4b:s14+s4], $0x50, $0x38;
	[tilespmem:$0x1F580] =	vst v63  }
0x68: {  	s14 =	sadd.s32 $0x13C00, s13  }
0x69: {  	[spmem:s3] =	stream.indirect.scatter.add.f32 [tilespmem:s29], [sflag:$0x8], $0x80, s14, s28, $0xb8;
	[tilespmem:$0x1F580] =	vst v63  }
0x6a: {  	_ =	swait.ge [sflag:s2], $0x2800  }
0x6b: {  	[sflag:s2] =	ssyncset.done $0x0  }
0x6c: {  	[sflag:s2] =	ssyncadd.s32 $0xFFFFD800  }
0x6d: {  	_ =	swait.ge [sflag:s23], $0x50  }
0x6e: {  	[sflag:s23] =	ssyncset.done $0x0  }
0x6f: {  	[sflag:s23] =	ssyncadd.s32 $0xFFFFFFB0  }
0x70: {  	[tilespmem:s29], [sflag:$0x1] =	stream.indirect.gather [hbm4b:s1+s28], $0x80, s20, s28, $0xb8;
	[tilespmem:$0x1F580] =	vst v63  }
0x71: {  	_ =	swait.ge [sflag:s19], $0x2800  }
0x72: {  	[sflag:s19] =	ssyncset.done $0x0  }
0x73: {  	[sflag:s19] =	ssyncadd.s32 $0xFFFFD800  }
0x74: {  	[tilespmem:s21], [sflag:$0x5] =	stream.linear.gather [hbm4b:s12+s4], $0x50, $0x38;
	[tilespmem:$0x1F580] =	vst v63  }
0x75: {  	s14 =	sadd.s32 $0x13C80, s13  }
0x76: {  	[spmem:s3] =	stream.indirect.scatter.add.f32 [tilespmem:s30], [sflag:$0x8], $0x80, s14, s28, $0xb8;
	[tilespmem:$0x1F580] =	vst v63  }
0x77: {  	_ =	swait.ge [sflag:s2], $0x2800  }
0x78: {  	[sflag:s2] =	ssyncset.done $0x0  }
0x79: {  	[sflag:s2] =	ssyncadd.s32 $0xFFFFD800  }
0x7a: {  	_ =	swait.ge [sflag:s24], $0x50  }
0x7b: {  	[sflag:s24] =	ssyncset.done $0x0  }
0x7c: {  	[sflag:s24] =	ssyncadd.s32 $0xFFFFFFB0  }
0x7d: {  	[tilespmem:s30], [sflag:$0x2] =	stream.indirect.gather [hbm4b:s1+s28], $0x80, s21, s28, $0xb8;
	[tilespmem:$0x1F580] =	vst v63  }
0x7e: {  	_ =	swait.ge [sflag:s6], $0x2800  }
0x7f: {  	[sflag:s6] =	ssyncset.done $0x0  }
0x80: {  	[sflag:s6] =	ssyncadd.s32 $0xFFFFD800  }
0x81: {  	[tilespmem:s22], [sflag:$0x6] =	stream.linear.gather [hbm4b:s7+s4], $0x50, $0x38;
	[tilespmem:$0x1F580] =	vst v63  }
0x82: {  	s13 =	sadd.s32 $0x13D00, s13  }
0x83: {  	[spmem:s3] =	stream.indirect.scatter.add.f32 [tilespmem:s31], [sflag:$0x8], $0x80, s13, s28, $0xb8;
	[tilespmem:$0x1F580] =	vst v63  }
0x84: {  	_ =	swait.ge [sflag:s2], $0x2800  }
.Ltmp0:
0x85: {  	[sflag:s2] =	ssyncset.done $0x0;
	(pc) =	sbr.rel @p0 .LBB2_2-.Ltmp0, $4  }
0x86: {  	[sflag:s2] =	ssyncadd.s32 $0xFFFFD800  }
0x87: {  	_ =	swait.ge [sflag:s25], $0x50  }
0x88: {  	s11 =	sadd.s32 $0xF0, s11;
	[sflag:s25] =	ssyncset.done $0x0  }
0x89: {  	s12 =	sadd.s32 $0x1E, s12;
	s7 =	sadd.s32 $0x1E, s7;
	[sflag:s25] =	ssyncadd.s32 $0xFFFFFFB0  }
0x8a: {  	[tilespmem:s31], [sflag:$0x3] =	stream.indirect.gather [hbm4b:s1+s28], $0x80, s22, s28, $0xb8;
	[tilespmem:$0x1F580] =	vst v63  }
0x8b: {  	_ =	swait.ge [sflag:s0], $0x2800  }
0x8c: {  	[sflag:s0] =	ssyncset.done $0x0  }
0x8d: {  	s7 =	simm.s32 $0x17980;
	[sflag:s0] =	ssyncadd.s32 $0xFFFFD800  }
0x8e: {  	[spmem:s3] =	stream.indirect.scatter.add.f32 [tilespmem:s29], [sflag:$0x8], $0x80, s7, s28, $0xb8;
	[tilespmem:$0x1F580] =	vst v63  }
0x8f: {  	_ =	swait.ge [sflag:s2], $0x2800  }
0x90: {  	[sflag:s2] =	ssyncset.done $0x0  }
0x91: {  	[sflag:s2] =	ssyncadd.s32 $0xFFFFD800  }
0x92: {  	_ =	swait.ge [sflag:s19], $0x2800  }
0x93: {  	[sflag:s19] =	ssyncset.done $0x0  }
0x94: {  	s11 =	simm.s32 $0x17A00;
	[sflag:s19] =	ssyncadd.s32 $0xFFFFD800  }
0x95: {  	[spmem:s3] =	stream.indirect.scatter.add.f32 [tilespmem:s30], [sflag:$0x8], $0x80, s11, s28, $0xb8;
	[tilespmem:$0x1F580] =	vst v63  }
0x96: {  	_ =	swait.ge [sflag:s2], $0x2800  }
0x97: {  	[sflag:s2] =	ssyncset.done $0x0  }
0x98: {  	[sflag:s2] =	ssyncadd.s32 $0xFFFFD800  }
0x99: {  	_ =	swait.ge [sflag:s6], $0x2800  }
0x9a: {  	[sflag:s6] =	ssyncset.done $0x0  }
0x9b: {  	s12 =	simm.s32 $0x17A80;
	[sflag:s6] =	ssyncadd.s32 $0xFFFFD800  }
0x9c: {  	[spmem:s3] =	stream.indirect.scatter.add.f32 [tilespmem:s31], [sflag:$0x8], $0x80, s12, s28, $0xb8;
	[tilespmem:$0x1F580] =	vst v63  }
0x9d: {  	_ =	swait.ge [sflag:s2], $0x2800  }
0x9e: {  	[sflag:s2] =	ssyncset.done $0x0  }
0x9f: {  	[sflag:s2] =	ssyncadd.s32 $0xFFFFD800  }
0xa0: {  	[bflag:$0x0] =	sbarrier.arrive $0xFFFF  }
0xa1: {  	s13 =	rddreg [dreg:$0x6]  }
0xa2: {  	s10 =	rddreg [dreg:$0xb];
	s7 =	sor.u32 $0x1C08, s13  }
0xa3: {  	[hbm:s10], [sflag:s7] =	dma.local [spmem:s18], $0x2780  }
0xa4: {  	_ =	swait.ge [sflag:s2], $0x2780  }
0xa5: {  	s8 =	sadd.s32 $0x1, s8;
	s14 =	rddreg [dreg:$0xc]  }
0xa6: {  	p0 =	sne.s32 s8, s14  }
.Ltmp1:
0xa7: {  	_ = 	snop;
	(pc) =	sbr.rel @p0 .LBB2_1-.Ltmp1, $3  }
0xa8: {  	_ =	sdelay $0x1  }
0xa9: {  	[sflag:s2] =	ssyncset.done $0x0  }
0xaa: {  	[sflag:s2] =	ssyncadd.s32 $0xFFFFD880  }
0xab: {  	_ =	sfence.sel $0x180000  }
0xac: {  	[bflag:$0x0] =	sbarrier.arrive $0xFFFF  }
0xad: {  	_ =	strace $0x90000047  }
0xae: {  	s0 =	stileid.u32;
	[bflag:$0x2] =	sbarrier.arrive $0xFFFF  }
0xaf: {  	p0 =	sne.s32 s0, $0x0;
	s0 =	rddreg [dreg:$0x4]  }
0xb0: {  	s0 =	sadd.s32 @!p0 $0x100000, s0  }
0xb1: {  	[sflag:s0] =	ssyncadd.tile.s32 @!p0 $0x1;
	_ =	shalt  }
.Lfunc_end2:
_tile_overlayer_lowered:
.L_overlay_start_2:
0xb2: {  	(tag) =	ssettag $0x2  }
0xb3: {  	s0 =	rddreg [dreg:$0x0];
	s2 =	stileid.u32  }
0xb4: {  	s1 =	rddreg [dreg:$0x1];
	p0 =	sne.s32 s2, $0x0  }
0xb5: {  	s3 =	rddreg [dreg:$0x2];
	[bflag:$0x3] =	sbarrier.arrive $0xFFFF;
	s2 =	simm.s32 @!p0 $0x1C08  }
0xb6: {  	[timem:s3], [sflag:s2] =	dma.local @!p0 [hbm:s0], s1  }
0xb7: {  	s0 =	simm.s32 @!p0 $0x8  }
0xb8: {  	_ =	swait.ge @!p0 [sflag:s0], s1  }
0xb9: {  	s1 =	ssub.s32 @!p0 $0x0, s1;
	[sflag:s0] =	ssyncset.done @!p0 $0x0  }
0xba: {  	[sflag:s0] =	ssyncadd.s32 @!p0 s1  }
0xbb: {  	[bflag:$0x3] =	sbarrier.arrive $0xFFFF  }
0xbc: {  	_ =	shalt  }

// kernel: kernel.14.cloned.1.call-start
scs
__scs_entry_jumppad:
0x0: {  	(pc) =	sbr.rel $0x88, $3  }
0x1: {  	(tag) =	ssettag $0x0;
	lr =	simm.s32 $0x1  }
0x2: {  	[smem:$0x3F8C] =	sst lr;
	_ =	strace $0xD0000000  }
0x3: {  	_ = 	snop  }
0x4: {  	_ = 	snop  }
0x5: {  	_ = 	snop  }
0x6: {  	_ = 	snop  }
0x7: {  	_ = 	snop  }
__scs_overlays_trampoline_lowered:
0x8: {  	[smem:$0x3F9B] =	sst s0  }
0x9: {  	[smem:$0x3F9C] =	sst s1  }
0xa: {  	[smem:$0x3F9D] =	sst s2  }
0xb: {  	[smem:$0x3F9E] =	sst s3  }
0xc: {  	[smem:$0x3F9F] =	sst s4  }
0xd: {  	[smem:$0x3FA0] =	sst s5  }
0xe: {  	[smem:$0x3FA1] =	sst s6  }
0xf: {  	[smem:$0x3FA2] =	sst s7  }
0x10: {  	[smem:$0x3FA3] =	sst s8  }
0x11: {  	[smem:$0x3FA4] =	sst s9;
	s0 =	simm.s32 @!p0 $0x0  }
0x12: {  	s1 =	sld [smem:$0x3F8A];
	s0 =	simm.s32 @p0 $0x1  }
0x13: {  	[smem:$0x3FA5] =	sst s0;
	s0 =	simm.s32 @!p1 $0x0  }
0x14: {  	s2 =	sld [smem:$0x3F89];
	s0 =	simm.s32 @p1 $0x1  }
0x15: {  	[smem:$0x3FA6] =	sst s0;
	s0 =	simm.s32 @!p2 $0x0  }
0x16: {  	s3 =	sld [smem:$0x3FDB];
	s0 =	simm.s32 @p2 $0x1  }
0x17: {  	s4 =	simm.s32 $0x1BF5;
	[smem:$0x3FA8] =	sst s0  }
0x18: {  	s0 =	sld [smem:$0x3F8B];
	_ =	swait.ge [sflag:s4], $0x0  }
0x19: {  	s7 =	sld [smem:$0x3F8C]  }
0x1a: {  	s8 =	sadd.s32 $0xFFFFE003, lr  }
0x1b: {  	s9 =	sadd.s32 $0xFFFFFEF7, lr;
	s5 =	simm.s32 $0xFFFFFFFF;
	p2 =	slt.u32 s8, $0xFFFFF086  }
0x1c: {  	p1 =	slt.u32 s9, $0xF7A;
	s5 =	simm.s32 @!p2 $0x0  }
0x1d: {  	s5 =	simm.s32 @p1 $0x1;
	p0 =	seq.s32 s7, s2  }
0x1e: {  	s7 =	smul.u32 @!p0 $0xF7A, s2;
	p2 =	seq.s32 @!p0 s5, $0x0  }
0x1f: {  	s9 =	smul.u32 $0xF7A, s1;
	s8 =	simm.s32 @!p0 $0x1BF5;
	p2 =	por !p2, p0  }
0x20: {  	[sflag:s8] =	ssyncset.s32 @!p0 $0xFFFFF086;
	s6 =	sadd.s32 @!p0 s3, s7;
	s7 =	simm.s32 @!p0 $0x108  }
0x21: {  	s3 =	sadd.s32 s3, s9;
	s6 =	sadd.s32 @!p0 $0x88, s6;
	s7 =	simm.s32 @p2 $0x1082  }
0x22: {  	[simem:s7], [sflag:s8] =	dma.local @!p0 [hbm:s6], $0xF7A  }
0x23: {  	s9 =	sor.u32 $0xD0000000, s2;
	s6 =	simm.s32 $0x108;
	_ =	swait.ge @!p0 [sflag:s8], $0x0  }
0x24: {  	s3 =	sadd.s32 $0x88, s3;
	s6 =	simm.s32 @!p1 $0x1082;
	[sflag:s4] =	ssyncset.s32 $0xFFFFF086  }
0x25: {  	[simem:s6], [sflag:s4] =	dma.local [hbm:s3], $0xF7A  }
0x26: {  	[smem:$0x3F8C] =	sst s1;
	(tag) =	ssettag s2;
	_ =	strace s9  }
0x27: {  	s1 =	sld [smem:$0x3F9C]  }
0x28: {  	s2 =	sld [smem:$0x3F9D]  }
0x29: {  	s4 =	sld [smem:$0x3F9F]  }
0x2a: {  	p0 =	seq.s32 s5, $0x0;
	s5 =	sld [smem:$0x3FA0]  }
0x2b: {  	s6 =	sld [smem:$0x3FA1]  }
0x2c: {  	s7 =	sld [smem:$0x3FA2]  }
0x2d: {  	s3 =	simm.s32 $0x108;
	s8 =	sld [smem:$0x3FA3]  }
0x2e: {  	s3 =	simm.s32 @!p0 $0x1082;
	s9 =	sld [smem:$0x3FA4]  }
0x2f: {  	lr =	sadd.s32 s0, s3;
	s0 =	sld [smem:$0x3F9B]  }
0x30: {  	s3 =	sld [smem:$0x3F9E]  }
0x31: {  	[smem:$0x3FA7] =	sst s10  }
0x32: {  	s10 =	sld [smem:$0x3FA5];
	_ =	sdelay $0x3  }
0x33: {  	p0 =	seq.s32 s10, $0x1;
	s10 =	sld [smem:$0x3FA7];
	_ =	sdelay $0x3  }
0x34: {  	[smem:$0x3FA7] =	sst s10  }
0x35: {  	s10 =	sld [smem:$0x3FA6];
	_ =	sdelay $0x3  }
0x36: {  	p1 =	seq.s32 s10, $0x1;
	s10 =	sld [smem:$0x3FA7];
	_ =	sdelay $0x3  }
0x37: {  	[smem:$0x3FA7] =	sst s10  }
0x38: {  	s10 =	sld [smem:$0x3FA8]  }
0x39: {  	_ = 	snop;
	(pc) =	sbr.ind lr, $3  }
0x3a: {  	_ = 	snop  }
0x3b: {  	_ = 	snop  }
0x3c: {  	p2 =	seq.s32 s10, $0x1;
	s10 =	sld [smem:$0x3FA7]  }
0x3d: {  	_ =	shalt  }
0x3e: {  	_ =	shalt  }
0x3f: {  	_ =	shalt  }
0x40: {  	_ =	shalt  }
0x41: {  	_ =	shalt  }
0x42: {  	_ =	shalt  }
0x43: {  	_ =	shalt  }
0x44: {  	_ =	shalt  }
0x45: {  	_ =	shalt  }
0x46: {  	_ =	shalt  }
0x47: {  	_ =	shalt  }
0x48: {  	_ =	shalt  }
0x49: {  	_ =	shalt  }
0x4a: {  	_ =	shalt  }
0x4b: {  	_ =	shalt  }
0x4c: {  	_ =	shalt  }
0x4d: {  	_ =	shalt  }
0x4e: {  	_ =	shalt  }
0x4f: {  	_ =	shalt  }
0x50: {  	_ =	shalt  }
0x51: {  	_ =	shalt  }
0x52: {  	_ =	shalt  }
0x53: {  	_ =	shalt  }
0x54: {  	_ =	shalt  }
0x55: {  	_ =	shalt  }
0x56: {  	_ =	shalt  }
0x57: {  	_ =	shalt  }
0x58: {  	_ =	shalt  }
0x59: {  	_ =	shalt  }
0x5a: {  	_ =	shalt  }
0x5b: {  	_ =	shalt  }
0x5c: {  	_ =	shalt  }
0x5d: {  	_ =	shalt  }
0x5e: {  	_ =	shalt  }
0x5f: {  	_ =	shalt  }
0x60: {  	_ =	shalt  }
0x61: {  	_ =	shalt  }
0x62: {  	_ =	shalt  }
0x63: {  	_ =	shalt  }
0x64: {  	_ =	shalt  }
0x65: {  	_ =	shalt  }
0x66: {  	_ =	shalt  }
0x67: {  	_ =	shalt  }
0x68: {  	_ =	shalt  }
0x69: {  	_ =	shalt  }
0x6a: {  	_ =	shalt  }
0x6b: {  	_ =	shalt  }
0x6c: {  	_ =	shalt  }
0x6d: {  	_ =	shalt  }
0x6e: {  	_ =	shalt  }
0x6f: {  	_ =	shalt  }
0x70: {  	_ =	shalt  }
0x71: {  	_ =	shalt  }
0x72: {  	_ =	shalt  }
0x73: {  	_ =	shalt  }
0x74: {  	_ =	shalt  }
0x75: {  	_ =	shalt  }
0x76: {  	_ =	shalt  }
0x77: {  	_ =	shalt  }
0x78: {  	_ =	shalt  }
0x79: {  	_ =	shalt  }
0x7a: {  	_ =	shalt  }
0x7b: {  	_ =	shalt  }
0x7c: {  	_ =	shalt  }
0x7d: {  	_ =	shalt  }
0x7e: {  	_ =	shalt  }
0x7f: {  	_ =	shalt  }
0x80: {  	_ =	shalt  }
0x81: {  	_ =	shalt  }
0x82: {  	_ =	shalt  }
0x83: {  	_ =	shalt  }
0x84: {  	_ =	shalt  }
0x85: {  	_ =	shalt  }
0x86: {  	_ =	shalt  }
0x87: {  	_ =	shalt  }
.Lfunc_end0:
.L_simem_size_0:
called_computation.1_lowered:
.L_overlay_start_0:
0x88: {  	s2 =	sld [smem:$0x3FD9]  }
0x89: {  	s3 =	sld [smem:$0x3FFE];
	_ =	sdelay $0x1  }
0x8a: {  	s1 =	srdreg.scid  }
0x8b: {  	s0 =	sand.u32 $0x1, s1  }
0x8c: {  	s14 =	sshll.u32 s0, $0xA;
	s2 =	sadd.s32 s3, s2  }
0x8d: {  	s2 =	sadd.s32 s2, s14  }
0x8e: {  	[smem:$0x3FB3] =	sst s2  }
0x8f: {  	_ = 	snop  }
0x90: {  	s2 =	sld [smem:$0x3FD0];
	_ =	sdelay $0x2  }
0x91: {  	s15 =	simm.s32 $0xA;
	s4 =	simm.s32 $0x10  }
0x92: {  	[smem:s4], [sflag:s15] =	dma.local [hbm:s2], $0x1  }
0x93: {  	_ =	swait.eq [sflag:s15], $0x1  }
0x94: {  	[sflag:s15] =	ssyncset.done $0x0  }
0x95: {  	[sflag:s15] =	ssyncadd.s32 $0xFFFFFFFF  }
0x96: {  	s16 =	sld [smem:$0x10];
	(tm) =	ssettm $0x1  }
0x97: {  	s17 =	sld [smem:$0x3FFB];
	_ =	sdelay $0x3  }
0x98: {  	_ =	strace s17  }
0x99: {  	s3 =	sld [smem:$0x3FFC];
	_ =	sdelay $0x3  }
0x9a: {  	_ =	strace s3  }
0x9b: {  	s3 =	sld [smem:$0x3FFD];
	_ =	sdelay $0x3  }
0x9c: {  	_ =	strace s3  }
0x9d: {  	_ =	strace $0x8FFFFFFF  }
0x9e: {  	s18 =	sld [smem:$0x3FDB];
	_ =	sdelay $0x1  }
0x9f: {  	s19 =	simm.s32 $_scs_section_size  }
0xa0: {  	s5 =	simm.s32 $_size__tile_overlayer_lowered;
	s6 =	simm.s32 $_tile_overlayer_lowered  }
0xa1: {  	s22 =	simm.s32 $0x1BFF;
	s21 =	sshll.u32 s6, $0x1;
	s3 =	sadd.s32 s19, s18  }
0xa2: {  	s7 =	simm.s32 $0x0;
	s20 =	sshll.u32 s5, $0x1;
	s5 =	sadd.s32 s21, s3  }
0xa3: {  	[timem:s7], [sflag:s22] =	dma.local [hbm:s5], s20  }
0xa4: {  	_ =	swait.ge [sflag:s22], s20  }
0xa5: {  	s4 =	ssub.s32 $0x0, s20;
	[sflag:s22] =	ssyncset.done $0x0  }
0xa6: {  	[sflag:s22] =	ssyncadd.s32 s4;
	_ =	sdelay $0x1  }
0xa7: {  	s23 =	simm.s32 $0x1B8B  }
0xa8: {  	_ =	swait.ge [sflag:s23], $0x1  }
0xa9: {  	[sflag:s23] =	ssyncset.done $0x0  }
0xaa: {  	s25 =	simm.s32 $0x1B8E;
	s24 =	sld [smem:$0x3FFE];
	[sflag:s23] =	ssyncadd.s32 $0xFFFFFFFF  }
0xab: {  	s26 =	simm.s32 $execute0_lowered;
	[smem:$0x3FD2] =	sst s25  }
0xac: {  	s5 =	sshll.u32 s26, $0x1;
	_ =	strace $0x80000049;
	[dreg:$0x1] =	wrdreg $0xFFFFFFFF  }
0xad: {  	s28 =	simm.s32 $_size_execute0_lowered;
	s3 =	sadd.s32 s3, s5;
	[dreg:$0x0] =	wrdreg $0x0  }
0xae: {  	s5 =	sshll.u32 s28, $0x1;
	[dreg:$0x2] =	wrdreg s3  }
0xaf: {  	[dreg:$0x3] =	wrdreg s5  }
0xb0: {  	[dreg:$0x4] =	wrdreg $0xC0  }
0xb1: {  	_ =	task [dreg:s7], $0x5FFFF  }
0xb2: {  	[dreg:$0x1] =	wrdreg $0xFFFFFFFF  }
0xb3: {  	[dreg:$0x0] =	wrdreg $0x60  }
0xb4: {  	[dreg:$0x2] =	wrdreg s24  }
0xb5: {  	[dreg:$0x3] =	wrdreg s16  }
0xb6: {  	[dreg:$0x4] =	wrdreg $0x0  }
0xb7: {  	[dreg:$0x5] =	wrdreg $0x9  }
0xb8: {  	_ =	task.clear_ibuf [dreg:s7], $0x6FFFF;
	_ =	strace $0x90000049  }
0xb9: {  	s29 =	simm.s32 $0x9;
	_ =	strace $0x8000004B  }
0xba: {  	_ =	swait.ge [sflag:s29], $0x1  }
0xbb: {  	[sflag:s29] =	ssyncadd.s32 $0xFFFFFFFF  }
0xbc: {  	_ =	strace $0x9000004B  }
0xbd: {  	_ =	sfence  }
0xbe: {  	s30 =	sld [smem:$0x0];
	_ =	sdelay $0x2  }
0xbf: {  	s31 =	sshll.u32 s1, $0xD;
	s1 =	sshrl.u32 s1, $0x2  }
0xc0: {  	s3 =	sand.u32 $0x4000, s31;
	s1 =	sadd.s32 s1, s30  }
0xc1: {  	s0 =	sor.u32 s3, s0;
	s1 =	sshll.u32 s1, $0x11  }
0xc2: {  	s0 =	sor.u32 s1, s0  }
0xc3: {  	s0 =	sadd.s32 $0x8F2B, s0  }
0xc4: {  	[sflag:s0] =	ssyncadd.remote.s32 $0x1  }
0xc5: {  	_ =	sfence.sel $0xFFFF  }
0xc6: {  	[dreg:$0x0] =	wrdreg $0xFFFFFFFF;
	(pc) =	sbr.abs _section_cstart, $3  }
0xc7: {  	[dreg:$0x1] =	wrdreg $0xFFFFFFFF  }
0xc8: {  	_ =	task.clear_ibuf [dreg:s7], $0x2FFFF;
	_ =	strace $0x9FFFFFFF  }
0xc9: {  	(tm) =	ssettm $0x7FFFFFFF  }
tec
execute0_lowered:
.L_overlay_start_1:
0x0: {  	(tag) =	ssettag $0x1  }
0x1: {  	s0 =	rddreg [dreg:$0x0]  }
0x2: {  	s1 =	rddreg [dreg:$0x1]  }
0x3: {  	s2 =	rddreg [dreg:$0x2];
	s3 =	simm.s32 $0x0  }
0x4: {  	s4 =	srdreg.scid;
	s14 =	stileid.u32;
	s28 =	simm.s32 $0x50  }
0x5: {  	s29 =	simm.s32 $0x17D80;
	s30 =	simm.s32 $0x1A580;
	s31 =	simm.s32 $0x1CD80  }
0x6: {  	[smem:$0x7FF] =	sst s3;
	s6 =	sand.u32 $0x1, s4;
	s8 =	smul.u32 $0x13C00, s14  }
0x7: {  	s13 =	sshll.u32 s14, $0x1;
	s4 =	sadd.s32 $0x46800, s0;
	s12 =	smul.u32 $0x4F000, s14  }
0x8: {  	s5 =	sadd.s32 $0x15200, s0;
	s19 =	sshll.u32 s14, $0x6;
	s20 =	smul.u32 $0x4EC0, s14  }
0x9: {  	_ =	strace $0x8000004A;
	s7 =	sor.u32 s6, s13;
	s18 =	smul.u32 $0x13C000, s6  }
0xa: {  	s11 =	ssub.s32 $0x2, s6;
	[dreg:$0x5] =	wrdreg s19;
	s6 =	smul.u32 $0x2760, s6  }
0xb: {  	s9 =	sshll.u32 s7, $0xB;
	s10 =	sshrl.u32 s8, $0x3;
	s15 =	sshrl.u32 s11, $0x1  }
0xc: {  	s17 =	sshrl.u32 s12, $0x2;
	s7 =	smul.u32 $0x2760, s7;
	s13 =	sadd.s32 s9, s0  }
0xd: {  	s0 =	sadd.s32 s10, s0;
	s16 =	ssub.s32 s11, s15;
	s11 =	sadd.s32 s17, s2  }
0xe: {  	s9 =	sor.u32 $0x1C07, s19;
	s6 =	sadd.s32 s6, s20;
	s20 =	simm.s32 $0x17C00  }
0xf: {  	s19 =	simm.s32 $0x2;
	s0 =	sadd.s32 $0x1F000, s0;
	s7 =	sshrl.u32 s7, $0x3  }
0x10: {  	[dreg:$0x6] =	wrdreg s9;
	s21 =	sadd.s32 $0x5200, s13;
	s24 =	sadd.s32 $0x190, s6  }
0x11: {  	s25 =	sadd.s32 $0x140, s6;
	s26 =	smax.u32 s16, $0x1;
	[dreg:$0x4] =	wrdreg s0  }
0x12: {  	s17 =	sadd.s32 $0xF0, s6;
	s6 =	simm.s32 $0x3;
	[dreg:$0x7] =	wrdreg s21  }
0x13: {  	s9 =	sadd.s32 s5, s7;
	s0 =	sadd.s32 s8, s18;
	[dreg:$0xb] =	wrdreg s26  }
0x14: {  	s18 =	sshrl.u32 s11, $0x3;
	s21 =	simm.s32 $0x17C80;
	s22 =	sadd.s32 $0xA, s9  }
0x15: {  	s26 =	simm.s32 $0x7;
	s23 =	sadd.s32 $0x14, s9;
	[dreg:$0x8] =	wrdreg s22  }
0x16: {  	s8 =	simm.s32 $0x0;
	s0 =	sshrl.u32 s0, $0x3;
	[dreg:$0x9] =	wrdreg s23  }
0x17: {  	s0 =	sadd.s32 s1, s0;
	s1 =	sshrl.u32 s25, $0x3;
	s22 =	simm.s32 $0x17D00  }
0x18: {  	s23 =	simm.s32 $0x4;
	s25 =	simm.s32 $0x6;
	[dreg:$0xa] =	wrdreg s0  }
0x19: {  	s0 =	sshrl.u32 s24, $0x3;
	s16 =	sadd.s32 s1, s5;
	s24 =	simm.s32 $0x5  }
0x1a: {  	s1 =	simm.s32 $0x8;
	s15 =	sadd.s32 s0, s5;
	s0 =	simm.s32 $0x1  }
.LBB2_1:
0x1b: {  	s7 =	rddreg [dreg:$0x4]  }
0x1c: {  	s10 =	rddreg [dreg:$0x6]  }
0x1d: {  	[spmem:s18], [sflag:s10] =	dma.local [hbm:s7], $0x2780  }
0x1e: {  	s13 =	simm.s32 $0x13C00;
	s7 =	rddreg [dreg:$0x7]  }
0x1f: {  	[tilespmem:s13], [sflag:$0x4] =	stream.linear.gather [hbm4b:s7+s3], $0x3F00, $0x38;
	[tilespmem:$0x1F580] =	vst v63  }
0x20: {  	_ = 	snop  }
0x21: {  	[tilespmem:s20], [sflag:$0x4] =	stream.linear.gather [hbm4b:s9+s3], $0x50, $0x38;
	[tilespmem:$0x1F580] =	vst v63  }
0x22: {  	s14 =	rddreg [dreg:$0x8]  }
0x23: {  	[tilespmem:s21], [sflag:$0x5] =	stream.linear.gather [hbm4b:s14+s3], $0x50, $0x38;
	[tilespmem:$0x1F580] =	vst v63  }
0x24: {  	s10 =	rddreg [dreg:$0x9]  }
0x25: {  	[tilespmem:s22], [sflag:$0x6] =	stream.linear.gather [hbm4b:s10+s3], $0x50, $0x38;
	[tilespmem:$0x1F580] =	vst v63  }
0x26: {  	_ =	swait.ge [sflag:s23], $0x3F00  }
0x27: {  	[sflag:s23] =	ssyncset.done $0x0  }
0x28: {  	[sflag:s23] =	ssyncadd.s32 $0xFFFFC100  }
0x29: {  	_ =	swait.ge [sflag:s23], $0x50  }
0x2a: {  	[sflag:s23] =	ssyncset.done $0x0  }
0x2b: {  	[sflag:s23] =	ssyncadd.s32 $0xFFFFFFB0  }
0x2c: {  	_ =	swait.ge [sflag:s24], $0x50  }
0x2d: {  	[sflag:s24] =	ssyncset.done $0x0  }
0x2e: {  	[sflag:s24] =	ssyncadd.s32 $0xFFFFFFB0  }
0x2f: {  	_ =	swait.ge [sflag:s25], $0x50  }
0x30: {  	[sflag:s25] =	ssyncset.done $0x0  }
0x31: {  	[sflag:s25] =	ssyncadd.s32 $0xFFFFFFB0  }
0x32: {  	_ =	swait.ge [sflag:s26], $0x2780  }
0x33: {  	[sflag:s26] =	ssyncset.done $0x0  }
0x34: {  	[sflag:s26] =	ssyncadd.s32 $0xFFFFD880  }
0x35: {  	[bflag:$0x0] =	sbarrier.arrive $0xFFFF  }
0x36: {  	[tilespmem:s29], [sflag:$0x1] =	stream.indirect.gather [hbm4b:s4+s28], $0x80, s20, s28, $0xb8;
	[tilespmem:$0x1F580] =	vst v63  }
0x37: {  	_ = 	snop  }
0x38: {  	[tilespmem:s30], [sflag:$0x2] =	stream.indirect.gather [hbm4b:s4+s28], $0x80, s21, s28, $0xb8;
	[tilespmem:$0x1F580] =	vst v63  }
0x39: {  	_ = 	snop  }
0x3a: {  	[tilespmem:s31], [sflag:$0x3] =	stream.indirect.gather [hbm4b:s4+s28], $0x80, s22, s28, $0xb8;
	[tilespmem:$0x1F580] =	vst v63  }
0x3b: {  	_ =	swait.ge [sflag:s0], $0x2800  }
0x3c: {  	s11 =	sshrl.u32 s17, $0x3;
	[sflag:s0] =	ssyncset.done $0x0  }
0x3d: {  	s7 =	sadd.s32 s5, s11;
	[sflag:s0] =	ssyncadd.s32 $0xFFFFD800  }
0x3e: {  	[tilespmem:s20], [sflag:$0x4] =	stream.linear.gather [hbm4b:s7+s3], $0x50, $0x38;
	[tilespmem:$0x1F580] =	vst v63  }
0x3f: {  	s12 =	simm.s32 $0x13C00  }
0x40: {  	[spmem:s2] =	stream.indirect.scatter.add.f32 [tilespmem:s29], [sflag:$0x8], $0x80, s12, s28, $0xb8;
	[tilespmem:$0x1F580] =	vst v63  }
0x41: {  	_ =	swait.ge [sflag:s1], $0x2800  }
0x42: {  	[sflag:s1] =	ssyncset.done $0x0  }
0x43: {  	[sflag:s1] =	ssyncadd.s32 $0xFFFFD800  }
0x44: {  	_ =	swait.ge [sflag:s23], $0x50  }
0x45: {  	[sflag:s23] =	ssyncset.done $0x0  }
0x46: {  	[sflag:s23] =	ssyncadd.s32 $0xFFFFFFB0  }
0x47: {  	[tilespmem:s29], [sflag:$0x1] =	stream.indirect.gather [hbm4b:s4+s28], $0x80, s20, s28, $0xb8;
	[tilespmem:$0x1F580] =	vst v63  }
0x48: {  	_ =	swait.ge [sflag:s19], $0x2800  }
0x49: {  	[sflag:s19] =	ssyncset.done $0x0  }
0x4a: {  	[sflag:s19] =	ssyncadd.s32 $0xFFFFD800  }
0x4b: {  	[tilespmem:s21], [sflag:$0x5] =	stream.linear.gather [hbm4b:s16+s3], $0x50, $0x38;
	[tilespmem:$0x1F580] =	vst v63  }
0x4c: {  	s13 =	simm.s32 $0x13C80  }
0x4d: {  	[spmem:s2] =	stream.indirect.scatter.add.f32 [tilespmem:s30], [sflag:$0x8], $0x80, s13, s28, $0xb8;
	[tilespmem:$0x1F580] =	vst v63  }
0x4e: {  	_ =	swait.ge [sflag:s1], $0x2800  }
0x4f: {  	[sflag:s1] =	ssyncset.done $0x0  }
0x50: {  	[sflag:s1] =	ssyncadd.s32 $0xFFFFD800  }
0x51: {  	_ =	swait.ge [sflag:s24], $0x50  }
0x52: {  	[sflag:s24] =	ssyncset.done $0x0  }
0x53: {  	[sflag:s24] =	ssyncadd.s32 $0xFFFFFFB0  }
0x54: {  	[tilespmem:s30], [sflag:$0x2] =	stream.indirect.gather [hbm4b:s4+s28], $0x80, s21, s28, $0xb8;
	[tilespmem:$0x1F580] =	vst v63  }
0x55: {  	_ =	swait.ge [sflag:s6], $0x2800  }
0x56: {  	[sflag:s6] =	ssyncset.done $0x0  }
0x57: {  	[sflag:s6] =	ssyncadd.s32 $0xFFFFD800  }
0x58: {  	[tilespmem:s22], [sflag:$0x6] =	stream.linear.gather [hbm4b:s15+s3], $0x50, $0x38;
	[tilespmem:$0x1F580] =	vst v63  }
0x59: {  	s14 =	simm.s32 $0x13D00  }
0x5a: {  	[spmem:s2] =	stream.indirect.scatter.add.f32 [tilespmem:s31], [sflag:$0x8], $0x80, s14, s28, $0xb8;
	[tilespmem:$0x1F580] =	vst v63  }
0x5b: {  	_ =	swait.ge [sflag:s1], $0x2800  }
0x5c: {  	[sflag:s1] =	ssyncset.done $0x0  }
0x5d: {  	[sflag:s1] =	ssyncadd.s32 $0xFFFFD800  }
0x5e: {  	_ =	swait.ge [sflag:s25], $0x50  }
0x5f: {  	s11 =	sadd.s32 $0xF0, s17;
	s10 =	simm.s32 $0x600;
	[sflag:s25] =	ssyncset.done $0x0  }
0x60: {  	s7 =	sadd.s32 $0x1E, s15;
	s12 =	sadd.s32 $0x1E, s16;
	[sflag:s25] =	ssyncadd.s32 $0xFFFFFFB0  }
.LBB2_2:
0x61: {  	[tilespmem:s31], [sflag:$0x3] =	stream.indirect.gather [hbm4b:s4+s28], $0x80, s22, s28, $0xb8;
	[tilespmem:$0x1F580] =	vst v63  }
0x62: {  	s13 =	smov.u32 s10  }
0x63: {  	p0 =	sne.s32 s10, $0xF000;
	s10 =	sadd.s32 $0x600, s10;
	_ =	swait.ge [sflag:s0], $0x2800  }
0x64: {  	s14 =	sshrl.u32 s11, $0x3;
	[sflag:s0] =	ssyncset.done $0x0  }
0x65: {  	s14 =	sadd.s32 s5, s14;
	s13 =	sshra.s32 s13, $0x2;
	[sflag:s0] =	ssyncadd.s32 $0xFFFFD800  }
0x66: {  	[tilespmem:s20], [sflag:$0x4] =	stream.linear.gather [hbm4b:s14+s3], $0x50, $0x38;
	[tilespmem:$0x1F580] =	vst v63  }
0x67: {  	s14 =	sadd.s32 $0x13C00, s13  }
0x68: {  	[spmem:s2] =	stream.indirect.scatter.add.f32 [tilespmem:s29], [sflag:$0x8], $0x80, s14, s28, $0xb8;
	[tilespmem:$0x1F580] =	vst v63  }
0x69: {  	_ =	swait.ge [sflag:s1], $0x2800  }
0x6a: {  	[sflag:s1] =	ssyncset.done $0x0  }
0x6b: {  	[sflag:s1] =	ssyncadd.s32 $0xFFFFD800  }
0x6c: {  	_ =	swait.ge [sflag:s23], $0x50  }
0x6d: {  	[sflag:s23] =	ssyncset.done $0x0  }
0x6e: {  	[sflag:s23] =	ssyncadd.s32 $0xFFFFFFB0  }
0x6f: {  	[tilespmem:s29], [sflag:$0x1] =	stream.indirect.gather [hbm4b:s4+s28], $0x80, s20, s28, $0xb8;
	[tilespmem:$0x1F580] =	vst v63  }
0x70: {  	_ =	swait.ge [sflag:s19], $0x2800  }
0x71: {  	[sflag:s19] =	ssyncset.done $0x0  }
0x72: {  	[sflag:s19] =	ssyncadd.s32 $0xFFFFD800  }
0x73: {  	[tilespmem:s21], [sflag:$0x5] =	stream.linear.gather [hbm4b:s12+s3], $0x50, $0x38;
	[tilespmem:$0x1F580] =	vst v63  }
0x74: {  	s14 =	sadd.s32 $0x13C80, s13  }
0x75: {  	[spmem:s2] =	stream.indirect.scatter.add.f32 [tilespmem:s30], [sflag:$0x8], $0x80, s14, s28, $0xb8;
	[tilespmem:$0x1F580] =	vst v63  }
0x76: {  	_ =	swait.ge [sflag:s1], $0x2800  }
0x77: {  	[sflag:s1] =	ssyncset.done $0x0  }
0x78: {  	[sflag:s1] =	ssyncadd.s32 $0xFFFFD800  }
0x79: {  	_ =	swait.ge [sflag:s24], $0x50  }
0x7a: {  	[sflag:s24] =	ssyncset.done $0x0  }
0x7b: {  	[sflag:s24] =	ssyncadd.s32 $0xFFFFFFB0  }
0x7c: {  	[tilespmem:s30], [sflag:$0x2] =	stream.indirect.gather [hbm4b:s4+s28], $0x80, s21, s28, $0xb8;
	[tilespmem:$0x1F580] =	vst v63  }
0x7d: {  	_ =	swait.ge [sflag:s6], $0x2800  }
0x7e: {  	[sflag:s6] =	ssyncset.done $0x0  }
0x7f: {  	[sflag:s6] =	ssyncadd.s32 $0xFFFFD800  }
0x80: {  	[tilespmem:s22], [sflag:$0x6] =	stream.linear.gather [hbm4b:s7+s3], $0x50, $0x38;
	[tilespmem:$0x1F580] =	vst v63  }
0x81: {  	s13 =	sadd.s32 $0x13D00, s13  }
0x82: {  	[spmem:s2] =	stream.indirect.scatter.add.f32 [tilespmem:s31], [sflag:$0x8], $0x80, s13, s28, $0xb8;
	[tilespmem:$0x1F580] =	vst v63  }
0x83: {  	_ =	swait.ge [sflag:s1], $0x2800  }
.Ltmp0:
0x84: {  	[sflag:s1] =	ssyncset.done $0x0;
	(pc) =	sbr.rel @p0 .LBB2_2-.Ltmp0, $4  }
0x85: {  	[sflag:s1] =	ssyncadd.s32 $0xFFFFD800  }
0x86: {  	_ =	swait.ge [sflag:s25], $0x50  }
0x87: {  	s11 =	sadd.s32 $0xF0, s11;
	[sflag:s25] =	ssyncset.done $0x0  }
0x88: {  	s12 =	sadd.s32 $0x1E, s12;
	s7 =	sadd.s32 $0x1E, s7;
	[sflag:s25] =	ssyncadd.s32 $0xFFFFFFB0  }
0x89: {  	[tilespmem:s31], [sflag:$0x3] =	stream.indirect.gather [hbm4b:s4+s28], $0x80, s22, s28, $0xb8;
	[tilespmem:$0x1F580] =	vst v63  }
0x8a: {  	_ =	swait.ge [sflag:s0], $0x2800  }
0x8b: {  	[sflag:s0] =	ssyncset.done $0x0  }
0x8c: {  	s7 =	simm.s32 $0x17980;
	[sflag:s0] =	ssyncadd.s32 $0xFFFFD800  }
0x8d: {  	[spmem:s2] =	stream.indirect.scatter.add.f32 [tilespmem:s29], [sflag:$0x8], $0x80, s7, s28, $0xb8;
	[tilespmem:$0x1F580] =	vst v63  }
0x8e: {  	_ =	swait.ge [sflag:s1], $0x2800  }
0x8f: {  	[sflag:s1] =	ssyncset.done $0x0  }
0x90: {  	[sflag:s1] =	ssyncadd.s32 $0xFFFFD800  }
0x91: {  	_ =	swait.ge [sflag:s19], $0x2800  }
0x92: {  	[sflag:s19] =	ssyncset.done $0x0  }
0x93: {  	s11 =	simm.s32 $0x17A00;
	[sflag:s19] =	ssyncadd.s32 $0xFFFFD800  }
0x94: {  	[spmem:s2] =	stream.indirect.scatter.add.f32 [tilespmem:s30], [sflag:$0x8], $0x80, s11, s28, $0xb8;
	[tilespmem:$0x1F580] =	vst v63  }
0x95: {  	_ =	swait.ge [sflag:s1], $0x2800  }
0x96: {  	[sflag:s1] =	ssyncset.done $0x0  }
0x97: {  	[sflag:s1] =	ssyncadd.s32 $0xFFFFD800  }
0x98: {  	_ =	swait.ge [sflag:s6], $0x2800  }
0x99: {  	[sflag:s6] =	ssyncset.done $0x0  }
0x9a: {  	s12 =	simm.s32 $0x17A80;
	[sflag:s6] =	ssyncadd.s32 $0xFFFFD800  }
0x9b: {  	[spmem:s2] =	stream.indirect.scatter.add.f32 [tilespmem:s31], [sflag:$0x8], $0x80, s12, s28, $0xb8;
	[tilespmem:$0x1F580] =	vst v63  }
0x9c: {  	_ =	swait.ge [sflag:s1], $0x2800  }
0x9d: {  	[sflag:s1] =	ssyncset.done $0x0  }
0x9e: {  	[sflag:s1] =	ssyncadd.s32 $0xFFFFD800  }
0x9f: {  	[bflag:$0x0] =	sbarrier.arrive $0xFFFF  }
0xa0: {  	s13 =	rddreg [dreg:$0x5]  }
0xa1: {  	s10 =	rddreg [dreg:$0xa];
	s7 =	sor.u32 $0x1C08, s13  }
0xa2: {  	[hbm:s10], [sflag:s7] =	dma.local [spmem:s18], $0x2780  }
0xa3: {  	_ =	swait.ge [sflag:s1], $0x2780  }
0xa4: {  	s8 =	sadd.s32 $0x1, s8;
	s14 =	rddreg [dreg:$0xb]  }
0xa5: {  	p0 =	sne.s32 s8, s14  }
.Ltmp1:
0xa6: {  	_ = 	snop;
	(pc) =	sbr.rel @p0 .LBB2_1-.Ltmp1, $3  }
0xa7: {  	_ =	sdelay $0x1  }
0xa8: {  	[sflag:s1] =	ssyncset.done $0x0  }
0xa9: {  	[sflag:s1] =	ssyncadd.s32 $0xFFFFD880  }
0xaa: {  	_ =	sfence.sel $0x180000  }
0xab: {  	[bflag:$0x0] =	sbarrier.arrive $0xFFFF  }
0xac: {  	_ =	strace $0x9000004A  }
0xad: {  	s0 =	stileid.u32;
	[bflag:$0x2] =	sbarrier.arrive $0xFFFF  }
0xae: {  	p0 =	sne.s32 s0, $0x0;
	s0 =	rddreg [dreg:$0x3]  }
0xaf: {  	s0 =	sadd.s32 @!p0 $0x100000, s0  }
0xb0: {  	[sflag:s0] =	ssyncadd.tile.s32 @!p0 $0x1;
	_ =	shalt  }
.Lfunc_end2:
_tile_overlayer_lowered:
.L_overlay_start_2:
0xb1: {  	(tag) =	ssettag $0x2  }
0xb2: {  	s0 =	rddreg [dreg:$0x0];
	s2 =	stileid.u32  }
0xb3: {  	s1 =	rddreg [dreg:$0x1];
	p0 =	sne.s32 s2, $0x0  }
0xb4: {  	s3 =	rddreg [dreg:$0x2];
	[bflag:$0x3] =	sbarrier.arrive $0xFFFF;
	s2 =	simm.s32 @!p0 $0x1C08  }
0xb5: {  	[timem:s3], [sflag:s2] =	dma.local @!p0 [hbm:s0], s1  }
0xb6: {  	s0 =	simm.s32 @!p0 $0x8  }
0xb7: {  	_ =	swait.ge @!p0 [sflag:s0], s1  }
0xb8: {  	s1 =	ssub.s32 @!p0 $0x0, s1;
	[sflag:s0] =	ssyncset.done @!p0 $0x0  }
0xb9: {  	[sflag:s0] =	ssyncadd.s32 @!p0 s1  }
0xba: {  	[bflag:$0x3] =	sbarrier.arrive $0xFFFF  }
0xbb: {  	_ =	shalt  }

// kernel: kernel.17.cloned.1.call-start
scs
__scs_entry_jumppad:
0x0: {  	(pc) =	sbr.rel $0x88, $3  }
0x1: {  	(tag) =	ssettag $0x0;
	lr =	simm.s32 $0x1  }
0x2: {  	[smem:$0x3F8C] =	sst lr;
	_ =	strace $0xD0000000  }
0x3: {  	_ = 	snop  }
0x4: {  	_ = 	snop  }
0x5: {  	_ = 	snop  }
0x6: {  	_ = 	snop  }
0x7: {  	_ = 	snop  }
__scs_overlays_trampoline_lowered:
0x8: {  	[smem:$0x3F9B] =	sst s0  }
0x9: {  	[smem:$0x3F9C] =	sst s1  }
0xa: {  	[smem:$0x3F9D] =	sst s2  }
0xb: {  	[smem:$0x3F9E] =	sst s3  }
0xc: {  	[smem:$0x3F9F] =	sst s4  }
0xd: {  	[smem:$0x3FA0] =	sst s5  }
0xe: {  	[smem:$0x3FA1] =	sst s6  }
0xf: {  	[smem:$0x3FA2] =	sst s7  }
0x10: {  	[smem:$0x3FA3] =	sst s8  }
0x11: {  	[smem:$0x3FA4] =	sst s9;
	s0 =	simm.s32 @!p0 $0x0  }
0x12: {  	s1 =	sld [smem:$0x3F8A];
	s0 =	simm.s32 @p0 $0x1  }
0x13: {  	[smem:$0x3FA5] =	sst s0;
	s0 =	simm.s32 @!p1 $0x0  }
0x14: {  	s2 =	sld [smem:$0x3F89];
	s0 =	simm.s32 @p1 $0x1  }
0x15: {  	[smem:$0x3FA6] =	sst s0;
	s0 =	simm.s32 @!p2 $0x0  }
0x16: {  	s3 =	sld [smem:$0x3FDB];
	s0 =	simm.s32 @p2 $0x1  }
0x17: {  	s4 =	simm.s32 $0x1BF5;
	[smem:$0x3FA8] =	sst s0  }
0x18: {  	s0 =	sld [smem:$0x3F8B];
	_ =	swait.ge [sflag:s4], $0x0  }
0x19: {  	s7 =	sld [smem:$0x3F8C]  }
0x1a: {  	s8 =	sadd.s32 $0xFFFFE003, lr  }
0x1b: {  	s9 =	sadd.s32 $0xFFFFFEF7, lr;
	s5 =	simm.s32 $0xFFFFFFFF;
	p2 =	slt.u32 s8, $0xFFFFF086  }
0x1c: {  	p1 =	slt.u32 s9, $0xF7A;
	s5 =	simm.s32 @!p2 $0x0  }
0x1d: {  	s5 =	simm.s32 @p1 $0x1;
	p0 =	seq.s32 s7, s2  }
0x1e: {  	s7 =	smul.u32 @!p0 $0xF7A, s2;
	p2 =	seq.s32 @!p0 s5, $0x0  }
0x1f: {  	s9 =	smul.u32 $0xF7A, s1;
	s8 =	simm.s32 @!p0 $0x1BF5;
	p2 =	por !p2, p0  }
0x20: {  	[sflag:s8] =	ssyncset.s32 @!p0 $0xFFFFF086;
	s6 =	sadd.s32 @!p0 s3, s7;
	s7 =	simm.s32 @!p0 $0x108  }
0x21: {  	s3 =	sadd.s32 s3, s9;
	s6 =	sadd.s32 @!p0 $0x88, s6;
	s7 =	simm.s32 @p2 $0x1082  }
0x22: {  	[simem:s7], [sflag:s8] =	dma.local @!p0 [hbm:s6], $0xF7A  }
0x23: {  	s9 =	sor.u32 $0xD0000000, s2;
	s6 =	simm.s32 $0x108;
	_ =	swait.ge @!p0 [sflag:s8], $0x0  }
0x24: {  	s3 =	sadd.s32 $0x88, s3;
	s6 =	simm.s32 @!p1 $0x1082;
	[sflag:s4] =	ssyncset.s32 $0xFFFFF086  }
0x25: {  	[simem:s6], [sflag:s4] =	dma.local [hbm:s3], $0xF7A  }
0x26: {  	[smem:$0x3F8C] =	sst s1;
	(tag) =	ssettag s2;
	_ =	strace s9  }
0x27: {  	s1 =	sld [smem:$0x3F9C]  }
0x28: {  	s2 =	sld [smem:$0x3F9D]  }
0x29: {  	s4 =	sld [smem:$0x3F9F]  }
0x2a: {  	p0 =	seq.s32 s5, $0x0;
	s5 =	sld [smem:$0x3FA0]  }
0x2b: {  	s6 =	sld [smem:$0x3FA1]  }
0x2c: {  	s7 =	sld [smem:$0x3FA2]  }
0x2d: {  	s3 =	simm.s32 $0x108;
	s8 =	sld [smem:$0x3FA3]  }
0x2e: {  	s3 =	simm.s32 @!p0 $0x1082;
	s9 =	sld [smem:$0x3FA4]  }
0x2f: {  	lr =	sadd.s32 s0, s3;
	s0 =	sld [smem:$0x3F9B]  }
0x30: {  	s3 =	sld [smem:$0x3F9E]  }
0x31: {  	[smem:$0x3FA7] =	sst s10  }
0x32: {  	s10 =	sld [smem:$0x3FA5];
	_ =	sdelay $0x3  }
0x33: {  	p0 =	seq.s32 s10, $0x1;
	s10 =	sld [smem:$0x3FA7];
	_ =	sdelay $0x3  }
0x34: {  	[smem:$0x3FA7] =	sst s10  }
0x35: {  	s10 =	sld [smem:$0x3FA6];
	_ =	sdelay $0x3  }
0x36: {  	p1 =	seq.s32 s10, $0x1;
	s10 =	sld [smem:$0x3FA7];
	_ =	sdelay $0x3  }
0x37: {  	[smem:$0x3FA7] =	sst s10  }
0x38: {  	s10 =	sld [smem:$0x3FA8]  }
0x39: {  	_ = 	snop;
	(pc) =	sbr.ind lr, $3  }
0x3a: {  	_ = 	snop  }
0x3b: {  	_ = 	snop  }
0x3c: {  	p2 =	seq.s32 s10, $0x1;
	s10 =	sld [smem:$0x3FA7]  }
0x3d: {  	_ =	shalt  }
0x3e: {  	_ =	shalt  }
0x3f: {  	_ =	shalt  }
0x40: {  	_ =	shalt  }
0x41: {  	_ =	shalt  }
0x42: {  	_ =	shalt  }
0x43: {  	_ =	shalt  }
0x44: {  	_ =	shalt  }
0x45: {  	_ =	shalt  }
0x46: {  	_ =	shalt  }
0x47: {  	_ =	shalt  }
0x48: {  	_ =	shalt  }
0x49: {  	_ =	shalt  }
0x4a: {  	_ =	shalt  }
0x4b: {  	_ =	shalt  }
0x4c: {  	_ =	shalt  }
0x4d: {  	_ =	shalt  }
0x4e: {  	_ =	shalt  }
0x4f: {  	_ =	shalt  }
0x50: {  	_ =	shalt  }
0x51: {  	_ =	shalt  }
0x52: {  	_ =	shalt  }
0x53: {  	_ =	shalt  }
0x54: {  	_ =	shalt  }
0x55: {  	_ =	shalt  }
0x56: {  	_ =	shalt  }
0x57: {  	_ =	shalt  }
0x58: {  	_ =	shalt  }
0x59: {  	_ =	shalt  }
0x5a: {  	_ =	shalt  }
0x5b: {  	_ =	shalt  }
0x5c: {  	_ =	shalt  }
0x5d: {  	_ =	shalt  }
0x5e: {  	_ =	shalt  }
0x5f: {  	_ =	shalt  }
0x60: {  	_ =	shalt  }
0x61: {  	_ =	shalt  }
0x62: {  	_ =	shalt  }
0x63: {  	_ =	shalt  }
0x64: {  	_ =	shalt  }
0x65: {  	_ =	shalt  }
0x66: {  	_ =	shalt  }
0x67: {  	_ =	shalt  }
0x68: {  	_ =	shalt  }
0x69: {  	_ =	shalt  }
0x6a: {  	_ =	shalt  }
0x6b: {  	_ =	shalt  }
0x6c: {  	_ =	shalt  }
0x6d: {  	_ =	shalt  }
0x6e: {  	_ =	shalt  }
0x6f: {  	_ =	shalt  }
0x70: {  	_ =	shalt  }
0x71: {  	_ =	shalt  }
0x72: {  	_ =	shalt  }
0x73: {  	_ =	shalt  }
0x74: {  	_ =	shalt  }
0x75: {  	_ =	shalt  }
0x76: {  	_ =	shalt  }
0x77: {  	_ =	shalt  }
0x78: {  	_ =	shalt  }
0x79: {  	_ =	shalt  }
0x7a: {  	_ =	shalt  }
0x7b: {  	_ =	shalt  }
0x7c: {  	_ =	shalt  }
0x7d: {  	_ =	shalt  }
0x7e: {  	_ =	shalt  }
0x7f: {  	_ =	shalt  }
0x80: {  	_ =	shalt  }
0x81: {  	_ =	shalt  }
0x82: {  	_ =	shalt  }
0x83: {  	_ =	shalt  }
0x84: {  	_ =	shalt  }
0x85: {  	_ =	shalt  }
0x86: {  	_ =	shalt  }
0x87: {  	_ =	shalt  }
.Lfunc_end0:
.L_simem_size_0:
called_computation.2_lowered:
.L_overlay_start_0:
0x88: {  	s2 =	sld [smem:$0x3FD9]  }
0x89: {  	s3 =	sld [smem:$0x3FFE];
	_ =	sdelay $0x1  }
0x8a: {  	s1 =	srdreg.scid  }
0x8b: {  	s0 =	sand.u32 $0x1, s1  }
0x8c: {  	s14 =	sshll.u32 s0, $0xA;
	s2 =	sadd.s32 s3, s2  }
0x8d: {  	s2 =	sadd.s32 s2, s14  }
0x8e: {  	[smem:$0x3FB3] =	sst s2  }
0x8f: {  	_ = 	snop  }
0x90: {  	s2 =	sld [smem:$0x3FD0];
	_ =	sdelay $0x2  }
0x91: {  	s15 =	simm.s32 $0xA;
	s4 =	simm.s32 $0x10  }
0x92: {  	[smem:s4], [sflag:s15] =	dma.local [hbm:s2], $0x1  }
0x93: {  	_ =	swait.eq [sflag:s15], $0x1  }
0x94: {  	[sflag:s15] =	ssyncset.done $0x0  }
0x95: {  	[sflag:s15] =	ssyncadd.s32 $0xFFFFFFFF  }
0x96: {  	s16 =	sld [smem:$0x10];
	(tm) =	ssettm $0x1  }
0x97: {  	s17 =	sld [smem:$0x3FFB];
	_ =	sdelay $0x3  }
0x98: {  	_ =	strace s17  }
0x99: {  	s3 =	sld [smem:$0x3FFC];
	_ =	sdelay $0x3  }
0x9a: {  	_ =	strace s3  }
0x9b: {  	s3 =	sld [smem:$0x3FFD];
	_ =	sdelay $0x3  }
0x9c: {  	_ =	strace s3  }
0x9d: {  	_ =	strace $0x8FFFFFFF  }
0x9e: {  	s18 =	sld [smem:$0x3FDB];
	_ =	sdelay $0x1  }
0x9f: {  	s19 =	simm.s32 $_scs_section_size  }
0xa0: {  	s5 =	simm.s32 $_size__tile_overlayer_lowered;
	s6 =	simm.s32 $_tile_overlayer_lowered  }
0xa1: {  	s22 =	simm.s32 $0x1BFF;
	s21 =	sshll.u32 s6, $0x1;
	s3 =	sadd.s32 s19, s18  }
0xa2: {  	s7 =	simm.s32 $0x0;
	s20 =	sshll.u32 s5, $0x1;
	s5 =	sadd.s32 s21, s3  }
0xa3: {  	[timem:s7], [sflag:s22] =	dma.local [hbm:s5], s20  }
0xa4: {  	_ =	swait.ge [sflag:s22], s20  }
0xa5: {  	s4 =	ssub.s32 $0x0, s20;
	[sflag:s22] =	ssyncset.done $0x0  }
0xa6: {  	[sflag:s22] =	ssyncadd.s32 s4;
	_ =	sdelay $0x1  }
0xa7: {  	s23 =	simm.s32 $0x1B8B  }
0xa8: {  	_ =	swait.ge [sflag:s23], $0x1  }
0xa9: {  	[sflag:s23] =	ssyncset.done $0x0  }
0xaa: {  	s25 =	simm.s32 $0x1B8E;
	s24 =	sld [smem:$0x3FFE];
	[sflag:s23] =	ssyncadd.s32 $0xFFFFFFFF  }
0xab: {  	s26 =	simm.s32 $execute0_lowered;
	[smem:$0x3FD2] =	sst s25  }
0xac: {  	s5 =	sshll.u32 s26, $0x1;
	_ =	strace $0x8000004C;
	[dreg:$0x1] =	wrdreg $0xFFFFFFFF  }
0xad: {  	s28 =	simm.s32 $_size_execute0_lowered;
	s3 =	sadd.s32 s3, s5;
	[dreg:$0x0] =	wrdreg $0x0  }
0xae: {  	s5 =	sshll.u32 s28, $0x1;
	[dreg:$0x2] =	wrdreg s3  }
0xaf: {  	[dreg:$0x3] =	wrdreg s5  }
0xb0: {  	[dreg:$0x4] =	wrdreg $0xC0  }
0xb1: {  	_ =	task [dreg:s7], $0x5FFFF  }
0xb2: {  	[dreg:$0x1] =	wrdreg $0xFFFFFFFF  }
0xb3: {  	[dreg:$0x0] =	wrdreg $0x60  }
0xb4: {  	[dreg:$0x2] =	wrdreg s24  }
0xb5: {  	[dreg:$0x3] =	wrdreg s16  }
0xb6: {  	[dreg:$0x4] =	wrdreg $0x0  }
0xb7: {  	[dreg:$0x5] =	wrdreg $0x9  }
0xb8: {  	_ =	task.clear_ibuf [dreg:s7], $0x6FFFF;
	_ =	strace $0x9000004C  }
0xb9: {  	s29 =	simm.s32 $0x9;
	_ =	strace $0x8000004E  }
0xba: {  	_ =	swait.ge [sflag:s29], $0x1  }
0xbb: {  	[sflag:s29] =	ssyncadd.s32 $0xFFFFFFFF  }
0xbc: {  	_ =	strace $0x9000004E  }
0xbd: {  	_ =	sfence  }
0xbe: {  	s30 =	sld [smem:$0x0];
	_ =	sdelay $0x2  }
0xbf: {  	s31 =	sshll.u32 s1, $0xD;
	s1 =	sshrl.u32 s1, $0x2  }
0xc0: {  	s3 =	sand.u32 $0x4000, s31;
	s1 =	sadd.s32 s1, s30  }
0xc1: {  	s0 =	sor.u32 s3, s0;
	s1 =	sshll.u32 s1, $0x11  }
0xc2: {  	s0 =	sor.u32 s1, s0  }
0xc3: {  	s0 =	sadd.s32 $0x8F2B, s0  }
0xc4: {  	[sflag:s0] =	ssyncadd.remote.s32 $0x1  }
0xc5: {  	_ =	sfence.sel $0xFFFF  }
0xc6: {  	[dreg:$0x0] =	wrdreg $0xFFFFFFFF;
	(pc) =	sbr.abs _section_cstart, $3  }
0xc7: {  	[dreg:$0x1] =	wrdreg $0xFFFFFFFF  }
0xc8: {  	_ =	task.clear_ibuf [dreg:s7], $0x2FFFF;
	_ =	strace $0x9FFFFFFF  }
0xc9: {  	(tm) =	ssettm $0x7FFFFFFF  }
tec
execute0_lowered:
.L_overlay_start_1:
0x0: {  	(tag) =	ssettag $0x1  }
0x1: {  	s0 =	rddreg [dreg:$0x0]  }
0x2: {  	s1 =	rddreg [dreg:$0x1]  }
0x3: {  	s2 =	rddreg [dreg:$0x2];
	s3 =	simm.s32 $0x0  }
0x4: {  	s4 =	srdreg.scid;
	s14 =	stileid.u32;
	s28 =	simm.s32 $0x50  }
0x5: {  	s29 =	simm.s32 $0x17D80;
	s30 =	simm.s32 $0x1A580;
	s31 =	simm.s32 $0x1CD80  }
0x6: {  	[smem:$0x7FF] =	sst s3;
	s6 =	sand.u32 $0x1, s4;
	s8 =	smul.u32 $0x13C00, s14  }
0x7: {  	s13 =	sshll.u32 s14, $0x1;
	s4 =	sadd.s32 $0x46800, s0;
	s12 =	smul.u32 $0x4F000, s14  }
0x8: {  	s5 =	sadd.s32 $0x15200, s0;
	s19 =	sshll.u32 s14, $0x6;
	s20 =	smul.u32 $0x4EC0, s14  }
0x9: {  	_ =	strace $0x8000004D;
	s7 =	sor.u32 s6, s13;
	s18 =	smul.u32 $0x13C000, s6  }
0xa: {  	s11 =	ssub.s32 $0x2, s6;
	[dreg:$0x5] =	wrdreg s19;
	s6 =	smul.u32 $0x2760, s6  }
0xb: {  	s9 =	sshll.u32 s7, $0xB;
	s10 =	sshrl.u32 s8, $0x3;
	s15 =	sshrl.u32 s11, $0x1  }
0xc: {  	s17 =	sshrl.u32 s12, $0x2;
	s7 =	smul.u32 $0x2760, s7;
	s13 =	sadd.s32 s9, s0  }
0xd: {  	s0 =	sadd.s32 s10, s0;
	s16 =	ssub.s32 s11, s15;
	s11 =	sadd.s32 s17, s2  }
0xe: {  	s9 =	sor.u32 $0x1C07, s19;
	s6 =	sadd.s32 s6, s20;
	s20 =	simm.s32 $0x17C00  }
0xf: {  	s19 =	simm.s32 $0x2;
	s0 =	sadd.s32 $0x1F000, s0;
	s7 =	sshrl.u32 s7, $0x3  }
0x10: {  	[dreg:$0x6] =	wrdreg s9;
	s21 =	sadd.s32 $0x5200, s13;
	s24 =	sadd.s32 $0x190, s6  }
0x11: {  	s25 =	sadd.s32 $0x140, s6;
	s26 =	smax.u32 s16, $0x1;
	[dreg:$0x4] =	wrdreg s0  }
0x12: {  	s17 =	sadd.s32 $0xF0, s6;
	s6 =	simm.s32 $0x3;
	[dreg:$0x7] =	wrdreg s21  }
0x13: {  	s9 =	sadd.s32 s5, s7;
	s0 =	sadd.s32 s8, s18;
	[dreg:$0xb] =	wrdreg s26  }
0x14: {  	s18 =	sshrl.u32 s11, $0x3;
	s21 =	simm.s32 $0x17C80;
	s22 =	sadd.s32 $0xA, s9  }
0x15: {  	s26 =	simm.s32 $0x7;
	s23 =	sadd.s32 $0x14, s9;
	[dreg:$0x8] =	wrdreg s22  }
0x16: {  	s8 =	simm.s32 $0x0;
	s0 =	sshrl.u32 s0, $0x3;
	[dreg:$0x9] =	wrdreg s23  }
0x17: {  	s0 =	sadd.s32 s1, s0;
	s1 =	sshrl.u32 s25, $0x3;
	s22 =	simm.s32 $0x17D00  }
0x18: {  	s23 =	simm.s32 $0x4;
	s25 =	simm.s32 $0x6;
	[dreg:$0xa] =	wrdreg s0  }
0x19: {  	s0 =	sshrl.u32 s24, $0x3;
	s16 =	sadd.s32 s1, s5;
	s24 =	simm.s32 $0x5  }
0x1a: {  	s1 =	simm.s32 $0x8;
	s15 =	sadd.s32 s0, s5;
	s0 =	simm.s32 $0x1  }
.LBB2_1:
0x1b: {  	s7 =	rddreg [dreg:$0x4]  }
0x1c: {  	s10 =	rddreg [dreg:$0x6]  }
0x1d: {  	[spmem:s18], [sflag:s10] =	dma.local [hbm:s7], $0x2780  }
0x1e: {  	s13 =	simm.s32 $0x13C00;
	s7 =	rddreg [dreg:$0x7]  }
0x1f: {  	[tilespmem:s13], [sflag:$0x4] =	stream.linear.gather [hbm4b:s7+s3], $0x3F00, $0x38;
	[tilespmem:$0x1F580] =	vst v63  }
0x20: {  	_ = 	snop  }
0x21: {  	[tilespmem:s20], [sflag:$0x4] =	stream.linear.gather [hbm4b:s9+s3], $0x50, $0x38;
	[tilespmem:$0x1F580] =	vst v63  }
0x22: {  	s14 =	rddreg [dreg:$0x8]  }
0x23: {  	[tilespmem:s21], [sflag:$0x5] =	stream.linear.gather [hbm4b:s14+s3], $0x50, $0x38;
	[tilespmem:$0x1F580] =	vst v63  }
0x24: {  	s10 =	rddreg [dreg:$0x9]  }
0x25: {  	[tilespmem:s22], [sflag:$0x6] =	stream.linear.gather [hbm4b:s10+s3], $0x50, $0x38;
	[tilespmem:$0x1F580] =	vst v63  }
0x26: {  	_ =	swait.ge [sflag:s23], $0x3F00  }
0x27: {  	[sflag:s23] =	ssyncset.done $0x0  }
0x28: {  	[sflag:s23] =	ssyncadd.s32 $0xFFFFC100  }
0x29: {  	_ =	swait.ge [sflag:s23], $0x50  }
0x2a: {  	[sflag:s23] =	ssyncset.done $0x0  }
0x2b: {  	[sflag:s23] =	ssyncadd.s32 $0xFFFFFFB0  }
0x2c: {  	_ =	swait.ge [sflag:s24], $0x50  }
0x2d: {  	[sflag:s24] =	ssyncset.done $0x0  }
0x2e: {  	[sflag:s24] =	ssyncadd.s32 $0xFFFFFFB0  }
0x2f: {  	_ =	swait.ge [sflag:s25], $0x50  }
0x30: {  	[sflag:s25] =	ssyncset.done $0x0  }
0x31: {  	[sflag:s25] =	ssyncadd.s32 $0xFFFFFFB0  }
0x32: {  	_ =	swait.ge [sflag:s26], $0x2780  }
0x33: {  	[sflag:s26] =	ssyncset.done $0x0  }
0x34: {  	[sflag:s26] =	ssyncadd.s32 $0xFFFFD880  }
0x35: {  	[bflag:$0x0] =	sbarrier.arrive $0xFFFF  }
0x36: {  	[tilespmem:s29], [sflag:$0x1] =	stream.indirect.gather [hbm4b:s4+s28], $0x80, s20, s28, $0xb8;
	[tilespmem:$0x1F580] =	vst v63  }
0x37: {  	_ = 	snop  }
0x38: {  	[tilespmem:s30], [sflag:$0x2] =	stream.indirect.gather [hbm4b:s4+s28], $0x80, s21, s28, $0xb8;
	[tilespmem:$0x1F580] =	vst v63  }
0x39: {  	_ = 	snop  }
0x3a: {  	[tilespmem:s31], [sflag:$0x3] =	stream.indirect.gather [hbm4b:s4+s28], $0x80, s22, s28, $0xb8;
	[tilespmem:$0x1F580] =	vst v63  }
0x3b: {  	_ =	swait.ge [sflag:s0], $0x2800  }
0x3c: {  	s11 =	sshrl.u32 s17, $0x3;
	[sflag:s0] =	ssyncset.done $0x0  }
0x3d: {  	s7 =	sadd.s32 s5, s11;
	[sflag:s0] =	ssyncadd.s32 $0xFFFFD800  }
0x3e: {  	[tilespmem:s20], [sflag:$0x4] =	stream.linear.gather [hbm4b:s7+s3], $0x50, $0x38;
	[tilespmem:$0x1F580] =	vst v63  }
0x3f: {  	s12 =	simm.s32 $0x13C00  }
0x40: {  	[spmem:s2] =	stream.indirect.scatter.add.f32 [tilespmem:s29], [sflag:$0x8], $0x80, s12, s28, $0xb8;
	[tilespmem:$0x1F580] =	vst v63  }
0x41: {  	_ =	swait.ge [sflag:s1], $0x2800  }
0x42: {  	[sflag:s1] =	ssyncset.done $0x0  }
0x43: {  	[sflag:s1] =	ssyncadd.s32 $0xFFFFD800  }
0x44: {  	_ =	swait.ge [sflag:s23], $0x50  }
0x45: {  	[sflag:s23] =	ssyncset.done $0x0  }
0x46: {  	[sflag:s23] =	ssyncadd.s32 $0xFFFFFFB0  }
0x47: {  	[tilespmem:s29], [sflag:$0x1] =	stream.indirect.gather [hbm4b:s4+s28], $0x80, s20, s28, $0xb8;
	[tilespmem:$0x1F580] =	vst v63  }
0x48: {  	_ =	swait.ge [sflag:s19], $0x2800  }
0x49: {  	[sflag:s19] =	ssyncset.done $0x0  }
0x4a: {  	[sflag:s19] =	ssyncadd.s32 $0xFFFFD800  }
0x4b: {  	[tilespmem:s21], [sflag:$0x5] =	stream.linear.gather [hbm4b:s16+s3], $0x50, $0x38;
	[tilespmem:$0x1F580] =	vst v63  }
0x4c: {  	s13 =	simm.s32 $0x13C80  }
0x4d: {  	[spmem:s2] =	stream.indirect.scatter.add.f32 [tilespmem:s30], [sflag:$0x8], $0x80, s13, s28, $0xb8;
	[tilespmem:$0x1F580] =	vst v63  }
0x4e: {  	_ =	swait.ge [sflag:s1], $0x2800  }
0x4f: {  	[sflag:s1] =	ssyncset.done $0x0  }
0x50: {  	[sflag:s1] =	ssyncadd.s32 $0xFFFFD800  }
0x51: {  	_ =	swait.ge [sflag:s24], $0x50  }
0x52: {  	[sflag:s24] =	ssyncset.done $0x0  }
0x53: {  	[sflag:s24] =	ssyncadd.s32 $0xFFFFFFB0  }
0x54: {  	[tilespmem:s30], [sflag:$0x2] =	stream.indirect.gather [hbm4b:s4+s28], $0x80, s21, s28, $0xb8;
	[tilespmem:$0x1F580] =	vst v63  }
0x55: {  	_ =	swait.ge [sflag:s6], $0x2800  }
0x56: {  	[sflag:s6] =	ssyncset.done $0x0  }
0x57: {  	[sflag:s6] =	ssyncadd.s32 $0xFFFFD800  }
0x58: {  	[tilespmem:s22], [sflag:$0x6] =	stream.linear.gather [hbm4b:s15+s3], $0x50, $0x38;
	[tilespmem:$0x1F580] =	vst v63  }
0x59: {  	s14 =	simm.s32 $0x13D00  }
0x5a: {  	[spmem:s2] =	stream.indirect.scatter.add.f32 [tilespmem:s31], [sflag:$0x8], $0x80, s14, s28, $0xb8;
	[tilespmem:$0x1F580] =	vst v63  }
0x5b: {  	_ =	swait.ge [sflag:s1], $0x2800  }
0x5c: {  	[sflag:s1] =	ssyncset.done $0x0  }
0x5d: {  	[sflag:s1] =	ssyncadd.s32 $0xFFFFD800  }
0x5e: {  	_ =	swait.ge [sflag:s25], $0x50  }
0x5f: {  	s11 =	sadd.s32 $0xF0, s17;
	s10 =	simm.s32 $0x600;
	[sflag:s25] =	ssyncset.done $0x0  }
0x60: {  	s7 =	sadd.s32 $0x1E, s15;
	s12 =	sadd.s32 $0x1E, s16;
	[sflag:s25] =	ssyncadd.s32 $0xFFFFFFB0  }
.LBB2_2:
0x61: {  	[tilespmem:s31], [sflag:$0x3] =	stream.indirect.gather [hbm4b:s4+s28], $0x80, s22, s28, $0xb8;
	[tilespmem:$0x1F580] =	vst v63  }
0x62: {  	s13 =	smov.u32 s10  }
0x63: {  	p0 =	sne.s32 s10, $0xF000;
	s10 =	sadd.s32 $0x600, s10;
	_ =	swait.ge [sflag:s0], $0x2800  }
0x64: {  	s14 =	sshrl.u32 s11, $0x3;
	[sflag:s0] =	ssyncset.done $0x0  }
0x65: {  	s14 =	sadd.s32 s5, s14;
	s13 =	sshra.s32 s13, $0x2;
	[sflag:s0] =	ssyncadd.s32 $0xFFFFD800  }
0x66: {  	[tilespmem:s20], [sflag:$0x4] =	stream.linear.gather [hbm4b:s14+s3], $0x50, $0x38;
	[tilespmem:$0x1F580] =	vst v63  }
0x67: {  	s14 =	sadd.s32 $0x13C00, s13  }
0x68: {  	[spmem:s2] =	stream.indirect.scatter.add.f32 [tilespmem:s29], [sflag:$0x8], $0x80, s14, s28, $0xb8;
	[tilespmem:$0x1F580] =	vst v63  }
0x69: {  	_ =	swait.ge [sflag:s1], $0x2800  }
0x6a: {  	[sflag:s1] =	ssyncset.done $0x0  }
0x6b: {  	[sflag:s1] =	ssyncadd.s32 $0xFFFFD800  }
0x6c: {  	_ =	swait.ge [sflag:s23], $0x50  }
0x6d: {  	[sflag:s23] =	ssyncset.done $0x0  }
0x6e: {  	[sflag:s23] =	ssyncadd.s32 $0xFFFFFFB0  }
0x6f: {  	[tilespmem:s29], [sflag:$0x1] =	stream.indirect.gather [hbm4b:s4+s28], $0x80, s20, s28, $0xb8;
	[tilespmem:$0x1F580] =	vst v63  }
0x70: {  	_ =	swait.ge [sflag:s19], $0x2800  }
0x71: {  	[sflag:s19] =	ssyncset.done $0x0  }
0x72: {  	[sflag:s19] =	ssyncadd.s32 $0xFFFFD800  }
0x73: {  	[tilespmem:s21], [sflag:$0x5] =	stream.linear.gather [hbm4b:s12+s3], $0x50, $0x38;
	[tilespmem:$0x1F580] =	vst v63  }
0x74: {  	s14 =	sadd.s32 $0x13C80, s13  }
0x75: {  	[spmem:s2] =	stream.indirect.scatter.add.f32 [tilespmem:s30], [sflag:$0x8], $0x80, s14, s28, $0xb8;
	[tilespmem:$0x1F580] =	vst v63  }
0x76: {  	_ =	swait.ge [sflag:s1], $0x2800  }
0x77: {  	[sflag:s1] =	ssyncset.done $0x0  }
0x78: {  	[sflag:s1] =	ssyncadd.s32 $0xFFFFD800  }
0x79: {  	_ =	swait.ge [sflag:s24], $0x50  }
0x7a: {  	[sflag:s24] =	ssyncset.done $0x0  }
0x7b: {  	[sflag:s24] =	ssyncadd.s32 $0xFFFFFFB0  }
0x7c: {  	[tilespmem:s30], [sflag:$0x2] =	stream.indirect.gather [hbm4b:s4+s28], $0x80, s21, s28, $0xb8;
	[tilespmem:$0x1F580] =	vst v63  }
0x7d: {  	_ =	swait.ge [sflag:s6], $0x2800  }
0x7e: {  	[sflag:s6] =	ssyncset.done $0x0  }
0x7f: {  	[sflag:s6] =	ssyncadd.s32 $0xFFFFD800  }
0x80: {  	[tilespmem:s22], [sflag:$0x6] =	stream.linear.gather [hbm4b:s7+s3], $0x50, $0x38;
	[tilespmem:$0x1F580] =	vst v63  }
0x81: {  	s13 =	sadd.s32 $0x13D00, s13  }
0x82: {  	[spmem:s2] =	stream.indirect.scatter.add.f32 [tilespmem:s31], [sflag:$0x8], $0x80, s13, s28, $0xb8;
	[tilespmem:$0x1F580] =	vst v63  }
0x83: {  	_ =	swait.ge [sflag:s1], $0x2800  }
.Ltmp0:
0x84: {  	[sflag:s1] =	ssyncset.done $0x0;
	(pc) =	sbr.rel @p0 .LBB2_2-.Ltmp0, $4  }
0x85: {  	[sflag:s1] =	ssyncadd.s32 $0xFFFFD800  }
0x86: {  	_ =	swait.ge [sflag:s25], $0x50  }
0x87: {  	s11 =	sadd.s32 $0xF0, s11;
	[sflag:s25] =	ssyncset.done $0x0  }
0x88: {  	s12 =	sadd.s32 $0x1E, s12;
	s7 =	sadd.s32 $0x1E, s7;
	[sflag:s25] =	ssyncadd.s32 $0xFFFFFFB0  }
0x89: {  	[tilespmem:s31], [sflag:$0x3] =	stream.indirect.gather [hbm4b:s4+s28], $0x80, s22, s28, $0xb8;
	[tilespmem:$0x1F580] =	vst v63  }
0x8a: {  	_ =	swait.ge [sflag:s0], $0x2800  }
0x8b: {  	[sflag:s0] =	ssyncset.done $0x0  }
0x8c: {  	s7 =	simm.s32 $0x17980;
	[sflag:s0] =	ssyncadd.s32 $0xFFFFD800  }
0x8d: {  	[spmem:s2] =	stream.indirect.scatter.add.f32 [tilespmem:s29], [sflag:$0x8], $0x80, s7, s28, $0xb8;
	[tilespmem:$0x1F580] =	vst v63  }
0x8e: {  	_ =	swait.ge [sflag:s1], $0x2800  }
0x8f: {  	[sflag:s1] =	ssyncset.done $0x0  }
0x90: {  	[sflag:s1] =	ssyncadd.s32 $0xFFFFD800  }
0x91: {  	_ =	swait.ge [sflag:s19], $0x2800  }
0x92: {  	[sflag:s19] =	ssyncset.done $0x0  }
0x93: {  	s11 =	simm.s32 $0x17A00;
	[sflag:s19] =	ssyncadd.s32 $0xFFFFD800  }
0x94: {  	[spmem:s2] =	stream.indirect.scatter.add.f32 [tilespmem:s30], [sflag:$0x8], $0x80, s11, s28, $0xb8;
	[tilespmem:$0x1F580] =	vst v63  }
0x95: {  	_ =	swait.ge [sflag:s1], $0x2800  }
0x96: {  	[sflag:s1] =	ssyncset.done $0x0  }
0x97: {  	[sflag:s1] =	ssyncadd.s32 $0xFFFFD800  }
0x98: {  	_ =	swait.ge [sflag:s6], $0x2800  }
0x99: {  	[sflag:s6] =	ssyncset.done $0x0  }
0x9a: {  	s12 =	simm.s32 $0x17A80;
	[sflag:s6] =	ssyncadd.s32 $0xFFFFD800  }
0x9b: {  	[spmem:s2] =	stream.indirect.scatter.add.f32 [tilespmem:s31], [sflag:$0x8], $0x80, s12, s28, $0xb8;
	[tilespmem:$0x1F580] =	vst v63  }
0x9c: {  	_ =	swait.ge [sflag:s1], $0x2800  }
0x9d: {  	[sflag:s1] =	ssyncset.done $0x0  }
0x9e: {  	[sflag:s1] =	ssyncadd.s32 $0xFFFFD800  }
0x9f: {  	[bflag:$0x0] =	sbarrier.arrive $0xFFFF  }
0xa0: {  	s13 =	rddreg [dreg:$0x5]  }
0xa1: {  	s10 =	rddreg [dreg:$0xa];
	s7 =	sor.u32 $0x1C08, s13  }
0xa2: {  	[hbm:s10], [sflag:s7] =	dma.local [spmem:s18], $0x2780  }
0xa3: {  	_ =	swait.ge [sflag:s1], $0x2780  }
0xa4: {  	s8 =	sadd.s32 $0x1, s8;
	s14 =	rddreg [dreg:$0xb]  }
0xa5: {  	p0 =	sne.s32 s8, s14  }
.Ltmp1:
0xa6: {  	_ = 	snop;
	(pc) =	sbr.rel @p0 .LBB2_1-.Ltmp1, $3  }
0xa7: {  	_ =	sdelay $0x1  }
0xa8: {  	[sflag:s1] =	ssyncset.done $0x0  }
0xa9: {  	[sflag:s1] =	ssyncadd.s32 $0xFFFFD880  }
0xaa: {  	_ =	sfence.sel $0x180000  }
0xab: {  	[bflag:$0x0] =	sbarrier.arrive $0xFFFF  }
0xac: {  	_ =	strace $0x9000004D  }
0xad: {  	s0 =	stileid.u32;
	[bflag:$0x2] =	sbarrier.arrive $0xFFFF  }
0xae: {  	p0 =	sne.s32 s0, $0x0;
	s0 =	rddreg [dreg:$0x3]  }
0xaf: {  	s0 =	sadd.s32 @!p0 $0x100000, s0  }
0xb0: {  	[sflag:s0] =	ssyncadd.tile.s32 @!p0 $0x1;
	_ =	shalt  }
.Lfunc_end2:
_tile_overlayer_lowered:
.L_overlay_start_2:
0xb1: {  	(tag) =	ssettag $0x2  }
0xb2: {  	s0 =	rddreg [dreg:$0x0];
	s2 =	stileid.u32  }
0xb3: {  	s1 =	rddreg [dreg:$0x1];
	p0 =	sne.s32 s2, $0x0  }
0xb4: {  	s3 =	rddreg [dreg:$0x2];
	[bflag:$0x3] =	sbarrier.arrive $0xFFFF;
	s2 =	simm.s32 @!p0 $0x1C08  }
0xb5: {  	[timem:s3], [sflag:s2] =	dma.local @!p0 [hbm:s0], s1  }
0xb6: {  	s0 =	simm.s32 @!p0 $0x8  }
0xb7: {  	_ =	swait.ge @!p0 [sflag:s0], s1  }
0xb8: {  	s1 =	ssub.s32 @!p0 $0x0, s1;
	[sflag:s0] =	ssyncset.done @!p0 $0x0  }
0xb9: {  	[sflag:s0] =	ssyncadd.s32 @!p0 s1  }
0xba: {  	[bflag:$0x3] =	sbarrier.arrive $0xFFFF  }
0xbb: {  	_ =	shalt  }

</sc_bundles>
